<compile_context>
chip_gen: v7x
topology: tpu7x:2x2x1
jax: 0.10.2.dev20260603
libtpu: 0.0.44.dev20260713+nightly
codegen_flags: <defaults>
</compile_context>

<pallas_src>
import jax
import jax.numpy as jnp
from jax import lax
from jax.experimental import pallas as pl
from jax.experimental.pallas import tpu as pltpu
from jax.experimental.pallas import tpu_sc as plsc

B = 16384
D = 32
L = 16
NC = 2
NS = 16
NW = NC * NS
BPW = B // NW
LANE = 128
SLOTS = 8


def _sc_body(uid_hbm, iid_hbm, ut_hbm, it_hbm, out_hbm,
             uid_v, iid_v, ustage, istage, out_v, tmp_v, sem_u, sem_i):
    wid = lax.axis_index("s") * NC + lax.axis_index("c")
    base = wid * BPW

    pltpu.sync_copy(uid_hbm.at[pl.ds(base, BPW)], uid_v)
    pltpu.sync_copy(iid_hbm.at[pl.ds(base, BPW)], iid_v)

    lanes = lax.iota(jnp.int32, L)
    active_lo = lanes < SLOTS
    zeros = jnp.zeros((L,), jnp.float32)

    def group(g, _):
        uvec = uid_v[pl.ds(g * L, L)]
        ivec = iid_v[pl.ds(g * L, L)]
        url = uvec & (LANE - 1)
        irl = ivec & (LANE - 1)
        svec = lanes & (SLOTS - 1)
        halves = []
        for half in range(2):
            cps = []
            for k in range(SLOTS):
                p = half * SLOTS + k
                ru = pl.multiple_of((uvec[p] >> 7) * LANE, LANE)
                ri = pl.multiple_of((ivec[p] >> 7) * LANE, LANE)
                cps.append(pltpu.async_copy(
                    ut_hbm.at[:, pl.ds(ru, LANE)], ustage.at[k], sem_u))
                cps.append(pltpu.async_copy(
                    it_hbm.at[:, pl.ds(ri, LANE)], istage.at[k], sem_i))
            for cp in cps:
                cp.wait()
            if half == 0:
                rlu, rli = url, irl
            else:
                rlu = plsc.load_gather(uid_v, [g * L + SLOTS + svec]) & (LANE - 1)
                rli = plsc.load_gather(iid_v, [g * L + SLOTS + svec]) & (LANE - 1)
            acc = zeros
            for d in range(D):
                dvec = jnp.full((L,), d, jnp.int32)
                ug = plsc.load_gather(ustage, [svec, dvec, rlu])
                vg = plsc.load_gather(istage, [svec, dvec, rli])
                acc = acc + ug * vg
            halves.append(acc)
        tmp_v[...] = halves[1]
        shifted = plsc.load_gather(tmp_v, [svec])
        out_v[pl.ds(g * L, L)] = jnp.where(active_lo, halves[0], shifted)
        return 0

    lax.fori_loop(0, BPW // L, group, 0)
    pltpu.sync_copy(out_v, out_hbm.at[pl.ds(base, BPW)])


def kernel(user_ids, item_ids, user_table, item_table):
    ut = user_table.T
    it = item_table.T
    mesh = plsc.VectorSubcoreMesh(core_axis_name="c", subcore_axis_name="s")
    f = pl.kernel(
        _sc_body,
        mesh=mesh,
        compiler_params=pltpu.CompilerParams(
            use_tc_tiling_on_sc=True, needs_layout_passes=False),
        out_type=jax.ShapeDtypeStruct((B,), jnp.float32),
        scratch_types=[
            pltpu.VMEM((BPW,), jnp.int32),
            pltpu.VMEM((BPW,), jnp.int32),
            pltpu.VMEM((SLOTS, D, LANE), jnp.float32),
            pltpu.VMEM((SLOTS, D, LANE), jnp.float32),
            pltpu.VMEM((BPW,), jnp.float32),
            pltpu.VMEM((L,), jnp.float32),
            pltpu.SemaphoreType.DMA,
            pltpu.SemaphoreType.DMA,
        ],
    )
    return f(user_ids.astype(jnp.int32), item_ids.astype(jnp.int32), ut, it)

# --- scband reference (transcript-rebuilt; emitter-appended) ---
"""Pipeline reference for scband-matrix-factorization-model-65962107732099 (READ-ONLY COPY).

The authoritative reference and input builder live on the scoring server;
editing this copy changes nothing except your own understanding.
"""

import jax, jax.numpy as jnp
import numpy as np

NUM_USERS = 1000000
NUM_ITEMS = 1000000
EMBED_DIM = 32
BATCH = 16384

def setup_inputs(seed: int = 0) -> dict:
    key = jax.random.key(seed)
    k1, k2, k3, k4 = jax.random.split(key, 4)
    user_ids = jax.random.randint(k1, (BATCH,), 0, NUM_USERS, dtype=jnp.int64 if jax.config.jax_enable_x64 else jnp.int32)
    item_ids = jax.random.randint(k2, (BATCH,), 0, NUM_ITEMS, dtype=jnp.int64 if jax.config.jax_enable_x64 else jnp.int32)
    user_table = jax.random.normal(k3, (NUM_USERS, EMBED_DIM), dtype=jnp.float32) * 0.01
    item_table = jax.random.normal(k4, (NUM_ITEMS, EMBED_DIM), dtype=jnp.float32) * 0.01
    return {"user_ids": user_ids, "item_ids": item_ids, "user_table": user_table, "item_table": item_table}

def reference(user_ids, item_ids, user_table, item_table):
    # embedding lookups (gather)
    u = jnp.take(user_table, user_ids, axis=0)   # [B, D]
    v = jnp.take(item_table, item_ids, axis=0)   # [B, D]
    # dot-product prediction per (user, item) pair
    return jnp.sum(u * v, axis=-1)               # [B]

if __name__ == "__main__":
    import jax
    _d = setup_inputs()
    print(jax.jit(kernel)(*tuple(_d.values())))

</pallas_src>

<mosaic_0001>
#map = affine_map<(d0, d1) -> (0)>
#map1 = affine_map<(d0, d1) -> (0, 0)>
module attributes {stable_mosaic.version = 14 : i64} {
  func.func @_sc_body(%arg0: i32, %arg1: i32, %arg2: memref<16384xi32, #tpu.memory_space<hbm>>, %arg3: memref<16384xi32, #tpu.memory_space<hbm>>, %arg4: memref<32x1000000xf32, #tpu.memory_space<hbm>>, %arg5: memref<32x1000000xf32, #tpu.memory_space<hbm>>, %arg6: memref<16384xf32, #tpu.memory_space<hbm>>, %arg7: memref<512xi32, #tpu.memory_space<vmem>>, %arg8: memref<512xi32, #tpu.memory_space<vmem>>, %arg9: memref<8x32x128xf32, #tpu.memory_space<vmem>>, %arg10: memref<8x32x128xf32, #tpu.memory_space<vmem>>, %arg11: memref<512xf32, #tpu.memory_space<vmem>>, %arg12: memref<16xf32, #tpu.memory_space<vmem>>, %arg13: memref<!tpu.dma_semaphore, #tpu.memory_space<semaphore_mem>>, %arg14: memref<!tpu.dma_semaphore, #tpu.memory_space<semaphore_mem>>) attributes {dimension_semantics = [#tpu.dimension_semantics<core_parallel>, #tpu.dimension_semantics<subcore_parallel>], iteration_bounds = array<i64: 2, 16>, scalar_prefetch = 0 : i64, scratch_operands = 8 : i64, tpu.core_type = #tpu.core_type<sc_vector_subcore>, window_params = [{transform_indices = #map}, {transform_indices = #map}, {transform_indices = #map1}, {transform_indices = #map1}, {transform_indices = #map}]} {
    %mul3A = arith.constant 2 : i32
    %mul3A_0 = arith.muli %arg1, %mul3A : i32
    %add3A = arith.addi %mul3A_0, %arg0 : i32
    %mul3A_1 = arith.constant 512 : i32
    %mul3A_2 = arith.muli %add3A, %mul3A_1 : i32
    "tpu.region"() ({
      %run_scoped3A = tpu.sem_alloc : memref<!tpu.dma_semaphore, #tpu.memory_space<semaphore_mem>>
      %dma_start3A = tpu.memref_slice %arg2[%mul3A_2] : memref<16384xi32, #tpu.memory_space<hbm>> -> memref<512xi32, #tpu.memory_space<hbm>>
      %dma_start3A_12 = tpu.memref_slice %arg2[%mul3A_2] : memref<16384xi32, #tpu.memory_space<hbm>> -> memref<512xi32, #tpu.memory_space<hbm>>
      tpu.enqueue_dma source(%dma_start3A_12 : memref<512xi32, #tpu.memory_space<hbm>>) target(%arg7 : memref<512xi32, #tpu.memory_space<vmem>>) target_semaphore(%run_scoped3A : memref<!tpu.dma_semaphore, #tpu.memory_space<semaphore_mem>>)
      %dma_wait3A = tpu.memref_slice %arg2[%mul3A_2] : memref<16384xi32, #tpu.memory_space<hbm>> -> memref<512xi32, #tpu.memory_space<hbm>>
      %dma_wait3A_13 = tpu.memref_slice %arg2[%mul3A_2] : memref<16384xi32, #tpu.memory_space<hbm>> -> memref<512xi32, #tpu.memory_space<hbm>>
      tpu.wait_dma2 semaphore(%run_scoped3A : memref<!tpu.dma_semaphore, #tpu.memory_space<semaphore_mem>>) src(%dma_wait3A_13 : memref<512xi32, #tpu.memory_space<hbm>>) dst(%arg7 : memref<512xi32, #tpu.memory_space<vmem>>)
      tpu.yield
    }) : () -> ()
    "tpu.region"() ({
      %run_scoped3A = tpu.sem_alloc : memref<!tpu.dma_semaphore, #tpu.memory_space<semaphore_mem>>
      %dma_start3A = tpu.memref_slice %arg3[%mul3A_2] : memref<16384xi32, #tpu.memory_space<hbm>> -> memref<512xi32, #tpu.memory_space<hbm>>
      %dma_start3A_12 = tpu.memref_slice %arg3[%mul3A_2] : memref<16384xi32, #tpu.memory_space<hbm>> -> memref<512xi32, #tpu.memory_space<hbm>>
      tpu.enqueue_dma source(%dma_start3A_12 : memref<512xi32, #tpu.memory_space<hbm>>) target(%arg8 : memref<512xi32, #tpu.memory_space<vmem>>) target_semaphore(%run_scoped3A : memref<!tpu.dma_semaphore, #tpu.memory_space<semaphore_mem>>)
      %dma_wait3A = tpu.memref_slice %arg3[%mul3A_2] : memref<16384xi32, #tpu.memory_space<hbm>> -> memref<512xi32, #tpu.memory_space<hbm>>
      %dma_wait3A_13 = tpu.memref_slice %arg3[%mul3A_2] : memref<16384xi32, #tpu.memory_space<hbm>> -> memref<512xi32, #tpu.memory_space<hbm>>
      tpu.wait_dma2 semaphore(%run_scoped3A : memref<!tpu.dma_semaphore, #tpu.memory_space<semaphore_mem>>) src(%dma_wait3A_13 : memref<512xi32, #tpu.memory_space<hbm>>) dst(%arg8 : memref<512xi32, #tpu.memory_space<vmem>>)
      tpu.yield
    }) : () -> ()
    %iota3A = tpu.iota {dimensions = array<i32: 0>} : vector<16xi32>
    %lt3A = arith.constant 8 : i32
    %lt3A_3 = vector.broadcast %lt3A : i32 to vector<16xi32>
    %lt3A_4 = arith.cmpi slt, %iota3A, %lt3A_3 : vector<16xi32>
    %broadcast_in_dim3A = arith.constant 0.000000e+00 : f32
    %broadcast_in_dim3A_5 = vector.broadcast %broadcast_in_dim3A : f32 to vector<16xf32>
    %scan3A = arith.constant 0 : i32
    %scan3A_6 = arith.constant 0 : i32
    %scan3A_7 = arith.constant 32 : i32
    %scan3A_8 = arith.addi %scan3A_6, %scan3A_7 : i32
    %scan3A_9 = arith.constant 1 : i32
    %scan3A_10 = scf.for %scan3A_12 = %scan3A_6 to %scan3A_8 step %scan3A_9 iter_args(%scan3A_13 = %scan3A) -> (i32)  : i32 {
      %mul3A_14 = arith.constant 16 : i32
      %mul3A_15 = arith.muli %scan3A_12, %mul3A_14 : i32
      %get3A = arith.index_cast %mul3A_15 : i32 to index
      %get3A_16 = tpu.vector_load %arg7[%get3A] {strides = array<i32>} : memref<512xi32, #tpu.memory_space<vmem>>, vector<16xi32>,
      %mul3A_17 = arith.constant 16 : i32
      %mul3A_18 = arith.muli %scan3A_12, %mul3A_17 : i32
      %get3A_19 = arith.index_cast %mul3A_18 : i32 to index
      %get3A_20 = tpu.vector_load %arg8[%get3A_19] {strides = array<i32>} : memref<512xi32, #tpu.memory_space<vmem>>, vector<16xi32>,
      %and3A = arith.constant 127 : i32
      %and3A_21 = vector.broadcast %and3A : i32 to vector<16xi32>
      %and3A_22 = arith.andi %get3A_16, %and3A_21 : vector<16xi32>
      %and3A_23 = arith.constant 127 : i32
      %and3A_24 = vector.broadcast %and3A_23 : i32 to vector<16xi32>
      %and3A_25 = arith.andi %get3A_20, %and3A_24 : vector<16xi32>
      %and3A_26 = arith.constant 7 : i32
      %and3A_27 = vector.broadcast %and3A_26 : i32 to vector<16xi32>
      %and3A_28 = arith.andi %iota3A, %and3A_27 : vector<16xi32>
      %slice3A = vector.extract_strided_slice %get3A_16 {offsets = [0], sizes = [1], strides = [1]} : vector<16xi32> to vector<1xi32>
      %squeeze3A = vector.extract %slice3A[0] : i32 from vector<1xi32>
      %shift_right_arithmetic3A = arith.constant 7 : i32
      %shift_right_arithmetic3A_29 = arith.shrsi %squeeze3A, %shift_right_arithmetic3A : i32
      %mul3A_30 = arith.constant 128 : i32
      %mul3A_31 = arith.muli %shift_right_arithmetic3A_29, %mul3A_30 : i32
      %multiple_of3A = tpu.assume_multiple %mul3A_31, 128 : i32
      %slice3A_32 = vector.extract_strided_slice %get3A_20 {offsets = [0], sizes = [1], strides = [1]} : vector<16xi32> to vector<1xi32>
      %squeeze3A_33 = vector.extract %slice3A_32[0] : i32 from vector<1xi32>
      %shift_right_arithmetic3A_34 = arith.constant 7 : i32
      %shift_right_arithmetic3A_35 = arith.shrsi %squeeze3A_33, %shift_right_arithmetic3A_34 : i32
      %mul3A_36 = arith.constant 128 : i32
      %mul3A_37 = arith.muli %shift_right_arithmetic3A_35, %mul3A_36 : i32
      %multiple_of3A_38 = tpu.assume_multiple %mul3A_37, 128 : i32
      %dma_start3A = arith.constant 0 : i32
      %dma_start3A_39 = arith.constant 0 : i32
      %dma_start3A_40 = arith.constant 0 : i32
      %dma_start3A_41 = tpu.memref_slice %arg9[%dma_start3A, %dma_start3A_39, %dma_start3A_40] : memref<8x32x128xf32, #tpu.memory_space<vmem>> -> memref<1x32x128xf32, #tpu.memory_space<vmem>>
      %dma_start3A_42 = tpu.memref_squeeze %dma_start3A_41 : memref<1x32x128xf32, #tpu.memory_space<vmem>> -> memref<32x128xf32, #tpu.memory_space<vmem>>
      %dma_start3A_43 = arith.constant 0 : i32
      %dma_start3A_44 = tpu.memref_slice %arg4[%dma_start3A_43, %multiple_of3A] : memref<32x1000000xf32, #tpu.memory_space<hbm>> -> memref<32x128xf32, #tpu.memory_space<hbm>>
      %dma_start3A_45 = arith.constant 0 : i32
      %dma_start3A_46 = arith.constant 0 : i32
      %dma_start3A_47 = tpu.memref_slice %arg9[%dma_start3A, %dma_start3A_45, %dma_start3A_46] : memref<8x32x128xf32, #tpu.memory_space<vmem>> -> memref<1x32x128xf32, #tpu.memory_space<vmem>>
      %dma_start3A_48 = tpu.memref_squeeze %dma_start3A_47 : memref<1x32x128xf32, #tpu.memory_space<vmem>> -> memref<32x128xf32, #tpu.memory_space<vmem>>
      %dma_start3A_49 = arith.constant 0 : i32
      %dma_start3A_50 = tpu.memref_slice %arg4[%dma_start3A_49, %multiple_of3A] : memref<32x1000000xf32, #tpu.memory_space<hbm>> -> memref<32x128xf32, #tpu.memory_space<hbm>>
      tpu.enqueue_dma source(%dma_start3A_50 : memref<32x128xf32, #tpu.memory_space<hbm>>) target(%dma_start3A_48 : memref<32x128xf32, #tpu.memory_space<vmem>>) target_semaphore(%arg13 : memref<!tpu.dma_semaphore, #tpu.memory_space<semaphore_mem>>)
      %dma_start3A_51 = arith.constant 0 : i32
      %dma_start3A_52 = arith.constant 0 : i32
      %dma_start3A_53 = arith.constant 0 : i32
      %dma_start3A_54 = tpu.memref_slice %arg10[%dma_start3A_51, %dma_start3A_52, %dma_start3A_53] : memref<8x32x128xf32, #tpu.memory_space<vmem>> -> memref<1x32x128xf32, #tpu.memory_space<vmem>>
      %dma_start3A_55 = tpu.memref_squeeze %dma_start3A_54 : memref<1x32x128xf32, #tpu.memory_space<vmem>> -> memref<32x128xf32, #tpu.memory_space<vmem>>
      %dma_start3A_56 = arith.constant 0 : i32
      %dma_start3A_57 = tpu.memref_slice %arg5[%dma_start3A_56, %multiple_of3A_38] : memref<32x1000000xf32, #tpu.memory_space<hbm>> -> memref<32x128xf32, #tpu.memory_space<hbm>>
      %dma_start3A_58 = arith.constant 0 : i32
      %dma_start3A_59 = arith.constant 0 : i32
      %dma_start3A_60 = tpu.memref_slice %arg10[%dma_start3A_51, %dma_start3A_58, %dma_start3A_59] : memref<8x32x128xf32, #tpu.memory_space<vmem>> -> memref<1x32x128xf32, #tpu.memory_space<vmem>>
      %dma_start3A_61 = tpu.memref_squeeze %dma_start3A_60 : memref<1x32x128xf32, #tpu.memory_space<vmem>> -> memref<32x128xf32, #tpu.memory_space<vmem>>
      %dma_start3A_62 = arith.constant 0 : i32
      %dma_start3A_63 = tpu.memref_slice %arg5[%dma_start3A_62, %multiple_of3A_38] : memref<32x1000000xf32, #tpu.memory_space<hbm>> -> memref<32x128xf32, #tpu.memory_space<hbm>>
      tpu.enqueue_dma source(%dma_start3A_63 : memref<32x128xf32, #tpu.memory_space<hbm>>) target(%dma_start3A_61 : memref<32x128xf32, #tpu.memory_space<vmem>>) target_semaphore(%arg14 : memref<!tpu.dma_semaphore, #tpu.memory_space<semaphore_mem>>)
      %slice3A_64 = vector.extract_strided_slice %get3A_16 {offsets = [1], sizes = [1], strides = [1]} : vector<16xi32> to vector<1xi32>
      %squeeze3A_65 = vector.extract %slice3A_64[0] : i32 from vector<1xi32>
      %shift_right_arithmetic3A_66 = arith.constant 7 : i32
      %shift_right_arithmetic3A_67 = arith.shrsi %squeeze3A_65, %shift_right_arithmetic3A_66 : i32
      %mul3A_68 = arith.constant 128 : i32
      %mul3A_69 = arith.muli %shift_right_arithmetic3A_67, %mul3A_68 : i32
      %multiple_of3A_70 = tpu.assume_multiple %mul3A_69, 128 : i32
      %slice3A_71 = vector.extract_strided_slice %get3A_20 {offsets = [1], sizes = [1], strides = [1]} : vector<16xi32> to vector<1xi32>
      %squeeze3A_72 = vector.extract %slice3A_71[0] : i32 from vector<1xi32>
      %shift_right_arithmetic3A_73 = arith.constant 7 : i32
      %shift_right_arithmetic3A_74 = arith.shrsi %squeeze3A_72, %shift_right_arithmetic3A_73 : i32
      %mul3A_75 = arith.constant 128 : i32
      %mul3A_76 = arith.muli %shift_right_arithmetic3A_74, %mul3A_75 : i32
      %multiple_of3A_77 = tpu.assume_multiple %mul3A_76, 128 : i32
      %dma_start3A_78 = arith.constant 1 : i32
      %dma_start3A_79 = arith.constant 0 : i32
      %dma_start3A_80 = arith.constant 0 : i32
      %dma_start3A_81 = tpu.memref_slice %arg9[%dma_start3A_78, %dma_start3A_79, %dma_start3A_80] : memref<8x32x128xf32, #tpu.memory_space<vmem>> -> memref<1x32x128xf32, #tpu.memory_space<vmem>>
      %dma_start3A_82 = tpu.memref_squeeze %dma_start3A_81 : memref<1x32x128xf32, #tpu.memory_space<vmem>> -> memref<32x128xf32, #tpu.memory_space<vmem>>
      %dma_start3A_83 = arith.constant 0 : i32
      %dma_start3A_84 = tpu.memref_slice %arg4[%dma_start3A_83, %multiple_of3A_70] : memref<32x1000000xf32, #tpu.memory_space<hbm>> -> memref<32x128xf32, #tpu.memory_space<hbm>>
      %dma_start3A_85 = arith.constant 0 : i32
      %dma_start3A_86 = arith.constant 0 : i32
      %dma_start3A_87 = tpu.memref_slice %arg9[%dma_start3A_78, %dma_start3A_85, %dma_start3A_86] : memref<8x32x128xf32, #tpu.memory_space<vmem>> -> memref<1x32x128xf32, #tpu.memory_space<vmem>>
      %dma_start3A_88 = tpu.memref_squeeze %dma_start3A_87 : memref<1x32x128xf32, #tpu.memory_space<vmem>> -> memref<32x128xf32, #tpu.memory_space<vmem>>
      %dma_start3A_89 = arith.constant 0 : i32
      %dma_start3A_90 = tpu.memref_slice %arg4[%dma_start3A_89, %multiple_of3A_70] : memref<32x1000000xf32, #tpu.memory_space<hbm>> -> memref<32x128xf32, #tpu.memory_space<hbm>>
      tpu.enqueue_dma source(%dma_start3A_90 : memref<32x128xf32, #tpu.memory_space<hbm>>) target(%dma_start3A_88 : memref<32x128xf32, #tpu.memory_space<vmem>>) target_semaphore(%arg13 : memref<!tpu.dma_semaphore, #tpu.memory_space<semaphore_mem>>)
      %dma_start3A_91 = arith.constant 1 : i32
      %dma_start3A_92 = arith.constant 0 : i32
      %dma_start3A_93 = arith.constant 0 : i32
      %dma_start3A_94 = tpu.memref_slice %arg10[%dma_start3A_91, %dma_start3A_92, %dma_start3A_93] : memref<8x32x128xf32, #tpu.memory_space<vmem>> -> memref<1x32x128xf32, #tpu.memory_space<vmem>>
      %dma_start3A_95 = tpu.memref_squeeze %dma_start3A_94 : memref<1x32x128xf32, #tpu.memory_space<vmem>> -> memref<32x128xf32, #tpu.memory_space<vmem>>
      %dma_start3A_96 = arith.constant 0 : i32
      %dma_start3A_97 = tpu.memref_slice %arg5[%dma_start3A_96, %multiple_of3A_77] : memref<32x1000000xf32, #tpu.memory_space<hbm>> -> memref<32x128xf32, #tpu.memory_space<hbm>>
      %dma_start3A_98 = arith.constant 0 : i32
      %dma_start3A_99 = arith.constant 0 : i32
      %dma_start3A_100 = tpu.memref_slice %arg10[%dma_start3A_91, %dma_start3A_98, %dma_start3A_99] : memref<8x32x128xf32, #tpu.memory_space<vmem>> -> memref<1x32x128xf32, #tpu.memory_space<vmem>>
      %dma_start3A_101 = tpu.memref_squeeze %dma_start3A_100 : memref<1x32x128xf32, #tpu.memory_space<vmem>> -> memref<32x128xf32, #tpu.memory_space<vmem>>
      %dma_start3A_102 = arith.constant 0 : i32
      %dma_start3A_103 = tpu.memref_slice %arg5[%dma_start3A_102, %multiple_of3A_77] : memref<32x1000000xf32, #tpu.memory_space<hbm>> -> memref<32x128xf32, #tpu.memory_space<hbm>>
      tpu.enqueue_dma source(%dma_start3A_103 : memref<32x128xf32, #tpu.memory_space<hbm>>) target(%dma_start3A_101 : memref<32x128xf32, #tpu.memory_space<vmem>>) target_semaphore(%arg14 : memref<!tpu.dma_semaphore, #tpu.memory_space<semaphore_mem>>)
      %slice3A_104 = vector.extract_strided_slice %get3A_16 {offsets = [2], sizes = [1], strides = [1]} : vector<16xi32> to vector<1xi32>
      %squeeze3A_105 = vector.extract %slice3A_104[0] : i32 from vector<1xi32>
      %shift_right_arithmetic3A_106 = arith.constant 7 : i32
      %shift_right_arithmetic3A_107 = arith.shrsi %squeeze3A_105, %shift_right_arithmetic3A_106 : i32
      %mul3A_108 = arith.constant 128 : i32
      %mul3A_109 = arith.muli %shift_right_arithmetic3A_107, %mul3A_108 : i32
      %multiple_of3A_110 = tpu.assume_multiple %mul3A_109, 128 : i32
      %slice3A_111 = vector.extract_strided_slice %get3A_20 {offsets = [2], sizes = [1], strides = [1]} : vector<16xi32> to vector<1xi32>
      %squeeze3A_112 = vector.extract %slice3A_111[0] : i32 from vector<1xi32>
      %shift_right_arithmetic3A_113 = arith.constant 7 : i32
      %shift_right_arithmetic3A_114 = arith.shrsi %squeeze3A_112, %shift_right_arithmetic3A_113 : i32
      %mul3A_115 = arith.constant 128 : i32
      %mul3A_116 = arith.muli %shift_right_arithmetic3A_114, %mul3A_115 : i32
      %multiple_of3A_117 = tpu.assume_multiple %mul3A_116, 128 : i32
      %dma_start3A_118 = arith.constant 2 : i32
      %dma_start3A_119 = arith.constant 0 : i32
      %dma_start3A_120 = arith.constant 0 : i32
      %dma_start3A_121 = tpu.memref_slice %arg9[%dma_start3A_118, %dma_start3A_119, %dma_start3A_120] : memref<8x32x128xf32, #tpu.memory_space<vmem>> -> memref<1x32x128xf32, #tpu.memory_space<vmem>>
      %dma_start3A_122 = tpu.memref_squeeze %dma_start3A_121 : memref<1x32x128xf32, #tpu.memory_space<vmem>> -> memref<32x128xf32, #tpu.memory_space<vmem>>
      %dma_start3A_123 = arith.constant 0 : i32
      %dma_start3A_124 = tpu.memref_slice %arg4[%dma_start3A_123, %multiple_of3A_110] : memref<32x1000000xf32, #tpu.memory_space<hbm>> -> memref<32x128xf32, #tpu.memory_space<hbm>>
      %dma_start3A_125 = arith.constant 0 : i32
      %dma_start3A_126 = arith.constant 0 : i32
      %dma_start3A_127 = tpu.memref_slice %arg9[%dma_start3A_118, %dma_start3A_125, %dma_start3A_126] : memref<8x32x128xf32, #tpu.memory_space<vmem>> -> memref<1x32x128xf32, #tpu.memory_space<vmem>>
      %dma_start3A_128 = tpu.memref_squeeze %dma_start3A_127 : memref<1x32x128xf32, #tpu.memory_space<vmem>> -> memref<32x128xf32, #tpu.memory_space<vmem>>
      %dma_start3A_129 = arith.constant 0 : i32
      %dma_start3A_130 = tpu.memref_slice %arg4[%dma_start3A_129, %multiple_of3A_110] : memref<32x1000000xf32, #tpu.memory_space<hbm>> -> memref<32x128xf32, #tpu.memory_space<hbm>>
      tpu.enqueue_dma source(%dma_start3A_130 : memref<32x128xf32, #tpu.memory_space<hbm>>) target(%dma_start3A_128 : memref<32x128xf32, #tpu.memory_space<vmem>>) target_semaphore(%arg13 : memref<!tpu.dma_semaphore, #tpu.memory_space<semaphore_mem>>)
      %dma_start3A_131 = arith.constant 2 : i32
      %dma_start3A_132 = arith.constant 0 : i32
      %dma_start3A_133 = arith.constant 0 : i32
      %dma_start3A_134 = tpu.memref_slice %arg10[%dma_start3A_131, %dma_start3A_132, %dma_start3A_133] : memref<8x32x128xf32, #tpu.memory_space<vmem>> -> memref<1x32x128xf32, #tpu.memory_space<vmem>>
      %dma_start3A_135 = tpu.memref_squeeze %dma_start3A_134 : memref<1x32x128xf32, #tpu.memory_space<vmem>> -> memref<32x128xf32, #tpu.memory_space<vmem>>
      %dma_start3A_136 = arith.constant 0 : i32
      %dma_start3A_137 = tpu.memref_slice %arg5[%dma_start3A_136, %multiple_of3A_117] : memref<32x1000000xf32, #tpu.memory_space<hbm>> -> memref<32x128xf32, #tpu.memory_space<hbm>>
      %dma_start3A_138 = arith.constant 0 : i32
      %dma_start3A_139 = arith.constant 0 : i32
      %dma_start3A_140 = tpu.memref_slice %arg10[%dma_start3A_131, %dma_start3A_138, %dma_start3A_139] : memref<8x32x128xf32, #tpu.memory_space<vmem>> -> memref<1x32x128xf32, #tpu.memory_space<vmem>>
      %dma_start3A_141 = tpu.memref_squeeze %dma_start3A_140 : memref<1x32x128xf32, #tpu.memory_space<vmem>> -> memref<32x128xf32, #tpu.memory_space<vmem>>
      %dma_start3A_142 = arith.constant 0 : i32
      %dma_start3A_143 = tpu.memref_slice %arg5[%dma_start3A_142, %multiple_of3A_117] : memref<32x1000000xf32, #tpu.memory_space<hbm>> -> memref<32x128xf32, #tpu.memory_space<hbm>>
      tpu.enqueue_dma source(%dma_start3A_143 : memref<32x128xf32, #tpu.memory_space<hbm>>) target(%dma_start3A_141 : memref<32x128xf32, #tpu.memory_space<vmem>>) target_semaphore(%arg14 : memref<!tpu.dma_semaphore, #tpu.memory_space<semaphore_mem>>)
      %slice3A_144 = vector.extract_strided_slice %get3A_16 {offsets = [3], sizes = [1], strides = [1]} : vector<16xi32> to vector<1xi32>
      %squeeze3A_145 = vector.extract %slice3A_144[0] : i32 from vector<1xi32>
      %shift_right_arithmetic3A_146 = arith.constant 7 : i32
      %shift_right_arithmetic3A_147 = arith.shrsi %squeeze3A_145, %shift_right_arithmetic3A_146 : i32
      %mul3A_148 = arith.constant 128 : i32
      %mul3A_149 = arith.muli %shift_right_arithmetic3A_147, %mul3A_148 : i32
      %multiple_of3A_150 = tpu.assume_multiple %mul3A_149, 128 : i32
      %slice3A_151 = vector.extract_strided_slice %get3A_20 {offsets = [3], sizes = [1], strides = [1]} : vector<16xi32> to vector<1xi32>
      %squeeze3A_152 = vector.extract %slice3A_151[0] : i32 from vector<1xi32>
      %shift_right_arithmetic3A_153 = arith.constant 7 : i32
      %shift_right_arithmetic3A_154 = arith.shrsi %squeeze3A_152, %shift_right_arithmetic3A_153 : i32
      %mul3A_155 = arith.constant 128 : i32
      %mul3A_156 = arith.muli %shift_right_arithmetic3A_154, %mul3A_155 : i32
      %multiple_of3A_157 = tpu.assume_multiple %mul3A_156, 128 : i32
      %dma_start3A_158 = arith.constant 3 : i32
      %dma_start3A_159 = arith.constant 0 : i32
      %dma_start3A_160 = arith.constant 0 : i32
      %dma_start3A_161 = tpu.memref_slice %arg9[%dma_start3A_158, %dma_start3A_159, %dma_start3A_160] : memref<8x32x128xf32, #tpu.memory_space<vmem>> -> memref<1x32x128xf32, #tpu.memory_space<vmem>>
      %dma_start3A_162 = tpu.memref_squeeze %dma_start3A_161 : memref<1x32x128xf32, #tpu.memory_space<vmem>> -> memref<32x128xf32, #tpu.memory_space<vmem>>
      %dma_start3A_163 = arith.constant 0 : i32
      %dma_start3A_164 = tpu.memref_slice %arg4[%dma_start3A_163, %multiple_of3A_150] : memref<32x1000000xf32, #tpu.memory_space<hbm>> -> memref<32x128xf32, #tpu.memory_space<hbm>>
      %dma_start3A_165 = arith.constant 0 : i32
      %dma_start3A_166 = arith.constant 0 : i32
      %dma_start3A_167 = tpu.memref_slice %arg9[%dma_start3A_158, %dma_start3A_165, %dma_start3A_166] : memref<8x32x128xf32, #tpu.memory_space<vmem>> -> memref<1x32x128xf32, #tpu.memory_space<vmem>>
      %dma_start3A_168 = tpu.memref_squeeze %dma_start3A_167 : memref<1x32x128xf32, #tpu.memory_space<vmem>> -> memref<32x128xf32, #tpu.memory_space<vmem>>
      %dma_start3A_169 = arith.constant 0 : i32
      %dma_start3A_170 = tpu.memref_slice %arg4[%dma_start3A_169, %multiple_of3A_150] : memref<32x1000000xf32, #tpu.memory_space<hbm>> -> memref<32x128xf32, #tpu.memory_space<hbm>>
      tpu.enqueue_dma source(%dma_start3A_170 : memref<32x128xf32, #tpu.memory_space<hbm>>) target(%dma_start3A_168 : memref<32x128xf32, #tpu.memory_space<vmem>>) target_semaphore(%arg13 : memref<!tpu.dma_semaphore, #tpu.memory_space<semaphore_mem>>)
      %dma_start3A_171 = arith.constant 3 : i32
      %dma_start3A_172 = arith.constant 0 : i32
      %dma_start3A_173 = arith.constant 0 : i32
      %dma_start3A_174 = tpu.memref_slice %arg10[%dma_start3A_171, %dma_start3A_172, %dma_start3A_173] : memref<8x32x128xf32, #tpu.memory_space<vmem>> -> memref<1x32x128xf32, #tpu.memory_space<vmem>>
      %dma_start3A_175 = tpu.memref_squeeze %dma_start3A_174 : memref<1x32x128xf32, #tpu.memory_space<vmem>> -> memref<32x128xf32, #tpu.memory_space<vmem>>
      %dma_start3A_176 = arith.constant 0 : i32
      %dma_start3A_177 = tpu.memref_slice %arg5[%dma_start3A_176, %multiple_of3A_157] : memref<32x1000000xf32, #tpu.memory_space<hbm>> -> memref<32x128xf32, #tpu.memory_space<hbm>>
      %dma_start3A_178 = arith.constant 0 : i32
      %dma_start3A_179 = arith.constant 0 : i32
      %dma_start3A_180 = tpu.memref_slice %arg10[%dma_start3A_171, %dma_start3A_178, %dma_start3A_179] : memref<8x32x128xf32, #tpu.memory_space<vmem>> -> memref<1x32x128xf32, #tpu.memory_space<vmem>>
      %dma_start3A_181 = tpu.memref_squeeze %dma_start3A_180 : memref<1x32x128xf32, #tpu.memory_space<vmem>> -> memref<32x128xf32, #tpu.memory_space<vmem>>
      %dma_start3A_182 = arith.constant 0 : i32
      %dma_start3A_183 = tpu.memref_slice %arg5[%dma_start3A_182, %multiple_of3A_157] : memref<32x1000000xf32, #tpu.memory_space<hbm>> -> memref<32x128xf32, #tpu.memory_space<hbm>>
      tpu.enqueue_dma source(%dma_start3A_183 : memref<32x128xf32, #tpu.memory_space<hbm>>) target(%dma_start3A_181 : memref<32x128xf32, #tpu.memory_space<vmem>>) target_semaphore(%arg14 : memref<!tpu.dma_semaphore, #tpu.memory_space<semaphore_mem>>)
      %slice3A_184 = vector.extract_strided_slice %get3A_16 {offsets = [4], sizes = [1], strides = [1]} : vector<16xi32> to vector<1xi32>
      %squeeze3A_185 = vector.extract %slice3A_184[0] : i32 from vector<1xi32>
      %shift_right_arithmetic3A_186 = arith.constant 7 : i32
      %shift_right_arithmetic3A_187 = arith.shrsi %squeeze3A_185, %shift_right_arithmetic3A_186 : i32
      %mul3A_188 = arith.constant 128 : i32
      %mul3A_189 = arith.muli %shift_right_arithmetic3A_187, %mul3A_188 : i32
      %multiple_of3A_190 = tpu.assume_multiple %mul3A_189, 128 : i32
      %slice3A_191 = vector.extract_strided_slice %get3A_20 {offsets = [4], sizes = [1], strides = [1]} : vector<16xi32> to vector<1xi32>
      %squeeze3A_192 = vector.extract %slice3A_191[0] : i32 from vector<1xi32>
      %shift_right_arithmetic3A_193 = arith.constant 7 : i32
      %shift_right_arithmetic3A_194 = arith.shrsi %squeeze3A_192, %shift_right_arithmetic3A_193 : i32
      %mul3A_195 = arith.constant 128 : i32
      %mul3A_196 = arith.muli %shift_right_arithmetic3A_194, %mul3A_195 : i32
      %multiple_of3A_197 = tpu.assume_multiple %mul3A_196, 128 : i32
      %dma_start3A_198 = arith.constant 4 : i32
      %dma_start3A_199 = arith.constant 0 : i32
      %dma_start3A_200 = arith.constant 0 : i32
      %dma_start3A_201 = tpu.memref_slice %arg9[%dma_start3A_198, %dma_start3A_199, %dma_start3A_200] : memref<8x32x128xf32, #tpu.memory_space<vmem>> -> memref<1x32x128xf32, #tpu.memory_space<vmem>>
      %dma_start3A_202 = tpu.memref_squeeze %dma_start3A_201 : memref<1x32x128xf32, #tpu.memory_space<vmem>> -> memref<32x128xf32, #tpu.memory_space<vmem>>
      %dma_start3A_203 = arith.constant 0 : i32
      %dma_start3A_204 = tpu.memref_slice %arg4[%dma_start3A_203, %multiple_of3A_190] : memref<32x1000000xf32, #tpu.memory_space<hbm>> -> memref<32x128xf32, #tpu.memory_space<hbm>>
      %dma_start3A_205 = arith.constant 0 : i32
      %dma_start3A_206 = arith.constant 0 : i32
      %dma_start3A_207 = tpu.memref_slice %arg9[%dma_start3A_198, %dma_start3A_205, %dma_start3A_206] : memref<8x32x128xf32, #tpu.memory_space<vmem>> -> memref<1x32x128xf32, #tpu.memory_space<vmem>>
      %dma_start3A_208 = tpu.memref_squeeze %dma_start3A_207 : memref<1x32x128xf32, #tpu.memory_space<vmem>> -> memref<32x128xf32, #tpu.memory_space<vmem>>
      %dma_start3A_209 = arith.constant 0 : i32
      %dma_start3A_210 = tpu.memref_slice %arg4[%dma_start3A_209, %multiple_of3A_190] : memref<32x1000000xf32, #tpu.memory_space<hbm>> -> memref<32x128xf32, #tpu.memory_space<hbm>>
      tpu.enqueue_dma source(%dma_start3A_210 : memref<32x128xf32, #tpu.memory_space<hbm>>) target(%dma_start3A_208 : memref<32x128xf32, #tpu.memory_space<vmem>>) target_semaphore(%arg13 : memref<!tpu.dma_semaphore, #tpu.memory_space<semaphore_mem>>)
      %dma_start3A_211 = arith.constant 4 : i32
      %dma_start3A_212 = arith.constant 0 : i32
      %dma_start3A_213 = arith.constant 0 : i32
      %dma_start3A_214 = tpu.memref_slice %arg10[%dma_start3A_211, %dma_start3A_212, %dma_start3A_213] : memref<8x32x128xf32, #tpu.memory_space<vmem>> -> memref<1x32x128xf32, #tpu.memory_space<vmem>>
      %dma_start3A_215 = tpu.memref_squeeze %dma_start3A_214 : memref<1x32x128xf32, #tpu.memory_space<vmem>> -> memref<32x128xf32, #tpu.memory_space<vmem>>
      %dma_start3A_216 = arith.constant 0 : i32
      %dma_start3A_217 = tpu.memref_slice %arg5[%dma_start3A_216, %multiple_of3A_197] : memref<32x1000000xf32, #tpu.memory_space<hbm>> -> memref<32x128xf32, #tpu.memory_space<hbm>>
      %dma_start3A_218 = arith.constant 0 : i32
      %dma_start3A_219 = arith.constant 0 : i32
      %dma_start3A_220 = tpu.memref_slice %arg10[%dma_start3A_211, %dma_start3A_218, %dma_start3A_219] : memref<8x32x128xf32, #tpu.memory_space<vmem>> -> memref<1x32x128xf32, #tpu.memory_space<vmem>>
      %dma_start3A_221 = tpu.memref_squeeze %dma_start3A_220 : memref<1x32x128xf32, #tpu.memory_space<vmem>> -> memref<32x128xf32, #tpu.memory_space<vmem>>
      %dma_start3A_222 = arith.constant 0 : i32
      %dma_start3A_223 = tpu.memref_slice %arg5[%dma_start3A_222, %multiple_of3A_197] : memref<32x1000000xf32, #tpu.memory_space<hbm>> -> memref<32x128xf32, #tpu.memory_space<hbm>>
      tpu.enqueue_dma source(%dma_start3A_223 : memref<32x128xf32, #tpu.memory_space<hbm>>) target(%dma_start3A_221 : memref<32x128xf32, #tpu.memory_space<vmem>>) target_semaphore(%arg14 : memref<!tpu.dma_semaphore, #tpu.memory_space<semaphore_mem>>)
      %slice3A_224 = vector.extract_strided_slice %get3A_16 {offsets = [5], sizes = [1], strides = [1]} : vector<16xi32> to vector<1xi32>
      %squeeze3A_225 = vector.extract %slice3A_224[0] : i32 from vector<1xi32>
      %shift_right_arithmetic3A_226 = arith.constant 7 : i32
      %shift_right_arithmetic3A_227 = arith.shrsi %squeeze3A_225, %shift_right_arithmetic3A_226 : i32
      %mul3A_228 = arith.constant 128 : i32
      %mul3A_229 = arith.muli %shift_right_arithmetic3A_227, %mul3A_228 : i32
      %multiple_of3A_230 = tpu.assume_multiple %mul3A_229, 128 : i32
      %slice3A_231 = vector.extract_strided_slice %get3A_20 {offsets = [5], sizes = [1], strides = [1]} : vector<16xi32> to vector<1xi32>
      %squeeze3A_232 = vector.extract %slice3A_231[0] : i32 from vector<1xi32>
      %shift_right_arithmetic3A_233 = arith.constant 7 : i32
      %shift_right_arithmetic3A_234 = arith.shrsi %squeeze3A_232, %shift_right_arithmetic3A_233 : i32
      %mul3A_235 = arith.constant 128 : i32
      %mul3A_236 = arith.muli %shift_right_arithmetic3A_234, %mul3A_235 : i32
      %multiple_of3A_237 = tpu.assume_multiple %mul3A_236, 128 : i32
      %dma_start3A_238 = arith.constant 5 : i32
      %dma_start3A_239 = arith.constant 0 : i32
      %dma_start3A_240 = arith.constant 0 : i32
      %dma_start3A_241 = tpu.memref_slice %arg9[%dma_start3A_238, %dma_start3A_239, %dma_start3A_240] : memref<8x32x128xf32, #tpu.memory_space<vmem>> -> memref<1x32x128xf32, #tpu.memory_space<vmem>>
      %dma_start3A_242 = tpu.memref_squeeze %dma_start3A_241 : memref<1x32x128xf32, #tpu.memory_space<vmem>> -> memref<32x128xf32, #tpu.memory_space<vmem>>
      %dma_start3A_243 = arith.constant 0 : i32
      %dma_start3A_244 = tpu.memref_slice %arg4[%dma_start3A_243, %multiple_of3A_230] : memref<32x1000000xf32, #tpu.memory_space<hbm>> -> memref<32x128xf32, #tpu.memory_space<hbm>>
      %dma_start3A_245 = arith.constant 0 : i32
      %dma_start3A_246 = arith.constant 0 : i32
      %dma_start3A_247 = tpu.memref_slice %arg9[%dma_start3A_238, %dma_start3A_245, %dma_start3A_246] : memref<8x32x128xf32, #tpu.memory_space<vmem>> -> memref<1x32x128xf32, #tpu.memory_space<vmem>>
      %dma_start3A_248 = tpu.memref_squeeze %dma_start3A_247 : memref<1x32x128xf32, #tpu.memory_space<vmem>> -> memref<32x128xf32, #tpu.memory_space<vmem>>
      %dma_start3A_249 = arith.constant 0 : i32
      %dma_start3A_250 = tpu.memref_slice %arg4[%dma_start3A_249, %multiple_of3A_230] : memref<32x1000000xf32, #tpu.memory_space<hbm>> -> memref<32x128xf32, #tpu.memory_space<hbm>>
      tpu.enqueue_dma source(%dma_start3A_250 : memref<32x128xf32, #tpu.memory_space<hbm>>) target(%dma_start3A_248 : memref<32x128xf32, #tpu.memory_space<vmem>>) target_semaphore(%arg13 : memref<!tpu.dma_semaphore, #tpu.memory_space<semaphore_mem>>)
      %dma_start3A_251 = arith.constant 5 : i32
      %dma_start3A_252 = arith.constant 0 : i32
      %dma_start3A_253 = arith.constant 0 : i32
      %dma_start3A_254 = tpu.memref_slice %arg10[%dma_start3A_251, %dma_start3A_252, %dma_start3A_253] : memref<8x32x128xf32, #tpu.memory_space<vmem>> -> memref<1x32x128xf32, #tpu.memory_space<vmem>>
      %dma_start3A_255 = tpu.memref_squeeze %dma_start3A_254 : memref<1x32x128xf32, #tpu.memory_space<vmem>> -> memref<32x128xf32, #tpu.memory_space<vmem>>
      %dma_start3A_256 = arith.constant 0 : i32
      %dma_start3A_257 = tpu.memref_slice %arg5[%dma_start3A_256, %multiple_of3A_237] : memref<32x1000000xf32, #tpu.memory_space<hbm>> -> memref<32x128xf32, #tpu.memory_space<hbm>>
      %dma_start3A_258 = arith.constant 0 : i32
      %dma_start3A_259 = arith.constant 0 : i32
      %dma_start3A_260 = tpu.memref_slice %arg10[%dma_start3A_251, %dma_start3A_258, %dma_start3A_259] : memref<8x32x128xf32, #tpu.memory_space<vmem>> -> memref<1x32x128xf32, #tpu.memory_space<vmem>>
      %dma_start3A_261 = tpu.memref_squeeze %dma_start3A_260 : memref<1x32x128xf32, #tpu.memory_space<vmem>> -> memref<32x128xf32, #tpu.memory_space<vmem>>
      %dma_start3A_262 = arith.constant 0 : i32
      %dma_start3A_263 = tpu.memref_slice %arg5[%dma_start3A_262, %multiple_of3A_237] : memref<32x1000000xf32, #tpu.memory_space<hbm>> -> memref<32x128xf32, #tpu.memory_space<hbm>>
      tpu.enqueue_dma source(%dma_start3A_263 : memref<32x128xf32, #tpu.memory_space<hbm>>) target(%dma_start3A_261 : memref<32x128xf32, #tpu.memory_space<vmem>>) target_semaphore(%arg14 : memref<!tpu.dma_semaphore, #tpu.memory_space<semaphore_mem>>)
      %slice3A_264 = vector.extract_strided_slice %get3A_16 {offsets = [6], sizes = [1], strides = [1]} : vector<16xi32> to vector<1xi32>
      %squeeze3A_265 = vector.extract %slice3A_264[0] : i32 from vector<1xi32>
      %shift_right_arithmetic3A_266 = arith.constant 7 : i32
      %shift_right_arithmetic3A_267 = arith.shrsi %squeeze3A_265, %shift_right_arithmetic3A_266 : i32
      %mul3A_268 = arith.constant 128 : i32
      %mul3A_269 = arith.muli %shift_right_arithmetic3A_267, %mul3A_268 : i32
      %multiple_of3A_270 = tpu.assume_multiple %mul3A_269, 128 : i32
      %slice3A_271 = vector.extract_strided_slice %get3A_20 {offsets = [6], sizes = [1], strides = [1]} : vector<16xi32> to vector<1xi32>
      %squeeze3A_272 = vector.extract %slice3A_271[0] : i32 from vector<1xi32>
      %shift_right_arithmetic3A_273 = arith.constant 7 : i32
      %shift_right_arithmetic3A_274 = arith.shrsi %squeeze3A_272, %shift_right_arithmetic3A_273 : i32
      %mul3A_275 = arith.constant 128 : i32
      %mul3A_276 = arith.muli %shift_right_arithmetic3A_274, %mul3A_275 : i32
      %multiple_of3A_277 = tpu.assume_multiple %mul3A_276, 128 : i32
      %dma_start3A_278 = arith.constant 6 : i32
      %dma_start3A_279 = arith.constant 0 : i32
      %dma_start3A_280 = arith.constant 0 : i32
      %dma_start3A_281 = tpu.memref_slice %arg9[%dma_start3A_278, %dma_start3A_279, %dma_start3A_280] : memref<8x32x128xf32, #tpu.memory_space<vmem>> -> memref<1x32x128xf32, #tpu.memory_space<vmem>>
      %dma_start3A_282 = tpu.memref_squeeze %dma_start3A_281 : memref<1x32x128xf32, #tpu.memory_space<vmem>> -> memref<32x128xf32, #tpu.memory_space<vmem>>
      %dma_start3A_283 = arith.constant 0 : i32
      %dma_start3A_284 = tpu.memref_slice %arg4[%dma_start3A_283, %multiple_of3A_270] : memref<32x1000000xf32, #tpu.memory_space<hbm>> -> memref<32x128xf32, #tpu.memory_space<hbm>>
      %dma_start3A_285 = arith.constant 0 : i32
      %dma_start3A_286 = arith.constant 0 : i32
      %dma_start3A_287 = tpu.memref_slice %arg9[%dma_start3A_278, %dma_start3A_285, %dma_start3A_286] : memref<8x32x128xf32, #tpu.memory_space<vmem>> -> memref<1x32x128xf32, #tpu.memory_space<vmem>>
      %dma_start3A_288 = tpu.memref_squeeze %dma_start3A_287 : memref<1x32x128xf32, #tpu.memory_space<vmem>> -> memref<32x128xf32, #tpu.memory_space<vmem>>
      %dma_start3A_289 = arith.constant 0 : i32
      %dma_start3A_290 = tpu.memref_slice %arg4[%dma_start3A_289, %multiple_of3A_270] : memref<32x1000000xf32, #tpu.memory_space<hbm>> -> memref<32x128xf32, #tpu.memory_space<hbm>>
      tpu.enqueue_dma source(%dma_start3A_290 : memref<32x128xf32, #tpu.memory_space<hbm>>) target(%dma_start3A_288 : memref<32x128xf32, #tpu.memory_space<vmem>>) target_semaphore(%arg13 : memref<!tpu.dma_semaphore, #tpu.memory_space<semaphore_mem>>)
      %dma_start3A_291 = arith.constant 6 : i32
      %dma_start3A_292 = arith.constant 0 : i32
      %dma_start3A_293 = arith.constant 0 : i32
      %dma_start3A_294 = tpu.memref_slice %arg10[%dma_start3A_291, %dma_start3A_292, %dma_start3A_293] : memref<8x32x128xf32, #tpu.memory_space<vmem>> -> memref<1x32x128xf32, #tpu.memory_space<vmem>>
      %dma_start3A_295 = tpu.memref_squeeze %dma_start3A_294 : memref<1x32x128xf32, #tpu.memory_space<vmem>> -> memref<32x128xf32, #tpu.memory_space<vmem>>
      %dma_start3A_296 = arith.constant 0 : i32
      %dma_start3A_297 = tpu.memref_slice %arg5[%dma_start3A_296, %multiple_of3A_277] : memref<32x1000000xf32, #tpu.memory_space<hbm>> -> memref<32x128xf32, #tpu.memory_space<hbm>>
      %dma_start3A_298 = arith.constant 0 : i32
      %dma_start3A_299 = arith.constant 0 : i32
      %dma_start3A_300 = tpu.memref_slice %arg10[%dma_start3A_291, %dma_start3A_298, %dma_start3A_299] : memref<8x32x128xf32, #tpu.memory_space<vmem>> -> memref<1x32x128xf32, #tpu.memory_space<vmem>>
      %dma_start3A_301 = tpu.memref_squeeze %dma_start3A_300 : memref<1x32x128xf32, #tpu.memory_space<vmem>> -> memref<32x128xf32, #tpu.memory_space<vmem>>
      %dma_start3A_302 = arith.constant 0 : i32
      %dma_start3A_303 = tpu.memref_slice %arg5[%dma_start3A_302, %multiple_of3A_277] : memref<32x1000000xf32, #tpu.memory_space<hbm>> -> memref<32x128xf32, #tpu.memory_space<hbm>>
      tpu.enqueue_dma source(%dma_start3A_303 : memref<32x128xf32, #tpu.memory_space<hbm>>) target(%dma_start3A_301 : memref<32x128xf32, #tpu.memory_space<vmem>>) target_semaphore(%arg14 : memref<!tpu.dma_semaphore, #tpu.memory_space<semaphore_mem>>)
      %slice3A_304 = vector.extract_strided_slice %get3A_16 {offsets = [7], sizes = [1], strides = [1]} : vector<16xi32> to vector<1xi32>
      %squeeze3A_305 = vector.extract %slice3A_304[0] : i32 from vector<1xi32>
      %shift_right_arithmetic3A_306 = arith.constant 7 : i32
      %shift_right_arithmetic3A_307 = arith.shrsi %squeeze3A_305, %shift_right_arithmetic3A_306 : i32
      %mul3A_308 = arith.constant 128 : i32
      %mul3A_309 = arith.muli %shift_right_arithmetic3A_307, %mul3A_308 : i32
      %multiple_of3A_310 = tpu.assume_multiple %mul3A_309, 128 : i32
      %slice3A_311 = vector.extract_strided_slice %get3A_20 {offsets = [7], sizes = [1], strides = [1]} : vector<16xi32> to vector<1xi32>
      %squeeze3A_312 = vector.extract %slice3A_311[0] : i32 from vector<1xi32>
      %shift_right_arithmetic3A_313 = arith.constant 7 : i32
      %shift_right_arithmetic3A_314 = arith.shrsi %squeeze3A_312, %shift_right_arithmetic3A_313 : i32
      %mul3A_315 = arith.constant 128 : i32
      %mul3A_316 = arith.muli %shift_right_arithmetic3A_314, %mul3A_315 : i32
      %multiple_of3A_317 = tpu.assume_multiple %mul3A_316, 128 : i32
      %dma_start3A_318 = arith.constant 7 : i32
      %dma_start3A_319 = arith.constant 0 : i32
      %dma_start3A_320 = arith.constant 0 : i32
      %dma_start3A_321 = tpu.memref_slice %arg9[%dma_start3A_318, %dma_start3A_319, %dma_start3A_320] : memref<8x32x128xf32, #tpu.memory_space<vmem>> -> memref<1x32x128xf32, #tpu.memory_space<vmem>>
      %dma_start3A_322 = tpu.memref_squeeze %dma_start3A_321 : memref<1x32x128xf32, #tpu.memory_space<vmem>> -> memref<32x128xf32, #tpu.memory_space<vmem>>
      %dma_start3A_323 = arith.constant 0 : i32
      %dma_start3A_324 = tpu.memref_slice %arg4[%dma_start3A_323, %multiple_of3A_310] : memref<32x1000000xf32, #tpu.memory_space<hbm>> -> memref<32x128xf32, #tpu.memory_space<hbm>>
      %dma_start3A_325 = arith.constant 0 : i32
      %dma_start3A_326 = arith.constant 0 : i32
      %dma_start3A_327 = tpu.memref_slice %arg9[%dma_start3A_318, %dma_start3A_325, %dma_start3A_326] : memref<8x32x128xf32, #tpu.memory_space<vmem>> -> memref<1x32x128xf32, #tpu.memory_space<vmem>>
      %dma_start3A_328 = tpu.memref_squeeze %dma_start3A_327 : memref<1x32x128xf32, #tpu.memory_space<vmem>> -> memref<32x128xf32, #tpu.memory_space<vmem>>
      %dma_start3A_329 = arith.constant 0 : i32
      %dma_start3A_330 = tpu.memref_slice %arg4[%dma_start3A_329, %multiple_of3A_310] : memref<32x1000000xf32, #tpu.memory_space<hbm>> -> memref<32x128xf32, #tpu.memory_space<hbm>>
      tpu.enqueue_dma source(%dma_start3A_330 : memref<32x128xf32, #tpu.memory_space<hbm>>) target(%dma_start3A_328 : memref<32x128xf32, #tpu.memory_space<vmem>>) target_semaphore(%arg13 : memref<!tpu.dma_semaphore, #tpu.memory_space<semaphore_mem>>)
      %dma_start3A_331 = arith.constant 7 : i32
      %dma_start3A_332 = arith.constant 0 : i32
      %dma_start3A_333 = arith.constant 0 : i32
      %dma_start3A_334 = tpu.memref_slice %arg10[%dma_start3A_331, %dma_start3A_332, %dma_start3A_333] : memref<8x32x128xf32, #tpu.memory_space<vmem>> -> memref<1x32x128xf32, #tpu.memory_space<vmem>>
      %dma_start3A_335 = tpu.memref_squeeze %dma_start3A_334 : memref<1x32x128xf32, #tpu.memory_space<vmem>> -> memref<32x128xf32, #tpu.memory_space<vmem>>
      %dma_start3A_336 = arith.constant 0 : i32
      %dma_start3A_337 = tpu.memref_slice %arg5[%dma_start3A_336, %multiple_of3A_317] : memref<32x1000000xf32, #tpu.memory_space<hbm>> -> memref<32x128xf32, #tpu.memory_space<hbm>>
      %dma_start3A_338 = arith.constant 0 : i32
      %dma_start3A_339 = arith.constant 0 : i32
      %dma_start3A_340 = tpu.memref_slice %arg10[%dma_start3A_331, %dma_start3A_338, %dma_start3A_339] : memref<8x32x128xf32, #tpu.memory_space<vmem>> -> memref<1x32x128xf32, #tpu.memory_space<vmem>>
      %dma_start3A_341 = tpu.memref_squeeze %dma_start3A_340 : memref<1x32x128xf32, #tpu.memory_space<vmem>> -> memref<32x128xf32, #tpu.memory_space<vmem>>
      %dma_start3A_342 = arith.constant 0 : i32
      %dma_start3A_343 = tpu.memref_slice %arg5[%dma_start3A_342, %multiple_of3A_317] : memref<32x1000000xf32, #tpu.memory_space<hbm>> -> memref<32x128xf32, #tpu.memory_space<hbm>>
      tpu.enqueue_dma source(%dma_start3A_343 : memref<32x128xf32, #tpu.memory_space<hbm>>) target(%dma_start3A_341 : memref<32x128xf32, #tpu.memory_space<vmem>>) target_semaphore(%arg14 : memref<!tpu.dma_semaphore, #tpu.memory_space<semaphore_mem>>)
      %dma_wait3A = arith.constant 0 : i32
      %dma_wait3A_344 = arith.constant 0 : i32
      %dma_wait3A_345 = arith.constant 0 : i32
      %dma_wait3A_346 = tpu.memref_slice %arg9[%dma_wait3A, %dma_wait3A_344, %dma_wait3A_345] : memref<8x32x128xf32, #tpu.memory_space<vmem>> -> memref<1x32x128xf32, #tpu.memory_space<vmem>>
      %dma_wait3A_347 = tpu.memref_squeeze %dma_wait3A_346 : memref<1x32x128xf32, #tpu.memory_space<vmem>> -> memref<32x128xf32, #tpu.memory_space<vmem>>
      %dma_wait3A_348 = arith.constant 0 : i32
      %dma_wait3A_349 = tpu.memref_slice %arg4[%dma_wait3A_348, %multiple_of3A] : memref<32x1000000xf32, #tpu.memory_space<hbm>> -> memref<32x128xf32, #tpu.memory_space<hbm>>
      %dma_wait3A_350 = arith.constant 0 : i32
      %dma_wait3A_351 = arith.constant 0 : i32
      %dma_wait3A_352 = tpu.memref_slice %arg9[%dma_wait3A, %dma_wait3A_350, %dma_wait3A_351] : memref<8x32x128xf32, #tpu.memory_space<vmem>> -> memref<1x32x128xf32, #tpu.memory_space<vmem>>
      %dma_wait3A_353 = tpu.memref_squeeze %dma_wait3A_352 : memref<1x32x128xf32, #tpu.memory_space<vmem>> -> memref<32x128xf32, #tpu.memory_space<vmem>>
      %dma_wait3A_354 = arith.constant 0 : i32
      %dma_wait3A_355 = tpu.memref_slice %arg4[%dma_wait3A_354, %multiple_of3A] : memref<32x1000000xf32, #tpu.memory_space<hbm>> -> memref<32x128xf32, #tpu.memory_space<hbm>>
      tpu.wait_dma2 semaphore(%arg13 : memref<!tpu.dma_semaphore, #tpu.memory_space<semaphore_mem>>) src(%dma_wait3A_355 : memref<32x128xf32, #tpu.memory_space<hbm>>) dst(%dma_wait3A_353 : memref<32x128xf32, #tpu.memory_space<vmem>>)
      %dma_wait3A_356 = arith.constant 0 : i32
      %dma_wait3A_357 = arith.constant 0 : i32
      %dma_wait3A_358 = arith.constant 0 : i32
      %dma_wait3A_359 = tpu.memref_slice %arg10[%dma_wait3A_356, %dma_wait3A_357, %dma_wait3A_358] : memref<8x32x128xf32, #tpu.memory_space<vmem>> -> memref<1x32x128xf32, #tpu.memory_space<vmem>>
      %dma_wait3A_360 = tpu.memref_squeeze %dma_wait3A_359 : memref<1x32x128xf32, #tpu.memory_space<vmem>> -> memref<32x128xf32, #tpu.memory_space<vmem>>
      %dma_wait3A_361 = arith.constant 0 : i32
      %dma_wait3A_362 = tpu.memref_slice %arg5[%dma_wait3A_361, %multiple_of3A_38] : memref<32x1000000xf32, #tpu.memory_space<hbm>> -> memref<32x128xf32, #tpu.memory_space<hbm>>
      %dma_wait3A_363 = arith.constant 0 : i32
      %dma_wait3A_364 = arith.constant 0 : i32
      %dma_wait3A_365 = tpu.memref_slice %arg10[%dma_wait3A_356, %dma_wait3A_363, %dma_wait3A_364] : memref<8x32x128xf32, #tpu.memory_space<vmem>> -> memref<1x32x128xf32, #tpu.memory_space<vmem>>
      %dma_wait3A_366 = tpu.memref_squeeze %dma_wait3A_365 : memref<1x32x128xf32, #tpu.memory_space<vmem>> -> memref<32x128xf32, #tpu.memory_space<vmem>>
      %dma_wait3A_367 = arith.constant 0 : i32
      %dma_wait3A_368 = tpu.memref_slice %arg5[%dma_wait3A_367, %multiple_of3A_38] : memref<32x1000000xf32, #tpu.memory_space<hbm>> -> memref<32x128xf32, #tpu.memory_space<hbm>>
      tpu.wait_dma2 semaphore(%arg14 : memref<!tpu.dma_semaphore, #tpu.memory_space<semaphore_mem>>) src(%dma_wait3A_368 : memref<32x128xf32, #tpu.memory_space<hbm>>) dst(%dma_wait3A_366 : memref<32x128xf32, #tpu.memory_space<vmem>>)
      %dma_wait3A_369 = arith.constant 1 : i32
      %dma_wait3A_370 = arith.constant 0 : i32
      %dma_wait3A_371 = arith.constant 0 : i32
      %dma_wait3A_372 = tpu.memref_slice %arg9[%dma_wait3A_369, %dma_wait3A_370, %dma_wait3A_371] : memref<8x32x128xf32, #tpu.memory_space<vmem>> -> memref<1x32x128xf32, #tpu.memory_space<vmem>>
      %dma_wait3A_373 = tpu.memref_squeeze %dma_wait3A_372 : memref<1x32x128xf32, #tpu.memory_space<vmem>> -> memref<32x128xf32, #tpu.memory_space<vmem>>
      %dma_wait3A_374 = arith.constant 0 : i32
      %dma_wait3A_375 = tpu.memref_slice %arg4[%dma_wait3A_374, %multiple_of3A_70] : memref<32x1000000xf32, #tpu.memory_space<hbm>> -> memref<32x128xf32, #tpu.memory_space<hbm>>
      %dma_wait3A_376 = arith.constant 0 : i32
      %dma_wait3A_377 = arith.constant 0 : i32
      %dma_wait3A_378 = tpu.memref_slice %arg9[%dma_wait3A_369, %dma_wait3A_376, %dma_wait3A_377] : memref<8x32x128xf32, #tpu.memory_space<vmem>> -> memref<1x32x128xf32, #tpu.memory_space<vmem>>
      %dma_wait3A_379 = tpu.memref_squeeze %dma_wait3A_378 : memref<1x32x128xf32, #tpu.memory_space<vmem>> -> memref<32x128xf32, #tpu.memory_space<vmem>>
      %dma_wait3A_380 = arith.constant 0 : i32
      %dma_wait3A_381 = tpu.memref_slice %arg4[%dma_wait3A_380, %multiple_of3A_70] : memref<32x1000000xf32, #tpu.memory_space<hbm>> -> memref<32x128xf32, #tpu.memory_space<hbm>>
      tpu.wait_dma2 semaphore(%arg13 : memref<!tpu.dma_semaphore, #tpu.memory_space<semaphore_mem>>) src(%dma_wait3A_381 : memref<32x128xf32, #tpu.memory_space<hbm>>) dst(%dma_wait3A_379 : memref<32x128xf32, #tpu.memory_space<vmem>>)
      %dma_wait3A_382 = arith.constant 1 : i32
      %dma_wait3A_383 = arith.constant 0 : i32
      %dma_wait3A_384 = arith.constant 0 : i32
      %dma_wait3A_385 = tpu.memref_slice %arg10[%dma_wait3A_382, %dma_wait3A_383, %dma_wait3A_384] : memref<8x32x128xf32, #tpu.memory_space<vmem>> -> memref<1x32x128xf32, #tpu.memory_space<vmem>>
      %dma_wait3A_386 = tpu.memref_squeeze %dma_wait3A_385 : memref<1x32x128xf32, #tpu.memory_space<vmem>> -> memref<32x128xf32, #tpu.memory_space<vmem>>
      %dma_wait3A_387 = arith.constant 0 : i32
      %dma_wait3A_388 = tpu.memref_slice %arg5[%dma_wait3A_387, %multiple_of3A_77] : memref<32x1000000xf32, #tpu.memory_space<hbm>> -> memref<32x128xf32, #tpu.memory_space<hbm>>
      %dma_wait3A_389 = arith.constant 0 : i32
      %dma_wait3A_390 = arith.constant 0 : i32
      %dma_wait3A_391 = tpu.memref_slice %arg10[%dma_wait3A_382, %dma_wait3A_389, %dma_wait3A_390] : memref<8x32x128xf32, #tpu.memory_space<vmem>> -> memref<1x32x128xf32, #tpu.memory_space<vmem>>
      %dma_wait3A_392 = tpu.memref_squeeze %dma_wait3A_391 : memref<1x32x128xf32, #tpu.memory_space<vmem>> -> memref<32x128xf32, #tpu.memory_space<vmem>>
      %dma_wait3A_393 = arith.constant 0 : i32
      %dma_wait3A_394 = tpu.memref_slice %arg5[%dma_wait3A_393, %multiple_of3A_77] : memref<32x1000000xf32, #tpu.memory_space<hbm>> -> memref<32x128xf32, #tpu.memory_space<hbm>>
      tpu.wait_dma2 semaphore(%arg14 : memref<!tpu.dma_semaphore, #tpu.memory_space<semaphore_mem>>) src(%dma_wait3A_394 : memref<32x128xf32, #tpu.memory_space<hbm>>) dst(%dma_wait3A_392 : memref<32x128xf32, #tpu.memory_space<vmem>>)
      %dma_wait3A_395 = arith.constant 2 : i32
      %dma_wait3A_396 = arith.constant 0 : i32
      %dma_wait3A_397 = arith.constant 0 : i32
      %dma_wait3A_398 = tpu.memref_slice %arg9[%dma_wait3A_395, %dma_wait3A_396, %dma_wait3A_397] : memref<8x32x128xf32, #tpu.memory_space<vmem>> -> memref<1x32x128xf32, #tpu.memory_space<vmem>>
      %dma_wait3A_399 = tpu.memref_squeeze %dma_wait3A_398 : memref<1x32x128xf32, #tpu.memory_space<vmem>> -> memref<32x128xf32, #tpu.memory_space<vmem>>
      %dma_wait3A_400 = arith.constant 0 : i32
      %dma_wait3A_401 = tpu.memref_slice %arg4[%dma_wait3A_400, %multiple_of3A_110] : memref<32x1000000xf32, #tpu.memory_space<hbm>> -> memref<32x128xf32, #tpu.memory_space<hbm>>
      %dma_wait3A_402 = arith.constant 0 : i32
      %dma_wait3A_403 = arith.constant 0 : i32
      %dma_wait3A_404 = tpu.memref_slice %arg9[%dma_wait3A_395, %dma_wait3A_402, %dma_wait3A_403] : memref<8x32x128xf32, #tpu.memory_space<vmem>> -> memref<1x32x128xf32, #tpu.memory_space<vmem>>
      %dma_wait3A_405 = tpu.memref_squeeze %dma_wait3A_404 : memref<1x32x128xf32, #tpu.memory_space<vmem>> -> memref<32x128xf32, #tpu.memory_space<vmem>>
      %dma_wait3A_406 = arith.constant 0 : i32
      %dma_wait3A_407 = tpu.memref_slice %arg4[%dma_wait3A_406, %multiple_of3A_110] : memref<32x1000000xf32, #tpu.memory_space<hbm>> -> memref<32x128xf32, #tpu.memory_space<hbm>>
      tpu.wait_dma2 semaphore(%arg13 : memref<!tpu.dma_semaphore, #tpu.memory_space<semaphore_mem>>) src(%dma_wait3A_407 : memref<32x128xf32, #tpu.memory_space<hbm>>) dst(%dma_wait3A_405 : memref<32x128xf32, #tpu.memory_space<vmem>>)
      %dma_wait3A_408 = arith.constant 2 : i32
      %dma_wait3A_409 = arith.constant 0 : i32
      %dma_wait3A_410 = arith.constant 0 : i32
      %dma_wait3A_411 = tpu.memref_slice %arg10[%dma_wait3A_408, %dma_wait3A_409, %dma_wait3A_410] : memref<8x32x128xf32, #tpu.memory_space<vmem>> -> memref<1x32x128xf32, #tpu.memory_space<vmem>>
      %dma_wait3A_412 = tpu.memref_squeeze %dma_wait3A_411 : memref<1x32x128xf32, #tpu.memory_space<vmem>> -> memref<32x128xf32, #tpu.memory_space<vmem>>
      %dma_wait3A_413 = arith.constant 0 : i32
      %dma_wait3A_414 = tpu.memref_slice %arg5[%dma_wait3A_413, %multiple_of3A_117] : memref<32x1000000xf32, #tpu.memory_space<hbm>> -> memref<32x128xf32, #tpu.memory_space<hbm>>
      %dma_wait3A_415 = arith.constant 0 : i32
      %dma_wait3A_416 = arith.constant 0 : i32
      %dma_wait3A_417 = tpu.memref_slice %arg10[%dma_wait3A_408, %dma_wait3A_415, %dma_wait3A_416] : memref<8x32x128xf32, #tpu.memory_space<vmem>> -> memref<1x32x128xf32, #tpu.memory_space<vmem>>
      %dma_wait3A_418 = tpu.memref_squeeze %dma_wait3A_417 : memref<1x32x128xf32, #tpu.memory_space<vmem>> -> memref<32x128xf32, #tpu.memory_space<vmem>>
      %dma_wait3A_419 = arith.constant 0 : i32
      %dma_wait3A_420 = tpu.memref_slice %arg5[%dma_wait3A_419, %multiple_of3A_117] : memref<32x1000000xf32, #tpu.memory_space<hbm>> -> memref<32x128xf32, #tpu.memory_space<hbm>>
      tpu.wait_dma2 semaphore(%arg14 : memref<!tpu.dma_semaphore, #tpu.memory_space<semaphore_mem>>) src(%dma_wait3A_420 : memref<32x128xf32, #tpu.memory_space<hbm>>) dst(%dma_wait3A_418 : memref<32x128xf32, #tpu.memory_space<vmem>>)
      %dma_wait3A_421 = arith.constant 3 : i32
      %dma_wait3A_422 = arith.constant 0 : i32
      %dma_wait3A_423 = arith.constant 0 : i32
      %dma_wait3A_424 = tpu.memref_slice %arg9[%dma_wait3A_421, %dma_wait3A_422, %dma_wait3A_423] : memref<8x32x128xf32, #tpu.memory_space<vmem>> -> memref<1x32x128xf32, #tpu.memory_space<vmem>>
      %dma_wait3A_425 = tpu.memref_squeeze %dma_wait3A_424 : memref<1x32x128xf32, #tpu.memory_space<vmem>> -> memref<32x128xf32, #tpu.memory_space<vmem>>
      %dma_wait3A_426 = arith.constant 0 : i32
      %dma_wait3A_427 = tpu.memref_slice %arg4[%dma_wait3A_426, %multiple_of3A_150] : memref<32x1000000xf32, #tpu.memory_space<hbm>> -> memref<32x128xf32, #tpu.memory_space<hbm>>
      %dma_wait3A_428 = arith.constant 0 : i32
      %dma_wait3A_429 = arith.constant 0 : i32
      %dma_wait3A_430 = tpu.memref_slice %arg9[%dma_wait3A_421, %dma_wait3A_428, %dma_wait3A_429] : memref<8x32x128xf32, #tpu.memory_space<vmem>> -> memref<1x32x128xf32, #tpu.memory_space<vmem>>
      %dma_wait3A_431 = tpu.memref_squeeze %dma_wait3A_430 : memref<1x32x128xf32, #tpu.memory_space<vmem>> -> memref<32x128xf32, #tpu.memory_space<vmem>>
      %dma_wait3A_432 = arith.constant 0 : i32
      %dma_wait3A_433 = tpu.memref_slice %arg4[%dma_wait3A_432, %multiple_of3A_150] : memref<32x1000000xf32, #tpu.memory_space<hbm>> -> memref<32x128xf32, #tpu.memory_space<hbm>>
      tpu.wait_dma2 semaphore(%arg13 : memref<!tpu.dma_semaphore, #tpu.memory_space<semaphore_mem>>) src(%dma_wait3A_433 : memref<32x128xf32, #tpu.memory_space<hbm>>) dst(%dma_wait3A_431 : memref<32x128xf32, #tpu.memory_space<vmem>>)
      %dma_wait3A_434 = arith.constant 3 : i32
      %dma_wait3A_435 = arith.constant 0 : i32
      %dma_wait3A_436 = arith.constant 0 : i32
      %dma_wait3A_437 = tpu.memref_slice %arg10[%dma_wait3A_434, %dma_wait3A_435, %dma_wait3A_436] : memref<8x32x128xf32, #tpu.memory_space<vmem>> -> memref<1x32x128xf32, #tpu.memory_space<vmem>>
      %dma_wait3A_438 = tpu.memref_squeeze %dma_wait3A_437 : memref<1x32x128xf32, #tpu.memory_space<vmem>> -> memref<32x128xf32, #tpu.memory_space<vmem>>
      %dma_wait3A_439 = arith.constant 0 : i32
      %dma_wait3A_440 = tpu.memref_slice %arg5[%dma_wait3A_439, %multiple_of3A_157] : memref<32x1000000xf32, #tpu.memory_space<hbm>> -> memref<32x128xf32, #tpu.memory_space<hbm>>
      %dma_wait3A_441 = arith.constant 0 : i32
      %dma_wait3A_442 = arith.constant 0 : i32
      %dma_wait3A_443 = tpu.memref_slice %arg10[%dma_wait3A_434, %dma_wait3A_441, %dma_wait3A_442] : memref<8x32x128xf32, #tpu.memory_space<vmem>> -> memref<1x32x128xf32, #tpu.memory_space<vmem>>
      %dma_wait3A_444 = tpu.memref_squeeze %dma_wait3A_443 : memref<1x32x128xf32, #tpu.memory_space<vmem>> -> memref<32x128xf32, #tpu.memory_space<vmem>>
      %dma_wait3A_445 = arith.constant 0 : i32
      %dma_wait3A_446 = tpu.memref_slice %arg5[%dma_wait3A_445, %multiple_of3A_157] : memref<32x1000000xf32, #tpu.memory_space<hbm>> -> memref<32x128xf32, #tpu.memory_space<hbm>>
      tpu.wait_dma2 semaphore(%arg14 : memref<!tpu.dma_semaphore, #tpu.memory_space<semaphore_mem>>) src(%dma_wait3A_446 : memref<32x128xf32, #tpu.memory_space<hbm>>) dst(%dma_wait3A_444 : memref<32x128xf32, #tpu.memory_space<vmem>>)
      %dma_wait3A_447 = arith.constant 4 : i32
      %dma_wait3A_448 = arith.constant 0 : i32
      %dma_wait3A_449 = arith.constant 0 : i32
      %dma_wait3A_450 = tpu.memref_slice %arg9[%dma_wait3A_447, %dma_wait3A_448, %dma_wait3A_449] : memref<8x32x128xf32, #tpu.memory_space<vmem>> -> memref<1x32x128xf32, #tpu.memory_space<vmem>>
      %dma_wait3A_451 = tpu.memref_squeeze %dma_wait3A_450 : memref<1x32x128xf32, #tpu.memory_space<vmem>> -> memref<32x128xf32, #tpu.memory_space<vmem>>
      %dma_wait3A_452 = arith.constant 0 : i32
      %dma_wait3A_453 = tpu.memref_slice %arg4[%dma_wait3A_452, %multiple_of3A_190] : memref<32x1000000xf32, #tpu.memory_space<hbm>> -> memref<32x128xf32, #tpu.memory_space<hbm>>
      %dma_wait3A_454 = arith.constant 0 : i32
      %dma_wait3A_455 = arith.constant 0 : i32
      %dma_wait3A_456 = tpu.memref_slice %arg9[%dma_wait3A_447, %dma_wait3A_454, %dma_wait3A_455] : memref<8x32x128xf32, #tpu.memory_space<vmem>> -> memref<1x32x128xf32, #tpu.memory_space<vmem>>
      %dma_wait3A_457 = tpu.memref_squeeze %dma_wait3A_456 : memref<1x32x128xf32, #tpu.memory_space<vmem>> -> memref<32x128xf32, #tpu.memory_space<vmem>>
      %dma_wait3A_458 = arith.constant 0 : i32
      %dma_wait3A_459 = tpu.memref_slice %arg4[%dma_wait3A_458, %multiple_of3A_190] : memref<32x1000000xf32, #tpu.memory_space<hbm>> -> memref<32x128xf32, #tpu.memory_space<hbm>>
      tpu.wait_dma2 semaphore(%arg13 : memref<!tpu.dma_semaphore, #tpu.memory_space<semaphore_mem>>) src(%dma_wait3A_459 : memref<32x128xf32, #tpu.memory_space<hbm>>) dst(%dma_wait3A_457 : memref<32x128xf32, #tpu.memory_space<vmem>>)
      %dma_wait3A_460 = arith.constant 4 : i32
      %dma_wait3A_461 = arith.constant 0 : i32
      %dma_wait3A_462 = arith.constant 0 : i32
      %dma_wait3A_463 = tpu.memref_slice %arg10[%dma_wait3A_460, %dma_wait3A_461, %dma_wait3A_462] : memref<8x32x128xf32, #tpu.memory_space<vmem>> -> memref<1x32x128xf32, #tpu.memory_space<vmem>>
      %dma_wait3A_464 = tpu.memref_squeeze %dma_wait3A_463 : memref<1x32x128xf32, #tpu.memory_space<vmem>> -> memref<32x128xf32, #tpu.memory_space<vmem>>
      %dma_wait3A_465 = arith.constant 0 : i32
      %dma_wait3A_466 = tpu.memref_slice %arg5[%dma_wait3A_465, %multiple_of3A_197] : memref<32x1000000xf32, #tpu.memory_space<hbm>> -> memref<32x128xf32, #tpu.memory_space<hbm>>
      %dma_wait3A_467 = arith.constant 0 : i32
      %dma_wait3A_468 = arith.constant 0 : i32
      %dma_wait3A_469 = tpu.memref_slice %arg10[%dma_wait3A_460, %dma_wait3A_467, %dma_wait3A_468] : memref<8x32x128xf32, #tpu.memory_space<vmem>> -> memref<1x32x128xf32, #tpu.memory_space<vmem>>
      %dma_wait3A_470 = tpu.memref_squeeze %dma_wait3A_469 : memref<1x32x128xf32, #tpu.memory_space<vmem>> -> memref<32x128xf32, #tpu.memory_space<vmem>>
      %dma_wait3A_471 = arith.constant 0 : i32
      %dma_wait3A_472 = tpu.memref_slice %arg5[%dma_wait3A_471, %multiple_of3A_197] : memref<32x1000000xf32, #tpu.memory_space<hbm>> -> memref<32x128xf32, #tpu.memory_space<hbm>>
      tpu.wait_dma2 semaphore(%arg14 : memref<!tpu.dma_semaphore, #tpu.memory_space<semaphore_mem>>) src(%dma_wait3A_472 : memref<32x128xf32, #tpu.memory_space<hbm>>) dst(%dma_wait3A_470 : memref<32x128xf32, #tpu.memory_space<vmem>>)
      %dma_wait3A_473 = arith.constant 5 : i32
      %dma_wait3A_474 = arith.constant 0 : i32
      %dma_wait3A_475 = arith.constant 0 : i32
      %dma_wait3A_476 = tpu.memref_slice %arg9[%dma_wait3A_473, %dma_wait3A_474, %dma_wait3A_475] : memref<8x32x128xf32, #tpu.memory_space<vmem>> -> memref<1x32x128xf32, #tpu.memory_space<vmem>>
      %dma_wait3A_477 = tpu.memref_squeeze %dma_wait3A_476 : memref<1x32x128xf32, #tpu.memory_space<vmem>> -> memref<32x128xf32, #tpu.memory_space<vmem>>
      %dma_wait3A_478 = arith.constant 0 : i32
      %dma_wait3A_479 = tpu.memref_slice %arg4[%dma_wait3A_478, %multiple_of3A_230] : memref<32x1000000xf32, #tpu.memory_space<hbm>> -> memref<32x128xf32, #tpu.memory_space<hbm>>
      %dma_wait3A_480 = arith.constant 0 : i32
      %dma_wait3A_481 = arith.constant 0 : i32
      %dma_wait3A_482 = tpu.memref_slice %arg9[%dma_wait3A_473, %dma_wait3A_480, %dma_wait3A_481] : memref<8x32x128xf32, #tpu.memory_space<vmem>> -> memref<1x32x128xf32, #tpu.memory_space<vmem>>
      %dma_wait3A_483 = tpu.memref_squeeze %dma_wait3A_482 : memref<1x32x128xf32, #tpu.memory_space<vmem>> -> memref<32x128xf32, #tpu.memory_space<vmem>>
      %dma_wait3A_484 = arith.constant 0 : i32
      %dma_wait3A_485 = tpu.memref_slice %arg4[%dma_wait3A_484, %multiple_of3A_230] : memref<32x1000000xf32, #tpu.memory_space<hbm>> -> memref<32x128xf32, #tpu.memory_space<hbm>>
      tpu.wait_dma2 semaphore(%arg13 : memref<!tpu.dma_semaphore, #tpu.memory_space<semaphore_mem>>) src(%dma_wait3A_485 : memref<32x128xf32, #tpu.memory_space<hbm>>) dst(%dma_wait3A_483 : memref<32x128xf32, #tpu.memory_space<vmem>>)
      %dma_wait3A_486 = arith.constant 5 : i32
      %dma_wait3A_487 = arith.constant 0 : i32
      %dma_wait3A_488 = arith.constant 0 : i32
      %dma_wait3A_489 = tpu.memref_slice %arg10[%dma_wait3A_486, %dma_wait3A_487, %dma_wait3A_488] : memref<8x32x128xf32, #tpu.memory_space<vmem>> -> memref<1x32x128xf32, #tpu.memory_space<vmem>>
      %dma_wait3A_490 = tpu.memref_squeeze %dma_wait3A_489 : memref<1x32x128xf32, #tpu.memory_space<vmem>> -> memref<32x128xf32, #tpu.memory_space<vmem>>
      %dma_wait3A_491 = arith.constant 0 : i32
      %dma_wait3A_492 = tpu.memref_slice %arg5[%dma_wait3A_491, %multiple_of3A_237] : memref<32x1000000xf32, #tpu.memory_space<hbm>> -> memref<32x128xf32, #tpu.memory_space<hbm>>
      %dma_wait3A_493 = arith.constant 0 : i32
      %dma_wait3A_494 = arith.constant 0 : i32
      %dma_wait3A_495 = tpu.memref_slice %arg10[%dma_wait3A_486, %dma_wait3A_493, %dma_wait3A_494] : memref<8x32x128xf32, #tpu.memory_space<vmem>> -> memref<1x32x128xf32, #tpu.memory_space<vmem>>
      %dma_wait3A_496 = tpu.memref_squeeze %dma_wait3A_495 : memref<1x32x128xf32, #tpu.memory_space<vmem>> -> memref<32x128xf32, #tpu.memory_space<vmem>>
      %dma_wait3A_497 = arith.constant 0 : i32
      %dma_wait3A_498 = tpu.memref_slice %arg5[%dma_wait3A_497, %multiple_of3A_237] : memref<32x1000000xf32, #tpu.memory_space<hbm>> -> memref<32x128xf32, #tpu.memory_space<hbm>>
      tpu.wait_dma2 semaphore(%arg14 : memref<!tpu.dma_semaphore, #tpu.memory_space<semaphore_mem>>) src(%dma_wait3A_498 : memref<32x128xf32, #tpu.memory_space<hbm>>) dst(%dma_wait3A_496 : memref<32x128xf32, #tpu.memory_space<vmem>>)
      %dma_wait3A_499 = arith.constant 6 : i32
      %dma_wait3A_500 = arith.constant 0 : i32
      %dma_wait3A_501 = arith.constant 0 : i32
      %dma_wait3A_502 = tpu.memref_slice %arg9[%dma_wait3A_499, %dma_wait3A_500, %dma_wait3A_501] : memref<8x32x128xf32, #tpu.memory_space<vmem>> -> memref<1x32x128xf32, #tpu.memory_space<vmem>>
      %dma_wait3A_503 = tpu.memref_squeeze %dma_wait3A_502 : memref<1x32x128xf32, #tpu.memory_space<vmem>> -> memref<32x128xf32, #tpu.memory_space<vmem>>
      %dma_wait3A_504 = arith.constant 0 : i32
      %dma_wait3A_505 = tpu.memref_slice %arg4[%dma_wait3A_504, %multiple_of3A_270] : memref<32x1000000xf32, #tpu.memory_space<hbm>> -> memref<32x128xf32, #tpu.memory_space<hbm>>
      %dma_wait3A_506 = arith.constant 0 : i32
      %dma_wait3A_507 = arith.constant 0 : i32
      %dma_wait3A_508 = tpu.memref_slice %arg9[%dma_wait3A_499, %dma_wait3A_506, %dma_wait3A_507] : memref<8x32x128xf32, #tpu.memory_space<vmem>> -> memref<1x32x128xf32, #tpu.memory_space<vmem>>
      %dma_wait3A_509 = tpu.memref_squeeze %dma_wait3A_508 : memref<1x32x128xf32, #tpu.memory_space<vmem>> -> memref<32x128xf32, #tpu.memory_space<vmem>>
      %dma_wait3A_510 = arith.constant 0 : i32
      %dma_wait3A_511 = tpu.memref_slice %arg4[%dma_wait3A_510, %multiple_of3A_270] : memref<32x1000000xf32, #tpu.memory_space<hbm>> -> memref<32x128xf32, #tpu.memory_space<hbm>>
      tpu.wait_dma2 semaphore(%arg13 : memref<!tpu.dma_semaphore, #tpu.memory_space<semaphore_mem>>) src(%dma_wait3A_511 : memref<32x128xf32, #tpu.memory_space<hbm>>) dst(%dma_wait3A_509 : memref<32x128xf32, #tpu.memory_space<vmem>>)
      %dma_wait3A_512 = arith.constant 6 : i32
      %dma_wait3A_513 = arith.constant 0 : i32
      %dma_wait3A_514 = arith.constant 0 : i32
      %dma_wait3A_515 = tpu.memref_slice %arg10[%dma_wait3A_512, %dma_wait3A_513, %dma_wait3A_514] : memref<8x32x128xf32, #tpu.memory_space<vmem>> -> memref<1x32x128xf32, #tpu.memory_space<vmem>>
      %dma_wait3A_516 = tpu.memref_squeeze %dma_wait3A_515 : memref<1x32x128xf32, #tpu.memory_space<vmem>> -> memref<32x128xf32, #tpu.memory_space<vmem>>
      %dma_wait3A_517 = arith.constant 0 : i32
      %dma_wait3A_518 = tpu.memref_slice %arg5[%dma_wait3A_517, %multiple_of3A_277] : memref<32x1000000xf32, #tpu.memory_space<hbm>> -> memref<32x128xf32, #tpu.memory_space<hbm>>
      %dma_wait3A_519 = arith.constant 0 : i32
      %dma_wait3A_520 = arith.constant 0 : i32
      %dma_wait3A_521 = tpu.memref_slice %arg10[%dma_wait3A_512, %dma_wait3A_519, %dma_wait3A_520] : memref<8x32x128xf32, #tpu.memory_space<vmem>> -> memref<1x32x128xf32, #tpu.memory_space<vmem>>
      %dma_wait3A_522 = tpu.memref_squeeze %dma_wait3A_521 : memref<1x32x128xf32, #tpu.memory_space<vmem>> -> memref<32x128xf32, #tpu.memory_space<vmem>>
      %dma_wait3A_523 = arith.constant 0 : i32
      %dma_wait3A_524 = tpu.memref_slice %arg5[%dma_wait3A_523, %multiple_of3A_277] : memref<32x1000000xf32, #tpu.memory_space<hbm>> -> memref<32x128xf32, #tpu.memory_space<hbm>>
      tpu.wait_dma2 semaphore(%arg14 : memref<!tpu.dma_semaphore, #tpu.memory_space<semaphore_mem>>) src(%dma_wait3A_524 : memref<32x128xf32, #tpu.memory_space<hbm>>) dst(%dma_wait3A_522 : memref<32x128xf32, #tpu.memory_space<vmem>>)
      %dma_wait3A_525 = arith.constant 7 : i32
      %dma_wait3A_526 = arith.constant 0 : i32
      %dma_wait3A_527 = arith.constant 0 : i32
      %dma_wait3A_528 = tpu.memref_slice %arg9[%dma_wait3A_525, %dma_wait3A_526, %dma_wait3A_527] : memref<8x32x128xf32, #tpu.memory_space<vmem>> -> memref<1x32x128xf32, #tpu.memory_space<vmem>>
      %dma_wait3A_529 = tpu.memref_squeeze %dma_wait3A_528 : memref<1x32x128xf32, #tpu.memory_space<vmem>> -> memref<32x128xf32, #tpu.memory_space<vmem>>
      %dma_wait3A_530 = arith.constant 0 : i32
      %dma_wait3A_531 = tpu.memref_slice %arg4[%dma_wait3A_530, %multiple_of3A_310] : memref<32x1000000xf32, #tpu.memory_space<hbm>> -> memref<32x128xf32, #tpu.memory_space<hbm>>
      %dma_wait3A_532 = arith.constant 0 : i32
      %dma_wait3A_533 = arith.constant 0 : i32
      %dma_wait3A_534 = tpu.memref_slice %arg9[%dma_wait3A_525, %dma_wait3A_532, %dma_wait3A_533] : memref<8x32x128xf32, #tpu.memory_space<vmem>> -> memref<1x32x128xf32, #tpu.memory_space<vmem>>
      %dma_wait3A_535 = tpu.memref_squeeze %dma_wait3A_534 : memref<1x32x128xf32, #tpu.memory_space<vmem>> -> memref<32x128xf32, #tpu.memory_space<vmem>>
      %dma_wait3A_536 = arith.constant 0 : i32
      %dma_wait3A_537 = tpu.memref_slice %arg4[%dma_wait3A_536, %multiple_of3A_310] : memref<32x1000000xf32, #tpu.memory_space<hbm>> -> memref<32x128xf32, #tpu.memory_space<hbm>>
      tpu.wait_dma2 semaphore(%arg13 : memref<!tpu.dma_semaphore, #tpu.memory_space<semaphore_mem>>) src(%dma_wait3A_537 : memref<32x128xf32, #tpu.memory_space<hbm>>) dst(%dma_wait3A_535 : memref<32x128xf32, #tpu.memory_space<vmem>>)
      %dma_wait3A_538 = arith.constant 7 : i32
      %dma_wait3A_539 = arith.constant 0 : i32
      %dma_wait3A_540 = arith.constant 0 : i32
      %dma_wait3A_541 = tpu.memref_slice %arg10[%dma_wait3A_538, %dma_wait3A_539, %dma_wait3A_540] : memref<8x32x128xf32, #tpu.memory_space<vmem>> -> memref<1x32x128xf32, #tpu.memory_space<vmem>>
      %dma_wait3A_542 = tpu.memref_squeeze %dma_wait3A_541 : memref<1x32x128xf32, #tpu.memory_space<vmem>> -> memref<32x128xf32, #tpu.memory_space<vmem>>
      %dma_wait3A_543 = arith.constant 0 : i32
      %dma_wait3A_544 = tpu.memref_slice %arg5[%dma_wait3A_543, %multiple_of3A_317] : memref<32x1000000xf32, #tpu.memory_space<hbm>> -> memref<32x128xf32, #tpu.memory_space<hbm>>
      %dma_wait3A_545 = arith.constant 0 : i32
      %dma_wait3A_546 = arith.constant 0 : i32
      %dma_wait3A_547 = tpu.memref_slice %arg10[%dma_wait3A_538, %dma_wait3A_545, %dma_wait3A_546] : memref<8x32x128xf32, #tpu.memory_space<vmem>> -> memref<1x32x128xf32, #tpu.memory_space<vmem>>
      %dma_wait3A_548 = tpu.memref_squeeze %dma_wait3A_547 : memref<1x32x128xf32, #tpu.memory_space<vmem>> -> memref<32x128xf32, #tpu.memory_space<vmem>>
      %dma_wait3A_549 = arith.constant 0 : i32
      %dma_wait3A_550 = tpu.memref_slice %arg5[%dma_wait3A_549, %multiple_of3A_317] : memref<32x1000000xf32, #tpu.memory_space<hbm>> -> memref<32x128xf32, #tpu.memory_space<hbm>>
      tpu.wait_dma2 semaphore(%arg14 : memref<!tpu.dma_semaphore, #tpu.memory_space<semaphore_mem>>) src(%dma_wait3A_550 : memref<32x128xf32, #tpu.memory_space<hbm>>) dst(%dma_wait3A_548 : memref<32x128xf32, #tpu.memory_space<vmem>>)
      %broadcast_in_dim3A_551 = arith.constant 0 : i32
      %broadcast_in_dim3A_552 = vector.broadcast %broadcast_in_dim3A_551 : i32 to vector<16xi32>
      %gather3A = tpu.vector_load_idx %arg9[%and3A_28, %broadcast_in_dim3A_552, %and3A_22] : memref<8x32x128xf32, #tpu.memory_space<vmem>>[vector<16xi32>, vector<16xi32>, vector<16xi32>], vector<16xf32>,
      %gather3A_553 = tpu.vector_load_idx %arg10[%and3A_28, %broadcast_in_dim3A_552, %and3A_25] : memref<8x32x128xf32, #tpu.memory_space<vmem>>[vector<16xi32>, vector<16xi32>, vector<16xi32>], vector<16xf32>,
      %mul3A_554 = arith.mulf %gather3A, %gather3A_553 : vector<16xf32>
      %add3A_555 = arith.addf %broadcast_in_dim3A_5, %mul3A_554 : vector<16xf32>
      %broadcast_in_dim3A_556 = arith.constant 1 : i32
      %broadcast_in_dim3A_557 = vector.broadcast %broadcast_in_dim3A_556 : i32 to vector<16xi32>
      %gather3A_558 = tpu.vector_load_idx %arg9[%and3A_28, %broadcast_in_dim3A_557, %and3A_22] : memref<8x32x128xf32, #tpu.memory_space<vmem>>[vector<16xi32>, vector<16xi32>, vector<16xi32>], vector<16xf32>,
      %gather3A_559 = tpu.vector_load_idx %arg10[%and3A_28, %broadcast_in_dim3A_557, %and3A_25] : memref<8x32x128xf32, #tpu.memory_space<vmem>>[vector<16xi32>, vector<16xi32>, vector<16xi32>], vector<16xf32>,
      %mul3A_560 = arith.mulf %gather3A_558, %gather3A_559 : vector<16xf32>
      %add3A_561 = arith.addf %add3A_555, %mul3A_560 : vector<16xf32>
      %broadcast_in_dim3A_562 = arith.constant 2 : i32
      %broadcast_in_dim3A_563 = vector.broadcast %broadcast_in_dim3A_562 : i32 to vector<16xi32>
      %gather3A_564 = tpu.vector_load_idx %arg9[%and3A_28, %broadcast_in_dim3A_563, %and3A_22] : memref<8x32x128xf32, #tpu.memory_space<vmem>>[vector<16xi32>, vector<16xi32>, vector<16xi32>], vector<16xf32>,
      %gather3A_565 = tpu.vector_load_idx %arg10[%and3A_28, %broadcast_in_dim3A_563, %and3A_25] : memref<8x32x128xf32, #tpu.memory_space<vmem>>[vector<16xi32>, vector<16xi32>, vector<16xi32>], vector<16xf32>,
      %mul3A_566 = arith.mulf %gather3A_564, %gather3A_565 : vector<16xf32>
      %add3A_567 = arith.addf %add3A_561, %mul3A_566 : vector<16xf32>
      %broadcast_in_dim3A_568 = arith.constant 3 : i32
      %broadcast_in_dim3A_569 = vector.broadcast %broadcast_in_dim3A_568 : i32 to vector<16xi32>
      %gather3A_570 = tpu.vector_load_idx %arg9[%and3A_28, %broadcast_in_dim3A_569, %and3A_22] : memref<8x32x128xf32, #tpu.memory_space<vmem>>[vector<16xi32>, vector<16xi32>, vector<16xi32>], vector<16xf32>,
      %gather3A_571 = tpu.vector_load_idx %arg10[%and3A_28, %broadcast_in_dim3A_569, %and3A_25] : memref<8x32x128xf32, #tpu.memory_space<vmem>>[vector<16xi32>, vector<16xi32>, vector<16xi32>], vector<16xf32>,
      %mul3A_572 = arith.mulf %gather3A_570, %gather3A_571 : vector<16xf32>
      %add3A_573 = arith.addf %add3A_567, %mul3A_572 : vector<16xf32>
      %broadcast_in_dim3A_574 = arith.constant 4 : i32
      %broadcast_in_dim3A_575 = vector.broadcast %broadcast_in_dim3A_574 : i32 to vector<16xi32>
      %gather3A_576 = tpu.vector_load_idx %arg9[%and3A_28, %broadcast_in_dim3A_575, %and3A_22] : memref<8x32x128xf32, #tpu.memory_space<vmem>>[vector<16xi32>, vector<16xi32>, vector<16xi32>], vector<16xf32>,
      %gather3A_577 = tpu.vector_load_idx %arg10[%and3A_28, %broadcast_in_dim3A_575, %and3A_25] : memref<8x32x128xf32, #tpu.memory_space<vmem>>[vector<16xi32>, vector<16xi32>, vector<16xi32>], vector<16xf32>,
      %mul3A_578 = arith.mulf %gather3A_576, %gather3A_577 : vector<16xf32>
      %add3A_579 = arith.addf %add3A_573, %mul3A_578 : vector<16xf32>
      %broadcast_in_dim3A_580 = arith.constant 5 : i32
      %broadcast_in_dim3A_581 = vector.broadcast %broadcast_in_dim3A_580 : i32 to vector<16xi32>
      %gather3A_582 = tpu.vector_load_idx %arg9[%and3A_28, %broadcast_in_dim3A_581, %and3A_22] : memref<8x32x128xf32, #tpu.memory_space<vmem>>[vector<16xi32>, vector<16xi32>, vector<16xi32>], vector<16xf32>,
      %gather3A_583 = tpu.vector_load_idx %arg10[%and3A_28, %broadcast_in_dim3A_581, %and3A_25] : memref<8x32x128xf32, #tpu.memory_space<vmem>>[vector<16xi32>, vector<16xi32>, vector<16xi32>], vector<16xf32>,
      %mul3A_584 = arith.mulf %gather3A_582, %gather3A_583 : vector<16xf32>
      %add3A_585 = arith.addf %add3A_579, %mul3A_584 : vector<16xf32>
      %broadcast_in_dim3A_586 = arith.constant 6 : i32
      %broadcast_in_dim3A_587 = vector.broadcast %broadcast_in_dim3A_586 : i32 to vector<16xi32>
      %gather3A_588 = tpu.vector_load_idx %arg9[%and3A_28, %broadcast_in_dim3A_587, %and3A_22] : memref<8x32x128xf32, #tpu.memory_space<vmem>>[vector<16xi32>, vector<16xi32>, vector<16xi32>], vector<16xf32>,
      %gather3A_589 = tpu.vector_load_idx %arg10[%and3A_28, %broadcast_in_dim3A_587, %and3A_25] : memref<8x32x128xf32, #tpu.memory_space<vmem>>[vector<16xi32>, vector<16xi32>, vector<16xi32>], vector<16xf32>,
      %mul3A_590 = arith.mulf %gather3A_588, %gather3A_589 : vector<16xf32>
      %add3A_591 = arith.addf %add3A_585, %mul3A_590 : vector<16xf32>
      %broadcast_in_dim3A_592 = arith.constant 7 : i32
      %broadcast_in_dim3A_593 = vector.broadcast %broadcast_in_dim3A_592 : i32 to vector<16xi32>
      %gather3A_594 = tpu.vector_load_idx %arg9[%and3A_28, %broadcast_in_dim3A_593, %and3A_22] : memref<8x32x128xf32, #tpu.memory_space<vmem>>[vector<16xi32>, vector<16xi32>, vector<16xi32>], vector<16xf32>,
      %gather3A_595 = tpu.vector_load_idx %arg10[%and3A_28, %broadcast_in_dim3A_593, %and3A_25] : memref<8x32x128xf32, #tpu.memory_space<vmem>>[vector<16xi32>, vector<16xi32>, vector<16xi32>], vector<16xf32>,
      %mul3A_596 = arith.mulf %gather3A_594, %gather3A_595 : vector<16xf32>
      %add3A_597 = arith.addf %add3A_591, %mul3A_596 : vector<16xf32>
      %broadcast_in_dim3A_598 = arith.constant 8 : i32
      %broadcast_in_dim3A_599 = vector.broadcast %broadcast_in_dim3A_598 : i32 to vector<16xi32>
      %gather3A_600 = tpu.vector_load_idx %arg9[%and3A_28, %broadcast_in_dim3A_599, %and3A_22] : memref<8x32x128xf32, #tpu.memory_space<vmem>>[vector<16xi32>, vector<16xi32>, vector<16xi32>], vector<16xf32>,
      %gather3A_601 = tpu.vector_load_idx %arg10[%and3A_28, %broadcast_in_dim3A_599, %and3A_25] : memref<8x32x128xf32, #tpu.memory_space<vmem>>[vector<16xi32>, vector<16xi32>, vector<16xi32>], vector<16xf32>,
      %mul3A_602 = arith.mulf %gather3A_600, %gather3A_601 : vector<16xf32>
      %add3A_603 = arith.addf %add3A_597, %mul3A_602 : vector<16xf32>
      %broadcast_in_dim3A_604 = arith.constant 9 : i32
      %broadcast_in_dim3A_605 = vector.broadcast %broadcast_in_dim3A_604 : i32 to vector<16xi32>
      %gather3A_606 = tpu.vector_load_idx %arg9[%and3A_28, %broadcast_in_dim3A_605, %and3A_22] : memref<8x32x128xf32, #tpu.memory_space<vmem>>[vector<16xi32>, vector<16xi32>, vector<16xi32>], vector<16xf32>,
      %gather3A_607 = tpu.vector_load_idx %arg10[%and3A_28, %broadcast_in_dim3A_605, %and3A_25] : memref<8x32x128xf32, #tpu.memory_space<vmem>>[vector<16xi32>, vector<16xi32>, vector<16xi32>], vector<16xf32>,
      %mul3A_608 = arith.mulf %gather3A_606, %gather3A_607 : vector<16xf32>
      %add3A_609 = arith.addf %add3A_603, %mul3A_608 : vector<16xf32>
      %broadcast_in_dim3A_610 = arith.constant 10 : i32
      %broadcast_in_dim3A_611 = vector.broadcast %broadcast_in_dim3A_610 : i32 to vector<16xi32>
      %gather3A_612 = tpu.vector_load_idx %arg9[%and3A_28, %broadcast_in_dim3A_611, %and3A_22] : memref<8x32x128xf32, #tpu.memory_space<vmem>>[vector<16xi32>, vector<16xi32>, vector<16xi32>], vector<16xf32>,
      %gather3A_613 = tpu.vector_load_idx %arg10[%and3A_28, %broadcast_in_dim3A_611, %and3A_25] : memref<8x32x128xf32, #tpu.memory_space<vmem>>[vector<16xi32>, vector<16xi32>, vector<16xi32>], vector<16xf32>,
      %mul3A_614 = arith.mulf %gather3A_612, %gather3A_613 : vector<16xf32>
      %add3A_615 = arith.addf %add3A_609, %mul3A_614 : vector<16xf32>
      %broadcast_in_dim3A_616 = arith.constant 11 : i32
      %broadcast_in_dim3A_617 = vector.broadcast %broadcast_in_dim3A_616 : i32 to vector<16xi32>
      %gather3A_618 = tpu.vector_load_idx %arg9[%and3A_28, %broadcast_in_dim3A_617, %and3A_22] : memref<8x32x128xf32, #tpu.memory_space<vmem>>[vector<16xi32>, vector<16xi32>, vector<16xi32>], vector<16xf32>,
      %gather3A_619 = tpu.vector_load_idx %arg10[%and3A_28, %broadcast_in_dim3A_617, %and3A_25] : memref<8x32x128xf32, #tpu.memory_space<vmem>>[vector<16xi32>, vector<16xi32>, vector<16xi32>], vector<16xf32>,
      %mul3A_620 = arith.mulf %gather3A_618, %gather3A_619 : vector<16xf32>
      %add3A_621 = arith.addf %add3A_615, %mul3A_620 : vector<16xf32>
      %broadcast_in_dim3A_622 = arith.constant 12 : i32
      %broadcast_in_dim3A_623 = vector.broadcast %broadcast_in_dim3A_622 : i32 to vector<16xi32>
      %gather3A_624 = tpu.vector_load_idx %arg9[%and3A_28, %broadcast_in_dim3A_623, %and3A_22] : memref<8x32x128xf32, #tpu.memory_space<vmem>>[vector<16xi32>, vector<16xi32>, vector<16xi32>], vector<16xf32>,
      %gather3A_625 = tpu.vector_load_idx %arg10[%and3A_28, %broadcast_in_dim3A_623, %and3A_25] : memref<8x32x128xf32, #tpu.memory_space<vmem>>[vector<16xi32>, vector<16xi32>, vector<16xi32>], vector<16xf32>,
      %mul3A_626 = arith.mulf %gather3A_624, %gather3A_625 : vector<16xf32>
      %add3A_627 = arith.addf %add3A_621, %mul3A_626 : vector<16xf32>
      %broadcast_in_dim3A_628 = arith.constant 13 : i32
      %broadcast_in_dim3A_629 = vector.broadcast %broadcast_in_dim3A_628 : i32 to vector<16xi32>
      %gather3A_630 = tpu.vector_load_idx %arg9[%and3A_28, %broadcast_in_dim3A_629, %and3A_22] : memref<8x32x128xf32, #tpu.memory_space<vmem>>[vector<16xi32>, vector<16xi32>, vector<16xi32>], vector<16xf32>,
      %gather3A_631 = tpu.vector_load_idx %arg10[%and3A_28, %broadcast_in_dim3A_629, %and3A_25] : memref<8x32x128xf32, #tpu.memory_space<vmem>>[vector<16xi32>, vector<16xi32>, vector<16xi32>], vector<16xf32>,
      %mul3A_632 = arith.mulf %gather3A_630, %gather3A_631 : vector<16xf32>
      %add3A_633 = arith.addf %add3A_627, %mul3A_632 : vector<16xf32>
      %broadcast_in_dim3A_634 = arith.constant 14 : i32
      %broadcast_in_dim3A_635 = vector.broadcast %broadcast_in_dim3A_634 : i32 to vector<16xi32>
      %gather3A_636 = tpu.vector_load_idx %arg9[%and3A_28, %broadcast_in_dim3A_635, %and3A_22] : memref<8x32x128xf32, #tpu.memory_space<vmem>>[vector<16xi32>, vector<16xi32>, vector<16xi32>], vector<16xf32>,
      %gather3A_637 = tpu.vector_load_idx %arg10[%and3A_28, %broadcast_in_dim3A_635, %and3A_25] : memref<8x32x128xf32, #tpu.memory_space<vmem>>[vector<16xi32>, vector<16xi32>, vector<16xi32>], vector<16xf32>,
      %mul3A_638 = arith.mulf %gather3A_636, %gather3A_637 : vector<16xf32>
      %add3A_639 = arith.addf %add3A_633, %mul3A_638 : vector<16xf32>
      %broadcast_in_dim3A_640 = arith.constant 15 : i32
      %broadcast_in_dim3A_641 = vector.broadcast %broadcast_in_dim3A_640 : i32 to vector<16xi32>
      %gather3A_642 = tpu.vector_load_idx %arg9[%and3A_28, %broadcast_in_dim3A_641, %and3A_22] : memref<8x32x128xf32, #tpu.memory_space<vmem>>[vector<16xi32>, vector<16xi32>, vector<16xi32>], vector<16xf32>,
      %gather3A_643 = tpu.vector_load_idx %arg10[%and3A_28, %broadcast_in_dim3A_641, %and3A_25] : memref<8x32x128xf32, #tpu.memory_space<vmem>>[vector<16xi32>, vector<16xi32>, vector<16xi32>], vector<16xf32>,
      %mul3A_644 = arith.mulf %gather3A_642, %gather3A_643 : vector<16xf32>
      %add3A_645 = arith.addf %add3A_639, %mul3A_644 : vector<16xf32>
      %broadcast_in_dim3A_646 = arith.constant 16 : i32
      %broadcast_in_dim3A_647 = vector.broadcast %broadcast_in_dim3A_646 : i32 to vector<16xi32>
      %gather3A_648 = tpu.vector_load_idx %arg9[%and3A_28, %broadcast_in_dim3A_647, %and3A_22] : memref<8x32x128xf32, #tpu.memory_space<vmem>>[vector<16xi32>, vector<16xi32>, vector<16xi32>], vector<16xf32>,
      %gather3A_649 = tpu.vector_load_idx %arg10[%and3A_28, %broadcast_in_dim3A_647, %and3A_25] : memref<8x32x128xf32, #tpu.memory_space<vmem>>[vector<16xi32>, vector<16xi32>, vector<16xi32>], vector<16xf32>,
      %mul3A_650 = arith.mulf %gather3A_648, %gather3A_649 : vector<16xf32>
      %add3A_651 = arith.addf %add3A_645, %mul3A_650 : vector<16xf32>
      %broadcast_in_dim3A_652 = arith.constant 17 : i32
      %broadcast_in_dim3A_653 = vector.broadcast %broadcast_in_dim3A_652 : i32 to vector<16xi32>
      %gather3A_654 = tpu.vector_load_idx %arg9[%and3A_28, %broadcast_in_dim3A_653, %and3A_22] : memref<8x32x128xf32, #tpu.memory_space<vmem>>[vector<16xi32>, vector<16xi32>, vector<16xi32>], vector<16xf32>,
      %gather3A_655 = tpu.vector_load_idx %arg10[%and3A_28, %broadcast_in_dim3A_653, %and3A_25] : memref<8x32x128xf32, #tpu.memory_space<vmem>>[vector<16xi32>, vector<16xi32>, vector<16xi32>], vector<16xf32>,
      %mul3A_656 = arith.mulf %gather3A_654, %gather3A_655 : vector<16xf32>
      %add3A_657 = arith.addf %add3A_651, %mul3A_656 : vector<16xf32>
      %broadcast_in_dim3A_658 = arith.constant 18 : i32
      %broadcast_in_dim3A_659 = vector.broadcast %broadcast_in_dim3A_658 : i32 to vector<16xi32>
      %gather3A_660 = tpu.vector_load_idx %arg9[%and3A_28, %broadcast_in_dim3A_659, %and3A_22] : memref<8x32x128xf32, #tpu.memory_space<vmem>>[vector<16xi32>, vector<16xi32>, vector<16xi32>], vector<16xf32>,
      %gather3A_661 = tpu.vector_load_idx %arg10[%and3A_28, %broadcast_in_dim3A_659, %and3A_25] : memref<8x32x128xf32, #tpu.memory_space<vmem>>[vector<16xi32>, vector<16xi32>, vector<16xi32>], vector<16xf32>,
      %mul3A_662 = arith.mulf %gather3A_660, %gather3A_661 : vector<16xf32>
      %add3A_663 = arith.addf %add3A_657, %mul3A_662 : vector<16xf32>
      %broadcast_in_dim3A_664 = arith.constant 19 : i32
      %broadcast_in_dim3A_665 = vector.broadcast %broadcast_in_dim3A_664 : i32 to vector<16xi32>
      %gather3A_666 = tpu.vector_load_idx %arg9[%and3A_28, %broadcast_in_dim3A_665, %and3A_22] : memref<8x32x128xf32, #tpu.memory_space<vmem>>[vector<16xi32>, vector<16xi32>, vector<16xi32>], vector<16xf32>,
      %gather3A_667 = tpu.vector_load_idx %arg10[%and3A_28, %broadcast_in_dim3A_665, %and3A_25] : memref<8x32x128xf32, #tpu.memory_space<vmem>>[vector<16xi32>, vector<16xi32>, vector<16xi32>], vector<16xf32>,
      %mul3A_668 = arith.mulf %gather3A_666, %gather3A_667 : vector<16xf32>
      %add3A_669 = arith.addf %add3A_663, %mul3A_668 : vector<16xf32>
      %broadcast_in_dim3A_670 = arith.constant 20 : i32
      %broadcast_in_dim3A_671 = vector.broadcast %broadcast_in_dim3A_670 : i32 to vector<16xi32>
      %gather3A_672 = tpu.vector_load_idx %arg9[%and3A_28, %broadcast_in_dim3A_671, %and3A_22] : memref<8x32x128xf32, #tpu.memory_space<vmem>>[vector<16xi32>, vector<16xi32>, vector<16xi32>], vector<16xf32>,
      %gather3A_673 = tpu.vector_load_idx %arg10[%and3A_28, %broadcast_in_dim3A_671, %and3A_25] : memref<8x32x128xf32, #tpu.memory_space<vmem>>[vector<16xi32>, vector<16xi32>, vector<16xi32>], vector<16xf32>,
      %mul3A_674 = arith.mulf %gather3A_672, %gather3A_673 : vector<16xf32>
      %add3A_675 = arith.addf %add3A_669, %mul3A_674 : vector<16xf32>
      %broadcast_in_dim3A_676 = arith.constant 21 : i32
      %broadcast_in_dim3A_677 = vector.broadcast %broadcast_in_dim3A_676 : i32 to vector<16xi32>
      %gather3A_678 = tpu.vector_load_idx %arg9[%and3A_28, %broadcast_in_dim3A_677, %and3A_22] : memref<8x32x128xf32, #tpu.memory_space<vmem>>[vector<16xi32>, vector<16xi32>, vector<16xi32>], vector<16xf32>,
      %gather3A_679 = tpu.vector_load_idx %arg10[%and3A_28, %broadcast_in_dim3A_677, %and3A_25] : memref<8x32x128xf32, #tpu.memory_space<vmem>>[vector<16xi32>, vector<16xi32>, vector<16xi32>], vector<16xf32>,
      %mul3A_680 = arith.mulf %gather3A_678, %gather3A_679 : vector<16xf32>
      %add3A_681 = arith.addf %add3A_675, %mul3A_680 : vector<16xf32>
      %broadcast_in_dim3A_682 = arith.constant 22 : i32
      %broadcast_in_dim3A_683 = vector.broadcast %broadcast_in_dim3A_682 : i32 to vector<16xi32>
      %gather3A_684 = tpu.vector_load_idx %arg9[%and3A_28, %broadcast_in_dim3A_683, %and3A_22] : memref<8x32x128xf32, #tpu.memory_space<vmem>>[vector<16xi32>, vector<16xi32>, vector<16xi32>], vector<16xf32>,
      %gather3A_685 = tpu.vector_load_idx %arg10[%and3A_28, %broadcast_in_dim3A_683, %and3A_25] : memref<8x32x128xf32, #tpu.memory_space<vmem>>[vector<16xi32>, vector<16xi32>, vector<16xi32>], vector<16xf32>,
      %mul3A_686 = arith.mulf %gather3A_684, %gather3A_685 : vector<16xf32>
      %add3A_687 = arith.addf %add3A_681, %mul3A_686 : vector<16xf32>
      %broadcast_in_dim3A_688 = arith.constant 23 : i32
      %broadcast_in_dim3A_689 = vector.broadcast %broadcast_in_dim3A_688 : i32 to vector<16xi32>
      %gather3A_690 = tpu.vector_load_idx %arg9[%and3A_28, %broadcast_in_dim3A_689, %and3A_22] : memref<8x32x128xf32, #tpu.memory_space<vmem>>[vector<16xi32>, vector<16xi32>, vector<16xi32>], vector<16xf32>,
      %gather3A_691 = tpu.vector_load_idx %arg10[%and3A_28, %broadcast_in_dim3A_689, %and3A_25] : memref<8x32x128xf32, #tpu.memory_space<vmem>>[vector<16xi32>, vector<16xi32>, vector<16xi32>], vector<16xf32>,
      %mul3A_692 = arith.mulf %gather3A_690, %gather3A_691 : vector<16xf32>
      %add3A_693 = arith.addf %add3A_687, %mul3A_692 : vector<16xf32>
      %broadcast_in_dim3A_694 = arith.constant 24 : i32
      %broadcast_in_dim3A_695 = vector.broadcast %broadcast_in_dim3A_694 : i32 to vector<16xi32>
      %gather3A_696 = tpu.vector_load_idx %arg9[%and3A_28, %broadcast_in_dim3A_695, %and3A_22] : memref<8x32x128xf32, #tpu.memory_space<vmem>>[vector<16xi32>, vector<16xi32>, vector<16xi32>], vector<16xf32>,
      %gather3A_697 = tpu.vector_load_idx %arg10[%and3A_28, %broadcast_in_dim3A_695, %and3A_25] : memref<8x32x128xf32, #tpu.memory_space<vmem>>[vector<16xi32>, vector<16xi32>, vector<16xi32>], vector<16xf32>,
      %mul3A_698 = arith.mulf %gather3A_696, %gather3A_697 : vector<16xf32>
      %add3A_699 = arith.addf %add3A_693, %mul3A_698 : vector<16xf32>
      %broadcast_in_dim3A_700 = arith.constant 25 : i32
      %broadcast_in_dim3A_701 = vector.broadcast %broadcast_in_dim3A_700 : i32 to vector<16xi32>
      %gather3A_702 = tpu.vector_load_idx %arg9[%and3A_28, %broadcast_in_dim3A_701, %and3A_22] : memref<8x32x128xf32, #tpu.memory_space<vmem>>[vector<16xi32>, vector<16xi32>, vector<16xi32>], vector<16xf32>,
      %gather3A_703 = tpu.vector_load_idx %arg10[%and3A_28, %broadcast_in_dim3A_701, %and3A_25] : memref<8x32x128xf32, #tpu.memory_space<vmem>>[vector<16xi32>, vector<16xi32>, vector<16xi32>], vector<16xf32>,
      %mul3A_704 = arith.mulf %gather3A_702, %gather3A_703 : vector<16xf32>
      %add3A_705 = arith.addf %add3A_699, %mul3A_704 : vector<16xf32>
      %broadcast_in_dim3A_706 = arith.constant 26 : i32
      %broadcast_in_dim3A_707 = vector.broadcast %broadcast_in_dim3A_706 : i32 to vector<16xi32>
      %gather3A_708 = tpu.vector_load_idx %arg9[%and3A_28, %broadcast_in_dim3A_707, %and3A_22] : memref<8x32x128xf32, #tpu.memory_space<vmem>>[vector<16xi32>, vector<16xi32>, vector<16xi32>], vector<16xf32>,
      %gather3A_709 = tpu.vector_load_idx %arg10[%and3A_28, %broadcast_in_dim3A_707, %and3A_25] : memref<8x32x128xf32, #tpu.memory_space<vmem>>[vector<16xi32>, vector<16xi32>, vector<16xi32>], vector<16xf32>,
      %mul3A_710 = arith.mulf %gather3A_708, %gather3A_709 : vector<16xf32>
      %add3A_711 = arith.addf %add3A_705, %mul3A_710 : vector<16xf32>
      %broadcast_in_dim3A_712 = arith.constant 27 : i32
      %broadcast_in_dim3A_713 = vector.broadcast %broadcast_in_dim3A_712 : i32 to vector<16xi32>
      %gather3A_714 = tpu.vector_load_idx %arg9[%and3A_28, %broadcast_in_dim3A_713, %and3A_22] : memref<8x32x128xf32, #tpu.memory_space<vmem>>[vector<16xi32>, vector<16xi32>, vector<16xi32>], vector<16xf32>,
      %gather3A_715 = tpu.vector_load_idx %arg10[%and3A_28, %broadcast_in_dim3A_713, %and3A_25] : memref<8x32x128xf32, #tpu.memory_space<vmem>>[vector<16xi32>, vector<16xi32>, vector<16xi32>], vector<16xf32>,
      %mul3A_716 = arith.mulf %gather3A_714, %gather3A_715 : vector<16xf32>
      %add3A_717 = arith.addf %add3A_711, %mul3A_716 : vector<16xf32>
      %broadcast_in_dim3A_718 = arith.constant 28 : i32
      %broadcast_in_dim3A_719 = vector.broadcast %broadcast_in_dim3A_718 : i32 to vector<16xi32>
      %gather3A_720 = tpu.vector_load_idx %arg9[%and3A_28, %broadcast_in_dim3A_719, %and3A_22] : memref<8x32x128xf32, #tpu.memory_space<vmem>>[vector<16xi32>, vector<16xi32>, vector<16xi32>], vector<16xf32>,
      %gather3A_721 = tpu.vector_load_idx %arg10[%and3A_28, %broadcast_in_dim3A_719, %and3A_25] : memref<8x32x128xf32, #tpu.memory_space<vmem>>[vector<16xi32>, vector<16xi32>, vector<16xi32>], vector<16xf32>,
      %mul3A_722 = arith.mulf %gather3A_720, %gather3A_721 : vector<16xf32>
      %add3A_723 = arith.addf %add3A_717, %mul3A_722 : vector<16xf32>
      %broadcast_in_dim3A_724 = arith.constant 29 : i32
      %broadcast_in_dim3A_725 = vector.broadcast %broadcast_in_dim3A_724 : i32 to vector<16xi32>
      %gather3A_726 = tpu.vector_load_idx %arg9[%and3A_28, %broadcast_in_dim3A_725, %and3A_22] : memref<8x32x128xf32, #tpu.memory_space<vmem>>[vector<16xi32>, vector<16xi32>, vector<16xi32>], vector<16xf32>,
      %gather3A_727 = tpu.vector_load_idx %arg10[%and3A_28, %broadcast_in_dim3A_725, %and3A_25] : memref<8x32x128xf32, #tpu.memory_space<vmem>>[vector<16xi32>, vector<16xi32>, vector<16xi32>], vector<16xf32>,
      %mul3A_728 = arith.mulf %gather3A_726, %gather3A_727 : vector<16xf32>
      %add3A_729 = arith.addf %add3A_723, %mul3A_728 : vector<16xf32>
      %broadcast_in_dim3A_730 = arith.constant 30 : i32
      %broadcast_in_dim3A_731 = vector.broadcast %broadcast_in_dim3A_730 : i32 to vector<16xi32>
      %gather3A_732 = tpu.vector_load_idx %arg9[%and3A_28, %broadcast_in_dim3A_731, %and3A_22] : memref<8x32x128xf32, #tpu.memory_space<vmem>>[vector<16xi32>, vector<16xi32>, vector<16xi32>], vector<16xf32>,
      %gather3A_733 = tpu.vector_load_idx %arg10[%and3A_28, %broadcast_in_dim3A_731, %and3A_25] : memref<8x32x128xf32, #tpu.memory_space<vmem>>[vector<16xi32>, vector<16xi32>, vector<16xi32>], vector<16xf32>,
      %mul3A_734 = arith.mulf %gather3A_732, %gather3A_733 : vector<16xf32>
      %add3A_735 = arith.addf %add3A_729, %mul3A_734 : vector<16xf32>
      %broadcast_in_dim3A_736 = arith.constant 31 : i32
      %broadcast_in_dim3A_737 = vector.broadcast %broadcast_in_dim3A_736 : i32 to vector<16xi32>
      %gather3A_738 = tpu.vector_load_idx %arg9[%and3A_28, %broadcast_in_dim3A_737, %and3A_22] : memref<8x32x128xf32, #tpu.memory_space<vmem>>[vector<16xi32>, vector<16xi32>, vector<16xi32>], vector<16xf32>,
      %gather3A_739 = tpu.vector_load_idx %arg10[%and3A_28, %broadcast_in_dim3A_737, %and3A_25] : memref<8x32x128xf32, #tpu.memory_space<vmem>>[vector<16xi32>, vector<16xi32>, vector<16xi32>], vector<16xf32>,
      %mul3A_740 = arith.mulf %gather3A_738, %gather3A_739 : vector<16xf32>
      %add3A_741 = arith.addf %add3A_735, %mul3A_740 : vector<16xf32>
      %slice3A_742 = vector.extract_strided_slice %get3A_16 {offsets = [8], sizes = [1], strides = [1]} : vector<16xi32> to vector<1xi32>
      %squeeze3A_743 = vector.extract %slice3A_742[0] : i32 from vector<1xi32>
      %shift_right_arithmetic3A_744 = arith.constant 7 : i32
      %shift_right_arithmetic3A_745 = arith.shrsi %squeeze3A_743, %shift_right_arithmetic3A_744 : i32
      %mul3A_746 = arith.constant 128 : i32
      %mul3A_747 = arith.muli %shift_right_arithmetic3A_745, %mul3A_746 : i32
      %multiple_of3A_748 = tpu.assume_multiple %mul3A_747, 128 : i32
      %slice3A_749 = vector.extract_strided_slice %get3A_20 {offsets = [8], sizes = [1], strides = [1]} : vector<16xi32> to vector<1xi32>
      %squeeze3A_750 = vector.extract %slice3A_749[0] : i32 from vector<1xi32>
      %shift_right_arithmetic3A_751 = arith.constant 7 : i32
      %shift_right_arithmetic3A_752 = arith.shrsi %squeeze3A_750, %shift_right_arithmetic3A_751 : i32
      %mul3A_753 = arith.constant 128 : i32
      %mul3A_754 = arith.muli %shift_right_arithmetic3A_752, %mul3A_753 : i32
      %multiple_of3A_755 = tpu.assume_multiple %mul3A_754, 128 : i32
      %dma_start3A_756 = arith.constant 0 : i32
      %dma_start3A_757 = arith.constant 0 : i32
      %dma_start3A_758 = arith.constant 0 : i32
      %dma_start3A_759 = tpu.memref_slice %arg9[%dma_start3A_756, %dma_start3A_757, %dma_start3A_758] : memref<8x32x128xf32, #tpu.memory_space<vmem>> -> memref<1x32x128xf32, #tpu.memory_space<vmem>>
      %dma_start3A_760 = tpu.memref_squeeze %dma_start3A_759 : memref<1x32x128xf32, #tpu.memory_space<vmem>> -> memref<32x128xf32, #tpu.memory_space<vmem>>
      %dma_start3A_761 = arith.constant 0 : i32
      %dma_start3A_762 = tpu.memref_slice %arg4[%dma_start3A_761, %multiple_of3A_748] : memref<32x1000000xf32, #tpu.memory_space<hbm>> -> memref<32x128xf32, #tpu.memory_space<hbm>>
      %dma_start3A_763 = arith.constant 0 : i32
      %dma_start3A_764 = arith.constant 0 : i32
      %dma_start3A_765 = tpu.memref_slice %arg9[%dma_start3A_756, %dma_start3A_763, %dma_start3A_764] : memref<8x32x128xf32, #tpu.memory_space<vmem>> -> memref<1x32x128xf32, #tpu.memory_space<vmem>>
      %dma_start3A_766 = tpu.memref_squeeze %dma_start3A_765 : memref<1x32x128xf32, #tpu.memory_space<vmem>> -> memref<32x128xf32, #tpu.memory_space<vmem>>
      %dma_start3A_767 = arith.constant 0 : i32
      %dma_start3A_768 = tpu.memref_slice %arg4[%dma_start3A_767, %multiple_of3A_748] : memref<32x1000000xf32, #tpu.memory_space<hbm>> -> memref<32x128xf32, #tpu.memory_space<hbm>>
      tpu.enqueue_dma source(%dma_start3A_768 : memref<32x128xf32, #tpu.memory_space<hbm>>) target(%dma_start3A_766 : memref<32x128xf32, #tpu.memory_space<vmem>>) target_semaphore(%arg13 : memref<!tpu.dma_semaphore, #tpu.memory_space<semaphore_mem>>)
      %dma_start3A_769 = arith.constant 0 : i32
      %dma_start3A_770 = arith.constant 0 : i32
      %dma_start3A_771 = arith.constant 0 : i32
      %dma_start3A_772 = tpu.memref_slice %arg10[%dma_start3A_769, %dma_start3A_770, %dma_start3A_771] : memref<8x32x128xf32, #tpu.memory_space<vmem>> -> memref<1x32x128xf32, #tpu.memory_space<vmem>>
      %dma_start3A_773 = tpu.memref_squeeze %dma_start3A_772 : memref<1x32x128xf32, #tpu.memory_space<vmem>> -> memref<32x128xf32, #tpu.memory_space<vmem>>
      %dma_start3A_774 = arith.constant 0 : i32
      %dma_start3A_775 = tpu.memref_slice %arg5[%dma_start3A_774, %multiple_of3A_755] : memref<32x1000000xf32, #tpu.memory_space<hbm>> -> memref<32x128xf32, #tpu.memory_space<hbm>>
      %dma_start3A_776 = arith.constant 0 : i32
      %dma_start3A_777 = arith.constant 0 : i32
      %dma_start3A_778 = tpu.memref_slice %arg10[%dma_start3A_769, %dma_start3A_776, %dma_start3A_777] : memref<8x32x128xf32, #tpu.memory_space<vmem>> -> memref<1x32x128xf32, #tpu.memory_space<vmem>>
      %dma_start3A_779 = tpu.memref_squeeze %dma_start3A_778 : memref<1x32x128xf32, #tpu.memory_space<vmem>> -> memref<32x128xf32, #tpu.memory_space<vmem>>
      %dma_start3A_780 = arith.constant 0 : i32
      %dma_start3A_781 = tpu.memref_slice %arg5[%dma_start3A_780, %multiple_of3A_755] : memref<32x1000000xf32, #tpu.memory_space<hbm>> -> memref<32x128xf32, #tpu.memory_space<hbm>>
      tpu.enqueue_dma source(%dma_start3A_781 : memref<32x128xf32, #tpu.memory_space<hbm>>) target(%dma_start3A_779 : memref<32x128xf32, #tpu.memory_space<vmem>>) target_semaphore(%arg14 : memref<!tpu.dma_semaphore, #tpu.memory_space<semaphore_mem>>)
      %slice3A_782 = vector.extract_strided_slice %get3A_16 {offsets = [9], sizes = [1], strides = [1]} : vector<16xi32> to vector<1xi32>
      %squeeze3A_783 = vector.extract %slice3A_782[0] : i32 from vector<1xi32>
      %shift_right_arithmetic3A_784 = arith.constant 7 : i32
      %shift_right_arithmetic3A_785 = arith.shrsi %squeeze3A_783, %shift_right_arithmetic3A_784 : i32
      %mul3A_786 = arith.constant 128 : i32
      %mul3A_787 = arith.muli %shift_right_arithmetic3A_785, %mul3A_786 : i32
      %multiple_of3A_788 = tpu.assume_multiple %mul3A_787, 128 : i32
      %slice3A_789 = vector.extract_strided_slice %get3A_20 {offsets = [9], sizes = [1], strides = [1]} : vector<16xi32> to vector<1xi32>
      %squeeze3A_790 = vector.extract %slice3A_789[0] : i32 from vector<1xi32>
      %shift_right_arithmetic3A_791 = arith.constant 7 : i32
      %shift_right_arithmetic3A_792 = arith.shrsi %squeeze3A_790, %shift_right_arithmetic3A_791 : i32
      %mul3A_793 = arith.constant 128 : i32
      %mul3A_794 = arith.muli %shift_right_arithmetic3A_792, %mul3A_793 : i32
      %multiple_of3A_795 = tpu.assume_multiple %mul3A_794, 128 : i32
      %dma_start3A_796 = arith.constant 1 : i32
      %dma_start3A_797 = arith.constant 0 : i32
      %dma_start3A_798 = arith.constant 0 : i32
      %dma_start3A_799 = tpu.memref_slice %arg9[%dma_start3A_796, %dma_start3A_797, %dma_start3A_798] : memref<8x32x128xf32, #tpu.memory_space<vmem>> -> memref<1x32x128xf32, #tpu.memory_space<vmem>>
      %dma_start3A_800 = tpu.memref_squeeze %dma_start3A_799 : memref<1x32x128xf32, #tpu.memory_space<vmem>> -> memref<32x128xf32, #tpu.memory_space<vmem>>
      %dma_start3A_801 = arith.constant 0 : i32
      %dma_start3A_802 = tpu.memref_slice %arg4[%dma_start3A_801, %multiple_of3A_788] : memref<32x1000000xf32, #tpu.memory_space<hbm>> -> memref<32x128xf32, #tpu.memory_space<hbm>>
      %dma_start3A_803 = arith.constant 0 : i32
      %dma_start3A_804 = arith.constant 0 : i32
      %dma_start3A_805 = tpu.memref_slice %arg9[%dma_start3A_796, %dma_start3A_803, %dma_start3A_804] : memref<8x32x128xf32, #tpu.memory_space<vmem>> -> memref<1x32x128xf32, #tpu.memory_space<vmem>>
      %dma_start3A_806 = tpu.memref_squeeze %dma_start3A_805 : memref<1x32x128xf32, #tpu.memory_space<vmem>> -> memref<32x128xf32, #tpu.memory_space<vmem>>
      %dma_start3A_807 = arith.constant 0 : i32
      %dma_start3A_808 = tpu.memref_slice %arg4[%dma_start3A_807, %multiple_of3A_788] : memref<32x1000000xf32, #tpu.memory_space<hbm>> -> memref<32x128xf32, #tpu.memory_space<hbm>>
      tpu.enqueue_dma source(%dma_start3A_808 : memref<32x128xf32, #tpu.memory_space<hbm>>) target(%dma_start3A_806 : memref<32x128xf32, #tpu.memory_space<vmem>>) target_semaphore(%arg13 : memref<!tpu.dma_semaphore, #tpu.memory_space<semaphore_mem>>)
      %dma_start3A_809 = arith.constant 1 : i32
      %dma_start3A_810 = arith.constant 0 : i32
      %dma_start3A_811 = arith.constant 0 : i32
      %dma_start3A_812 = tpu.memref_slice %arg10[%dma_start3A_809, %dma_start3A_810, %dma_start3A_811] : memref<8x32x128xf32, #tpu.memory_space<vmem>> -> memref<1x32x128xf32, #tpu.memory_space<vmem>>
      %dma_start3A_813 = tpu.memref_squeeze %dma_start3A_812 : memref<1x32x128xf32, #tpu.memory_space<vmem>> -> memref<32x128xf32, #tpu.memory_space<vmem>>
      %dma_start3A_814 = arith.constant 0 : i32
      %dma_start3A_815 = tpu.memref_slice %arg5[%dma_start3A_814, %multiple_of3A_795] : memref<32x1000000xf32, #tpu.memory_space<hbm>> -> memref<32x128xf32, #tpu.memory_space<hbm>>
      %dma_start3A_816 = arith.constant 0 : i32
      %dma_start3A_817 = arith.constant 0 : i32
      %dma_start3A_818 = tpu.memref_slice %arg10[%dma_start3A_809, %dma_start3A_816, %dma_start3A_817] : memref<8x32x128xf32, #tpu.memory_space<vmem>> -> memref<1x32x128xf32, #tpu.memory_space<vmem>>
      %dma_start3A_819 = tpu.memref_squeeze %dma_start3A_818 : memref<1x32x128xf32, #tpu.memory_space<vmem>> -> memref<32x128xf32, #tpu.memory_space<vmem>>
      %dma_start3A_820 = arith.constant 0 : i32
      %dma_start3A_821 = tpu.memref_slice %arg5[%dma_start3A_820, %multiple_of3A_795] : memref<32x1000000xf32, #tpu.memory_space<hbm>> -> memref<32x128xf32, #tpu.memory_space<hbm>>
      tpu.enqueue_dma source(%dma_start3A_821 : memref<32x128xf32, #tpu.memory_space<hbm>>) target(%dma_start3A_819 : memref<32x128xf32, #tpu.memory_space<vmem>>) target_semaphore(%arg14 : memref<!tpu.dma_semaphore, #tpu.memory_space<semaphore_mem>>)
      %slice3A_822 = vector.extract_strided_slice %get3A_16 {offsets = [10], sizes = [1], strides = [1]} : vector<16xi32> to vector<1xi32>
      %squeeze3A_823 = vector.extract %slice3A_822[0] : i32 from vector<1xi32>
      %shift_right_arithmetic3A_824 = arith.constant 7 : i32
      %shift_right_arithmetic3A_825 = arith.shrsi %squeeze3A_823, %shift_right_arithmetic3A_824 : i32
      %mul3A_826 = arith.constant 128 : i32
      %mul3A_827 = arith.muli %shift_right_arithmetic3A_825, %mul3A_826 : i32
      %multiple_of3A_828 = tpu.assume_multiple %mul3A_827, 128 : i32
      %slice3A_829 = vector.extract_strided_slice %get3A_20 {offsets = [10], sizes = [1], strides = [1]} : vector<16xi32> to vector<1xi32>
      %squeeze3A_830 = vector.extract %slice3A_829[0] : i32 from vector<1xi32>
      %shift_right_arithmetic3A_831 = arith.constant 7 : i32
      %shift_right_arithmetic3A_832 = arith.shrsi %squeeze3A_830, %shift_right_arithmetic3A_831 : i32
      %mul3A_833 = arith.constant 128 : i32
      %mul3A_834 = arith.muli %shift_right_arithmetic3A_832, %mul3A_833 : i32
      %multiple_of3A_835 = tpu.assume_multiple %mul3A_834, 128 : i32
      %dma_start3A_836 = arith.constant 2 : i32
      %dma_start3A_837 = arith.constant 0 : i32
      %dma_start3A_838 = arith.constant 0 : i32
      %dma_start3A_839 = tpu.memref_slice %arg9[%dma_start3A_836, %dma_start3A_837, %dma_start3A_838] : memref<8x32x128xf32, #tpu.memory_space<vmem>> -> memref<1x32x128xf32, #tpu.memory_space<vmem>>
      %dma_start3A_840 = tpu.memref_squeeze %dma_start3A_839 : memref<1x32x128xf32, #tpu.memory_space<vmem>> -> memref<32x128xf32, #tpu.memory_space<vmem>>
      %dma_start3A_841 = arith.constant 0 : i32
      %dma_start3A_842 = tpu.memref_slice %arg4[%dma_start3A_841, %multiple_of3A_828] : memref<32x1000000xf32, #tpu.memory_space<hbm>> -> memref<32x128xf32, #tpu.memory_space<hbm>>
      %dma_start3A_843 = arith.constant 0 : i32
      %dma_start3A_844 = arith.constant 0 : i32
      %dma_start3A_845 = tpu.memref_slice %arg9[%dma_start3A_836, %dma_start3A_843, %dma_start3A_844] : memref<8x32x128xf32, #tpu.memory_space<vmem>> -> memref<1x32x128xf32, #tpu.memory_space<vmem>>
      %dma_start3A_846 = tpu.memref_squeeze %dma_start3A_845 : memref<1x32x128xf32, #tpu.memory_space<vmem>> -> memref<32x128xf32, #tpu.memory_space<vmem>>
      %dma_start3A_847 = arith.constant 0 : i32
      %dma_start3A_848 = tpu.memref_slice %arg4[%dma_start3A_847, %multiple_of3A_828] : memref<32x1000000xf32, #tpu.memory_space<hbm>> -> memref<32x128xf32, #tpu.memory_space<hbm>>
      tpu.enqueue_dma source(%dma_start3A_848 : memref<32x128xf32, #tpu.memory_space<hbm>>) target(%dma_start3A_846 : memref<32x128xf32, #tpu.memory_space<vmem>>) target_semaphore(%arg13 : memref<!tpu.dma_semaphore, #tpu.memory_space<semaphore_mem>>)
      %dma_start3A_849 = arith.constant 2 : i32
      %dma_start3A_850 = arith.constant 0 : i32
      %dma_start3A_851 = arith.constant 0 : i32
      %dma_start3A_852 = tpu.memref_slice %arg10[%dma_start3A_849, %dma_start3A_850, %dma_start3A_851] : memref<8x32x128xf32, #tpu.memory_space<vmem>> -> memref<1x32x128xf32, #tpu.memory_space<vmem>>
      %dma_start3A_853 = tpu.memref_squeeze %dma_start3A_852 : memref<1x32x128xf32, #tpu.memory_space<vmem>> -> memref<32x128xf32, #tpu.memory_space<vmem>>
      %dma_start3A_854 = arith.constant 0 : i32
      %dma_start3A_855 = tpu.memref_slice %arg5[%dma_start3A_854, %multiple_of3A_835] : memref<32x1000000xf32, #tpu.memory_space<hbm>> -> memref<32x128xf32, #tpu.memory_space<hbm>>
      %dma_start3A_856 = arith.constant 0 : i32
      %dma_start3A_857 = arith.constant 0 : i32
      %dma_start3A_858 = tpu.memref_slice %arg10[%dma_start3A_849, %dma_start3A_856, %dma_start3A_857] : memref<8x32x128xf32, #tpu.memory_space<vmem>> -> memref<1x32x128xf32, #tpu.memory_space<vmem>>
      %dma_start3A_859 = tpu.memref_squeeze %dma_start3A_858 : memref<1x32x128xf32, #tpu.memory_space<vmem>> -> memref<32x128xf32, #tpu.memory_space<vmem>>
      %dma_start3A_860 = arith.constant 0 : i32
      %dma_start3A_861 = tpu.memref_slice %arg5[%dma_start3A_860, %multiple_of3A_835] : memref<32x1000000xf32, #tpu.memory_space<hbm>> -> memref<32x128xf32, #tpu.memory_space<hbm>>
      tpu.enqueue_dma source(%dma_start3A_861 : memref<32x128xf32, #tpu.memory_space<hbm>>) target(%dma_start3A_859 : memref<32x128xf32, #tpu.memory_space<vmem>>) target_semaphore(%arg14 : memref<!tpu.dma_semaphore, #tpu.memory_space<semaphore_mem>>)
      %slice3A_862 = vector.extract_strided_slice %get3A_16 {offsets = [11], sizes = [1], strides = [1]} : vector<16xi32> to vector<1xi32>
      %squeeze3A_863 = vector.extract %slice3A_862[0] : i32 from vector<1xi32>
      %shift_right_arithmetic3A_864 = arith.constant 7 : i32
      %shift_right_arithmetic3A_865 = arith.shrsi %squeeze3A_863, %shift_right_arithmetic3A_864 : i32
      %mul3A_866 = arith.constant 128 : i32
      %mul3A_867 = arith.muli %shift_right_arithmetic3A_865, %mul3A_866 : i32
      %multiple_of3A_868 = tpu.assume_multiple %mul3A_867, 128 : i32
      %slice3A_869 = vector.extract_strided_slice %get3A_20 {offsets = [11], sizes = [1], strides = [1]} : vector<16xi32> to vector<1xi32>
      %squeeze3A_870 = vector.extract %slice3A_869[0] : i32 from vector<1xi32>
      %shift_right_arithmetic3A_871 = arith.constant 7 : i32
      %shift_right_arithmetic3A_872 = arith.shrsi %squeeze3A_870, %shift_right_arithmetic3A_871 : i32
      %mul3A_873 = arith.constant 128 : i32
      %mul3A_874 = arith.muli %shift_right_arithmetic3A_872, %mul3A_873 : i32
      %multiple_of3A_875 = tpu.assume_multiple %mul3A_874, 128 : i32
      %dma_start3A_876 = arith.constant 3 : i32
      %dma_start3A_877 = arith.constant 0 : i32
      %dma_start3A_878 = arith.constant 0 : i32
      %dma_start3A_879 = tpu.memref_slice %arg9[%dma_start3A_876, %dma_start3A_877, %dma_start3A_878] : memref<8x32x128xf32, #tpu.memory_space<vmem>> -> memref<1x32x128xf32, #tpu.memory_space<vmem>>
      %dma_start3A_880 = tpu.memref_squeeze %dma_start3A_879 : memref<1x32x128xf32, #tpu.memory_space<vmem>> -> memref<32x128xf32, #tpu.memory_space<vmem>>
      %dma_start3A_881 = arith.constant 0 : i32
      %dma_start3A_882 = tpu.memref_slice %arg4[%dma_start3A_881, %multiple_of3A_868] : memref<32x1000000xf32, #tpu.memory_space<hbm>> -> memref<32x128xf32, #tpu.memory_space<hbm>>
      %dma_start3A_883 = arith.constant 0 : i32
      %dma_start3A_884 = arith.constant 0 : i32
      %dma_start3A_885 = tpu.memref_slice %arg9[%dma_start3A_876, %dma_start3A_883, %dma_start3A_884] : memref<8x32x128xf32, #tpu.memory_space<vmem>> -> memref<1x32x128xf32, #tpu.memory_space<vmem>>
      %dma_start3A_886 = tpu.memref_squeeze %dma_start3A_885 : memref<1x32x128xf32, #tpu.memory_space<vmem>> -> memref<32x128xf32, #tpu.memory_space<vmem>>
      %dma_start3A_887 = arith.constant 0 : i32
      %dma_start3A_888 = tpu.memref_slice %arg4[%dma_start3A_887, %multiple_of3A_868] : memref<32x1000000xf32, #tpu.memory_space<hbm>> -> memref<32x128xf32, #tpu.memory_space<hbm>>
      tpu.enqueue_dma source(%dma_start3A_888 : memref<32x128xf32, #tpu.memory_space<hbm>>) target(%dma_start3A_886 : memref<32x128xf32, #tpu.memory_space<vmem>>) target_semaphore(%arg13 : memref<!tpu.dma_semaphore, #tpu.memory_space<semaphore_mem>>)
      %dma_start3A_889 = arith.constant 3 : i32
      %dma_start3A_890 = arith.constant 0 : i32
      %dma_start3A_891 = arith.constant 0 : i32
      %dma_start3A_892 = tpu.memref_slice %arg10[%dma_start3A_889, %dma_start3A_890, %dma_start3A_891] : memref<8x32x128xf32, #tpu.memory_space<vmem>> -> memref<1x32x128xf32, #tpu.memory_space<vmem>>
      %dma_start3A_893 = tpu.memref_squeeze %dma_start3A_892 : memref<1x32x128xf32, #tpu.memory_space<vmem>> -> memref<32x128xf32, #tpu.memory_space<vmem>>
      %dma_start3A_894 = arith.constant 0 : i32
      %dma_start3A_895 = tpu.memref_slice %arg5[%dma_start3A_894, %multiple_of3A_875] : memref<32x1000000xf32, #tpu.memory_space<hbm>> -> memref<32x128xf32, #tpu.memory_space<hbm>>
      %dma_start3A_896 = arith.constant 0 : i32
      %dma_start3A_897 = arith.constant 0 : i32
      %dma_start3A_898 = tpu.memref_slice %arg10[%dma_start3A_889, %dma_start3A_896, %dma_start3A_897] : memref<8x32x128xf32, #tpu.memory_space<vmem>> -> memref<1x32x128xf32, #tpu.memory_space<vmem>>
      %dma_start3A_899 = tpu.memref_squeeze %dma_start3A_898 : memref<1x32x128xf32, #tpu.memory_space<vmem>> -> memref<32x128xf32, #tpu.memory_space<vmem>>
      %dma_start3A_900 = arith.constant 0 : i32
      %dma_start3A_901 = tpu.memref_slice %arg5[%dma_start3A_900, %multiple_of3A_875] : memref<32x1000000xf32, #tpu.memory_space<hbm>> -> memref<32x128xf32, #tpu.memory_space<hbm>>
      tpu.enqueue_dma source(%dma_start3A_901 : memref<32x128xf32, #tpu.memory_space<hbm>>) target(%dma_start3A_899 : memref<32x128xf32, #tpu.memory_space<vmem>>) target_semaphore(%arg14 : memref<!tpu.dma_semaphore, #tpu.memory_space<semaphore_mem>>)
      %slice3A_902 = vector.extract_strided_slice %get3A_16 {offsets = [12], sizes = [1], strides = [1]} : vector<16xi32> to vector<1xi32>
      %squeeze3A_903 = vector.extract %slice3A_902[0] : i32 from vector<1xi32>
      %shift_right_arithmetic3A_904 = arith.constant 7 : i32
      %shift_right_arithmetic3A_905 = arith.shrsi %squeeze3A_903, %shift_right_arithmetic3A_904 : i32
      %mul3A_906 = arith.constant 128 : i32
      %mul3A_907 = arith.muli %shift_right_arithmetic3A_905, %mul3A_906 : i32
      %multiple_of3A_908 = tpu.assume_multiple %mul3A_907, 128 : i32
      %slice3A_909 = vector.extract_strided_slice %get3A_20 {offsets = [12], sizes = [1], strides = [1]} : vector<16xi32> to vector<1xi32>
      %squeeze3A_910 = vector.extract %slice3A_909[0] : i32 from vector<1xi32>
      %shift_right_arithmetic3A_911 = arith.constant 7 : i32
      %shift_right_arithmetic3A_912 = arith.shrsi %squeeze3A_910, %shift_right_arithmetic3A_911 : i32
      %mul3A_913 = arith.constant 128 : i32
      %mul3A_914 = arith.muli %shift_right_arithmetic3A_912, %mul3A_913 : i32
      %multiple_of3A_915 = tpu.assume_multiple %mul3A_914, 128 : i32
      %dma_start3A_916 = arith.constant 4 : i32
      %dma_start3A_917 = arith.constant 0 : i32
      %dma_start3A_918 = arith.constant 0 : i32
      %dma_start3A_919 = tpu.memref_slice %arg9[%dma_start3A_916, %dma_start3A_917, %dma_start3A_918] : memref<8x32x128xf32, #tpu.memory_space<vmem>> -> memref<1x32x128xf32, #tpu.memory_space<vmem>>
      %dma_start3A_920 = tpu.memref_squeeze %dma_start3A_919 : memref<1x32x128xf32, #tpu.memory_space<vmem>> -> memref<32x128xf32, #tpu.memory_space<vmem>>
      %dma_start3A_921 = arith.constant 0 : i32
      %dma_start3A_922 = tpu.memref_slice %arg4[%dma_start3A_921, %multiple_of3A_908] : memref<32x1000000xf32, #tpu.memory_space<hbm>> -> memref<32x128xf32, #tpu.memory_space<hbm>>
      %dma_start3A_923 = arith.constant 0 : i32
      %dma_start3A_924 = arith.constant 0 : i32
      %dma_start3A_925 = tpu.memref_slice %arg9[%dma_start3A_916, %dma_start3A_923, %dma_start3A_924] : memref<8x32x128xf32, #tpu.memory_space<vmem>> -> memref<1x32x128xf32, #tpu.memory_space<vmem>>
      %dma_start3A_926 = tpu.memref_squeeze %dma_start3A_925 : memref<1x32x128xf32, #tpu.memory_space<vmem>> -> memref<32x128xf32, #tpu.memory_space<vmem>>
      %dma_start3A_927 = arith.constant 0 : i32
      %dma_start3A_928 = tpu.memref_slice %arg4[%dma_start3A_927, %multiple_of3A_908] : memref<32x1000000xf32, #tpu.memory_space<hbm>> -> memref<32x128xf32, #tpu.memory_space<hbm>>
      tpu.enqueue_dma source(%dma_start3A_928 : memref<32x128xf32, #tpu.memory_space<hbm>>) target(%dma_start3A_926 : memref<32x128xf32, #tpu.memory_space<vmem>>) target_semaphore(%arg13 : memref<!tpu.dma_semaphore, #tpu.memory_space<semaphore_mem>>)
      %dma_start3A_929 = arith.constant 4 : i32
      %dma_start3A_930 = arith.constant 0 : i32
      %dma_start3A_931 = arith.constant 0 : i32
      %dma_start3A_932 = tpu.memref_slice %arg10[%dma_start3A_929, %dma_start3A_930, %dma_start3A_931] : memref<8x32x128xf32, #tpu.memory_space<vmem>> -> memref<1x32x128xf32, #tpu.memory_space<vmem>>
      %dma_start3A_933 = tpu.memref_squeeze %dma_start3A_932 : memref<1x32x128xf32, #tpu.memory_space<vmem>> -> memref<32x128xf32, #tpu.memory_space<vmem>>
      %dma_start3A_934 = arith.constant 0 : i32
      %dma_start3A_935 = tpu.memref_slice %arg5[%dma_start3A_934, %multiple_of3A_915] : memref<32x1000000xf32, #tpu.memory_space<hbm>> -> memref<32x128xf32, #tpu.memory_space<hbm>>
      %dma_start3A_936 = arith.constant 0 : i32
      %dma_start3A_937 = arith.constant 0 : i32
      %dma_start3A_938 = tpu.memref_slice %arg10[%dma_start3A_929, %dma_start3A_936, %dma_start3A_937] : memref<8x32x128xf32, #tpu.memory_space<vmem>> -> memref<1x32x128xf32, #tpu.memory_space<vmem>>
      %dma_start3A_939 = tpu.memref_squeeze %dma_start3A_938 : memref<1x32x128xf32, #tpu.memory_space<vmem>> -> memref<32x128xf32, #tpu.memory_space<vmem>>
      %dma_start3A_940 = arith.constant 0 : i32
      %dma_start3A_941 = tpu.memref_slice %arg5[%dma_start3A_940, %multiple_of3A_915] : memref<32x1000000xf32, #tpu.memory_space<hbm>> -> memref<32x128xf32, #tpu.memory_space<hbm>>
      tpu.enqueue_dma source(%dma_start3A_941 : memref<32x128xf32, #tpu.memory_space<hbm>>) target(%dma_start3A_939 : memref<32x128xf32, #tpu.memory_space<vmem>>) target_semaphore(%arg14 : memref<!tpu.dma_semaphore, #tpu.memory_space<semaphore_mem>>)
      %slice3A_942 = vector.extract_strided_slice %get3A_16 {offsets = [13], sizes = [1], strides = [1]} : vector<16xi32> to vector<1xi32>
      %squeeze3A_943 = vector.extract %slice3A_942[0] : i32 from vector<1xi32>
      %shift_right_arithmetic3A_944 = arith.constant 7 : i32
      %shift_right_arithmetic3A_945 = arith.shrsi %squeeze3A_943, %shift_right_arithmetic3A_944 : i32
      %mul3A_946 = arith.constant 128 : i32
      %mul3A_947 = arith.muli %shift_right_arithmetic3A_945, %mul3A_946 : i32
      %multiple_of3A_948 = tpu.assume_multiple %mul3A_947, 128 : i32
      %slice3A_949 = vector.extract_strided_slice %get3A_20 {offsets = [13], sizes = [1], strides = [1]} : vector<16xi32> to vector<1xi32>
      %squeeze3A_950 = vector.extract %slice3A_949[0] : i32 from vector<1xi32>
      %shift_right_arithmetic3A_951 = arith.constant 7 : i32
      %shift_right_arithmetic3A_952 = arith.shrsi %squeeze3A_950, %shift_right_arithmetic3A_951 : i32
      %mul3A_953 = arith.constant 128 : i32
      %mul3A_954 = arith.muli %shift_right_arithmetic3A_952, %mul3A_953 : i32
      %multiple_of3A_955 = tpu.assume_multiple %mul3A_954, 128 : i32
      %dma_start3A_956 = arith.constant 5 : i32
      %dma_start3A_957 = arith.constant 0 : i32
      %dma_start3A_958 = arith.constant 0 : i32
      %dma_start3A_959 = tpu.memref_slice %arg9[%dma_start3A_956, %dma_start3A_957, %dma_start3A_958] : memref<8x32x128xf32, #tpu.memory_space<vmem>> -> memref<1x32x128xf32, #tpu.memory_space<vmem>>
      %dma_start3A_960 = tpu.memref_squeeze %dma_start3A_959 : memref<1x32x128xf32, #tpu.memory_space<vmem>> -> memref<32x128xf32, #tpu.memory_space<vmem>>
      %dma_start3A_961 = arith.constant 0 : i32
      %dma_start3A_962 = tpu.memref_slice %arg4[%dma_start3A_961, %multiple_of3A_948] : memref<32x1000000xf32, #tpu.memory_space<hbm>> -> memref<32x128xf32, #tpu.memory_space<hbm>>
      %dma_start3A_963 = arith.constant 0 : i32
      %dma_start3A_964 = arith.constant 0 : i32
      %dma_start3A_965 = tpu.memref_slice %arg9[%dma_start3A_956, %dma_start3A_963, %dma_start3A_964] : memref<8x32x128xf32, #tpu.memory_space<vmem>> -> memref<1x32x128xf32, #tpu.memory_space<vmem>>
      %dma_start3A_966 = tpu.memref_squeeze %dma_start3A_965 : memref<1x32x128xf32, #tpu.memory_space<vmem>> -> memref<32x128xf32, #tpu.memory_space<vmem>>
      %dma_start3A_967 = arith.constant 0 : i32
      %dma_start3A_968 = tpu.memref_slice %arg4[%dma_start3A_967, %multiple_of3A_948] : memref<32x1000000xf32, #tpu.memory_space<hbm>> -> memref<32x128xf32, #tpu.memory_space<hbm>>
      tpu.enqueue_dma source(%dma_start3A_968 : memref<32x128xf32, #tpu.memory_space<hbm>>) target(%dma_start3A_966 : memref<32x128xf32, #tpu.memory_space<vmem>>) target_semaphore(%arg13 : memref<!tpu.dma_semaphore, #tpu.memory_space<semaphore_mem>>)
      %dma_start3A_969 = arith.constant 5 : i32
      %dma_start3A_970 = arith.constant 0 : i32
      %dma_start3A_971 = arith.constant 0 : i32
      %dma_start3A_972 = tpu.memref_slice %arg10[%dma_start3A_969, %dma_start3A_970, %dma_start3A_971] : memref<8x32x128xf32, #tpu.memory_space<vmem>> -> memref<1x32x128xf32, #tpu.memory_space<vmem>>
      %dma_start3A_973 = tpu.memref_squeeze %dma_start3A_972 : memref<1x32x128xf32, #tpu.memory_space<vmem>> -> memref<32x128xf32, #tpu.memory_space<vmem>>
      %dma_start3A_974 = arith.constant 0 : i32
      %dma_start3A_975 = tpu.memref_slice %arg5[%dma_start3A_974, %multiple_of3A_955] : memref<32x1000000xf32, #tpu.memory_space<hbm>> -> memref<32x128xf32, #tpu.memory_space<hbm>>
      %dma_start3A_976 = arith.constant 0 : i32
      %dma_start3A_977 = arith.constant 0 : i32
      %dma_start3A_978 = tpu.memref_slice %arg10[%dma_start3A_969, %dma_start3A_976, %dma_start3A_977] : memref<8x32x128xf32, #tpu.memory_space<vmem>> -> memref<1x32x128xf32, #tpu.memory_space<vmem>>
      %dma_start3A_979 = tpu.memref_squeeze %dma_start3A_978 : memref<1x32x128xf32, #tpu.memory_space<vmem>> -> memref<32x128xf32, #tpu.memory_space<vmem>>
      %dma_start3A_980 = arith.constant 0 : i32
      %dma_start3A_981 = tpu.memref_slice %arg5[%dma_start3A_980, %multiple_of3A_955] : memref<32x1000000xf32, #tpu.memory_space<hbm>> -> memref<32x128xf32, #tpu.memory_space<hbm>>
      tpu.enqueue_dma source(%dma_start3A_981 : memref<32x128xf32, #tpu.memory_space<hbm>>) target(%dma_start3A_979 : memref<32x128xf32, #tpu.memory_space<vmem>>) target_semaphore(%arg14 : memref<!tpu.dma_semaphore, #tpu.memory_space<semaphore_mem>>)
      %slice3A_982 = vector.extract_strided_slice %get3A_16 {offsets = [14], sizes = [1], strides = [1]} : vector<16xi32> to vector<1xi32>
      %squeeze3A_983 = vector.extract %slice3A_982[0] : i32 from vector<1xi32>
      %shift_right_arithmetic3A_984 = arith.constant 7 : i32
      %shift_right_arithmetic3A_985 = arith.shrsi %squeeze3A_983, %shift_right_arithmetic3A_984 : i32
      %mul3A_986 = arith.constant 128 : i32
      %mul3A_987 = arith.muli %shift_right_arithmetic3A_985, %mul3A_986 : i32
      %multiple_of3A_988 = tpu.assume_multiple %mul3A_987, 128 : i32
      %slice3A_989 = vector.extract_strided_slice %get3A_20 {offsets = [14], sizes = [1], strides = [1]} : vector<16xi32> to vector<1xi32>
      %squeeze3A_990 = vector.extract %slice3A_989[0] : i32 from vector<1xi32>
      %shift_right_arithmetic3A_991 = arith.constant 7 : i32
      %shift_right_arithmetic3A_992 = arith.shrsi %squeeze3A_990, %shift_right_arithmetic3A_991 : i32
      %mul3A_993 = arith.constant 128 : i32
      %mul3A_994 = arith.muli %shift_right_arithmetic3A_992, %mul3A_993 : i32
      %multiple_of3A_995 = tpu.assume_multiple %mul3A_994, 128 : i32
      %dma_start3A_996 = arith.constant 6 : i32
      %dma_start3A_997 = arith.constant 0 : i32
      %dma_start3A_998 = arith.constant 0 : i32
      %dma_start3A_999 = tpu.memref_slice %arg9[%dma_start3A_996, %dma_start3A_997, %dma_start3A_998] : memref<8x32x128xf32, #tpu.memory_space<vmem>> -> memref<1x32x128xf32, #tpu.memory_space<vmem>>
      %dma_start3A_1000 = tpu.memref_squeeze %dma_start3A_999 : memref<1x32x128xf32, #tpu.memory_space<vmem>> -> memref<32x128xf32, #tpu.memory_space<vmem>>
      %dma_start3A_1001 = arith.constant 0 : i32
      %dma_start3A_1002 = tpu.memref_slice %arg4[%dma_start3A_1001, %multiple_of3A_988] : memref<32x1000000xf32, #tpu.memory_space<hbm>> -> memref<32x128xf32, #tpu.memory_space<hbm>>
      %dma_start3A_1003 = arith.constant 0 : i32
      %dma_start3A_1004 = arith.constant 0 : i32
      %dma_start3A_1005 = tpu.memref_slice %arg9[%dma_start3A_996, %dma_start3A_1003, %dma_start3A_1004] : memref<8x32x128xf32, #tpu.memory_space<vmem>> -> memref<1x32x128xf32, #tpu.memory_space<vmem>>
      %dma_start3A_1006 = tpu.memref_squeeze %dma_start3A_1005 : memref<1x32x128xf32, #tpu.memory_space<vmem>> -> memref<32x128xf32, #tpu.memory_space<vmem>>
      %dma_start3A_1007 = arith.constant 0 : i32
      %dma_start3A_1008 = tpu.memref_slice %arg4[%dma_start3A_1007, %multiple_of3A_988] : memref<32x1000000xf32, #tpu.memory_space<hbm>> -> memref<32x128xf32, #tpu.memory_space<hbm>>
      tpu.enqueue_dma source(%dma_start3A_1008 : memref<32x128xf32, #tpu.memory_space<hbm>>) target(%dma_start3A_1006 : memref<32x128xf32, #tpu.memory_space<vmem>>) target_semaphore(%arg13 : memref<!tpu.dma_semaphore, #tpu.memory_space<semaphore_mem>>)
      %dma_start3A_1009 = arith.constant 6 : i32
      %dma_start3A_1010 = arith.constant 0 : i32
      %dma_start3A_1011 = arith.constant 0 : i32
      %dma_start3A_1012 = tpu.memref_slice %arg10[%dma_start3A_1009, %dma_start3A_1010, %dma_start3A_1011] : memref<8x32x128xf32, #tpu.memory_space<vmem>> -> memref<1x32x128xf32, #tpu.memory_space<vmem>>
      %dma_start3A_1013 = tpu.memref_squeeze %dma_start3A_1012 : memref<1x32x128xf32, #tpu.memory_space<vmem>> -> memref<32x128xf32, #tpu.memory_space<vmem>>
      %dma_start3A_1014 = arith.constant 0 : i32
      %dma_start3A_1015 = tpu.memref_slice %arg5[%dma_start3A_1014, %multiple_of3A_995] : memref<32x1000000xf32, #tpu.memory_space<hbm>> -> memref<32x128xf32, #tpu.memory_space<hbm>>
      %dma_start3A_1016 = arith.constant 0 : i32
      %dma_start3A_1017 = arith.constant 0 : i32
      %dma_start3A_1018 = tpu.memref_slice %arg10[%dma_start3A_1009, %dma_start3A_1016, %dma_start3A_1017] : memref<8x32x128xf32, #tpu.memory_space<vmem>> -> memref<1x32x128xf32, #tpu.memory_space<vmem>>
      %dma_start3A_1019 = tpu.memref_squeeze %dma_start3A_1018 : memref<1x32x128xf32, #tpu.memory_space<vmem>> -> memref<32x128xf32, #tpu.memory_space<vmem>>
      %dma_start3A_1020 = arith.constant 0 : i32
      %dma_start3A_1021 = tpu.memref_slice %arg5[%dma_start3A_1020, %multiple_of3A_995] : memref<32x1000000xf32, #tpu.memory_space<hbm>> -> memref<32x128xf32, #tpu.memory_space<hbm>>
      tpu.enqueue_dma source(%dma_start3A_1021 : memref<32x128xf32, #tpu.memory_space<hbm>>) target(%dma_start3A_1019 : memref<32x128xf32, #tpu.memory_space<vmem>>) target_semaphore(%arg14 : memref<!tpu.dma_semaphore, #tpu.memory_space<semaphore_mem>>)
      %slice3A_1022 = vector.extract_strided_slice %get3A_16 {offsets = [15], sizes = [1], strides = [1]} : vector<16xi32> to vector<1xi32>
      %squeeze3A_1023 = vector.extract %slice3A_1022[0] : i32 from vector<1xi32>
      %shift_right_arithmetic3A_1024 = arith.constant 7 : i32
      %shift_right_arithmetic3A_1025 = arith.shrsi %squeeze3A_1023, %shift_right_arithmetic3A_1024 : i32
      %mul3A_1026 = arith.constant 128 : i32
      %mul3A_1027 = arith.muli %shift_right_arithmetic3A_1025, %mul3A_1026 : i32
      %multiple_of3A_1028 = tpu.assume_multiple %mul3A_1027, 128 : i32
      %slice3A_1029 = vector.extract_strided_slice %get3A_20 {offsets = [15], sizes = [1], strides = [1]} : vector<16xi32> to vector<1xi32>
      %squeeze3A_1030 = vector.extract %slice3A_1029[0] : i32 from vector<1xi32>
      %shift_right_arithmetic3A_1031 = arith.constant 7 : i32
      %shift_right_arithmetic3A_1032 = arith.shrsi %squeeze3A_1030, %shift_right_arithmetic3A_1031 : i32
      %mul3A_1033 = arith.constant 128 : i32
      %mul3A_1034 = arith.muli %shift_right_arithmetic3A_1032, %mul3A_1033 : i32
      %multiple_of3A_1035 = tpu.assume_multiple %mul3A_1034, 128 : i32
      %dma_start3A_1036 = arith.constant 7 : i32
      %dma_start3A_1037 = arith.constant 0 : i32
      %dma_start3A_1038 = arith.constant 0 : i32
      %dma_start3A_1039 = tpu.memref_slice %arg9[%dma_start3A_1036, %dma_start3A_1037, %dma_start3A_1038] : memref<8x32x128xf32, #tpu.memory_space<vmem>> -> memref<1x32x128xf32, #tpu.memory_space<vmem>>
      %dma_start3A_1040 = tpu.memref_squeeze %dma_start3A_1039 : memref<1x32x128xf32, #tpu.memory_space<vmem>> -> memref<32x128xf32, #tpu.memory_space<vmem>>
      %dma_start3A_1041 = arith.constant 0 : i32
      %dma_start3A_1042 = tpu.memref_slice %arg4[%dma_start3A_1041, %multiple_of3A_1028] : memref<32x1000000xf32, #tpu.memory_space<hbm>> -> memref<32x128xf32, #tpu.memory_space<hbm>>
      %dma_start3A_1043 = arith.constant 0 : i32
      %dma_start3A_1044 = arith.constant 0 : i32
      %dma_start3A_1045 = tpu.memref_slice %arg9[%dma_start3A_1036, %dma_start3A_1043, %dma_start3A_1044] : memref<8x32x128xf32, #tpu.memory_space<vmem>> -> memref<1x32x128xf32, #tpu.memory_space<vmem>>
      %dma_start3A_1046 = tpu.memref_squeeze %dma_start3A_1045 : memref<1x32x128xf32, #tpu.memory_space<vmem>> -> memref<32x128xf32, #tpu.memory_space<vmem>>
      %dma_start3A_1047 = arith.constant 0 : i32
      %dma_start3A_1048 = tpu.memref_slice %arg4[%dma_start3A_1047, %multiple_of3A_1028] : memref<32x1000000xf32, #tpu.memory_space<hbm>> -> memref<32x128xf32, #tpu.memory_space<hbm>>
      tpu.enqueue_dma source(%dma_start3A_1048 : memref<32x128xf32, #tpu.memory_space<hbm>>) target(%dma_start3A_1046 : memref<32x128xf32, #tpu.memory_space<vmem>>) target_semaphore(%arg13 : memref<!tpu.dma_semaphore, #tpu.memory_space<semaphore_mem>>)
      %dma_start3A_1049 = arith.constant 7 : i32
      %dma_start3A_1050 = arith.constant 0 : i32
      %dma_start3A_1051 = arith.constant 0 : i32
      %dma_start3A_1052 = tpu.memref_slice %arg10[%dma_start3A_1049, %dma_start3A_1050, %dma_start3A_1051] : memref<8x32x128xf32, #tpu.memory_space<vmem>> -> memref<1x32x128xf32, #tpu.memory_space<vmem>>
      %dma_start3A_1053 = tpu.memref_squeeze %dma_start3A_1052 : memref<1x32x128xf32, #tpu.memory_space<vmem>> -> memref<32x128xf32, #tpu.memory_space<vmem>>
      %dma_start3A_1054 = arith.constant 0 : i32
      %dma_start3A_1055 = tpu.memref_slice %arg5[%dma_start3A_1054, %multiple_of3A_1035] : memref<32x1000000xf32, #tpu.memory_space<hbm>> -> memref<32x128xf32, #tpu.memory_space<hbm>>
      %dma_start3A_1056 = arith.constant 0 : i32
      %dma_start3A_1057 = arith.constant 0 : i32
      %dma_start3A_1058 = tpu.memref_slice %arg10[%dma_start3A_1049, %dma_start3A_1056, %dma_start3A_1057] : memref<8x32x128xf32, #tpu.memory_space<vmem>> -> memref<1x32x128xf32, #tpu.memory_space<vmem>>
      %dma_start3A_1059 = tpu.memref_squeeze %dma_start3A_1058 : memref<1x32x128xf32, #tpu.memory_space<vmem>> -> memref<32x128xf32, #tpu.memory_space<vmem>>
      %dma_start3A_1060 = arith.constant 0 : i32
      %dma_start3A_1061 = tpu.memref_slice %arg5[%dma_start3A_1060, %multiple_of3A_1035] : memref<32x1000000xf32, #tpu.memory_space<hbm>> -> memref<32x128xf32, #tpu.memory_space<hbm>>
      tpu.enqueue_dma source(%dma_start3A_1061 : memref<32x128xf32, #tpu.memory_space<hbm>>) target(%dma_start3A_1059 : memref<32x128xf32, #tpu.memory_space<vmem>>) target_semaphore(%arg14 : memref<!tpu.dma_semaphore, #tpu.memory_space<semaphore_mem>>)
      %dma_wait3A_1062 = arith.constant 0 : i32
      %dma_wait3A_1063 = arith.constant 0 : i32
      %dma_wait3A_1064 = arith.constant 0 : i32
      %dma_wait3A_1065 = tpu.memref_slice %arg9[%dma_wait3A_1062, %dma_wait3A_1063, %dma_wait3A_1064] : memref<8x32x128xf32, #tpu.memory_space<vmem>> -> memref<1x32x128xf32, #tpu.memory_space<vmem>>
      %dma_wait3A_1066 = tpu.memref_squeeze %dma_wait3A_1065 : memref<1x32x128xf32, #tpu.memory_space<vmem>> -> memref<32x128xf32, #tpu.memory_space<vmem>>
      %dma_wait3A_1067 = arith.constant 0 : i32
      %dma_wait3A_1068 = tpu.memref_slice %arg4[%dma_wait3A_1067, %multiple_of3A_748] : memref<32x1000000xf32, #tpu.memory_space<hbm>> -> memref<32x128xf32, #tpu.memory_space<hbm>>
      %dma_wait3A_1069 = arith.constant 0 : i32
      %dma_wait3A_1070 = arith.constant 0 : i32
      %dma_wait3A_1071 = tpu.memref_slice %arg9[%dma_wait3A_1062, %dma_wait3A_1069, %dma_wait3A_1070] : memref<8x32x128xf32, #tpu.memory_space<vmem>> -> memref<1x32x128xf32, #tpu.memory_space<vmem>>
      %dma_wait3A_1072 = tpu.memref_squeeze %dma_wait3A_1071 : memref<1x32x128xf32, #tpu.memory_space<vmem>> -> memref<32x128xf32, #tpu.memory_space<vmem>>
      %dma_wait3A_1073 = arith.constant 0 : i32
      %dma_wait3A_1074 = tpu.memref_slice %arg4[%dma_wait3A_1073, %multiple_of3A_748] : memref<32x1000000xf32, #tpu.memory_space<hbm>> -> memref<32x128xf32, #tpu.memory_space<hbm>>
      tpu.wait_dma2 semaphore(%arg13 : memref<!tpu.dma_semaphore, #tpu.memory_space<semaphore_mem>>) src(%dma_wait3A_1074 : memref<32x128xf32, #tpu.memory_space<hbm>>) dst(%dma_wait3A_1072 : memref<32x128xf32, #tpu.memory_space<vmem>>)
      %dma_wait3A_1075 = arith.constant 0 : i32
      %dma_wait3A_1076 = arith.constant 0 : i32
      %dma_wait3A_1077 = arith.constant 0 : i32
      %dma_wait3A_1078 = tpu.memref_slice %arg10[%dma_wait3A_1075, %dma_wait3A_1076, %dma_wait3A_1077] : memref<8x32x128xf32, #tpu.memory_space<vmem>> -> memref<1x32x128xf32, #tpu.memory_space<vmem>>
      %dma_wait3A_1079 = tpu.memref_squeeze %dma_wait3A_1078 : memref<1x32x128xf32, #tpu.memory_space<vmem>> -> memref<32x128xf32, #tpu.memory_space<vmem>>
      %dma_wait3A_1080 = arith.constant 0 : i32
      %dma_wait3A_1081 = tpu.memref_slice %arg5[%dma_wait3A_1080, %multiple_of3A_755] : memref<32x1000000xf32, #tpu.memory_space<hbm>> -> memref<32x128xf32, #tpu.memory_space<hbm>>
      %dma_wait3A_1082 = arith.constant 0 : i32
      %dma_wait3A_1083 = arith.constant 0 : i32
      %dma_wait3A_1084 = tpu.memref_slice %arg10[%dma_wait3A_1075, %dma_wait3A_1082, %dma_wait3A_1083] : memref<8x32x128xf32, #tpu.memory_space<vmem>> -> memref<1x32x128xf32, #tpu.memory_space<vmem>>
      %dma_wait3A_1085 = tpu.memref_squeeze %dma_wait3A_1084 : memref<1x32x128xf32, #tpu.memory_space<vmem>> -> memref<32x128xf32, #tpu.memory_space<vmem>>
      %dma_wait3A_1086 = arith.constant 0 : i32
      %dma_wait3A_1087 = tpu.memref_slice %arg5[%dma_wait3A_1086, %multiple_of3A_755] : memref<32x1000000xf32, #tpu.memory_space<hbm>> -> memref<32x128xf32, #tpu.memory_space<hbm>>
      tpu.wait_dma2 semaphore(%arg14 : memref<!tpu.dma_semaphore, #tpu.memory_space<semaphore_mem>>) src(%dma_wait3A_1087 : memref<32x128xf32, #tpu.memory_space<hbm>>) dst(%dma_wait3A_1085 : memref<32x128xf32, #tpu.memory_space<vmem>>)
      %dma_wait3A_1088 = arith.constant 1 : i32
      %dma_wait3A_1089 = arith.constant 0 : i32
      %dma_wait3A_1090 = arith.constant 0 : i32
      %dma_wait3A_1091 = tpu.memref_slice %arg9[%dma_wait3A_1088, %dma_wait3A_1089, %dma_wait3A_1090] : memref<8x32x128xf32, #tpu.memory_space<vmem>> -> memref<1x32x128xf32, #tpu.memory_space<vmem>>
      %dma_wait3A_1092 = tpu.memref_squeeze %dma_wait3A_1091 : memref<1x32x128xf32, #tpu.memory_space<vmem>> -> memref<32x128xf32, #tpu.memory_space<vmem>>
      %dma_wait3A_1093 = arith.constant 0 : i32
      %dma_wait3A_1094 = tpu.memref_slice %arg4[%dma_wait3A_1093, %multiple_of3A_788] : memref<32x1000000xf32, #tpu.memory_space<hbm>> -> memref<32x128xf32, #tpu.memory_space<hbm>>
      %dma_wait3A_1095 = arith.constant 0 : i32
      %dma_wait3A_1096 = arith.constant 0 : i32
      %dma_wait3A_1097 = tpu.memref_slice %arg9[%dma_wait3A_1088, %dma_wait3A_1095, %dma_wait3A_1096] : memref<8x32x128xf32, #tpu.memory_space<vmem>> -> memref<1x32x128xf32, #tpu.memory_space<vmem>>
      %dma_wait3A_1098 = tpu.memref_squeeze %dma_wait3A_1097 : memref<1x32x128xf32, #tpu.memory_space<vmem>> -> memref<32x128xf32, #tpu.memory_space<vmem>>
      %dma_wait3A_1099 = arith.constant 0 : i32
      %dma_wait3A_1100 = tpu.memref_slice %arg4[%dma_wait3A_1099, %multiple_of3A_788] : memref<32x1000000xf32, #tpu.memory_space<hbm>> -> memref<32x128xf32, #tpu.memory_space<hbm>>
      tpu.wait_dma2 semaphore(%arg13 : memref<!tpu.dma_semaphore, #tpu.memory_space<semaphore_mem>>) src(%dma_wait3A_1100 : memref<32x128xf32, #tpu.memory_space<hbm>>) dst(%dma_wait3A_1098 : memref<32x128xf32, #tpu.memory_space<vmem>>)
      %dma_wait3A_1101 = arith.constant 1 : i32
      %dma_wait3A_1102 = arith.constant 0 : i32
      %dma_wait3A_1103 = arith.constant 0 : i32
      %dma_wait3A_1104 = tpu.memref_slice %arg10[%dma_wait3A_1101, %dma_wait3A_1102, %dma_wait3A_1103] : memref<8x32x128xf32, #tpu.memory_space<vmem>> -> memref<1x32x128xf32, #tpu.memory_space<vmem>>
      %dma_wait3A_1105 = tpu.memref_squeeze %dma_wait3A_1104 : memref<1x32x128xf32, #tpu.memory_space<vmem>> -> memref<32x128xf32, #tpu.memory_space<vmem>>
      %dma_wait3A_1106 = arith.constant 0 : i32
      %dma_wait3A_1107 = tpu.memref_slice %arg5[%dma_wait3A_1106, %multiple_of3A_795] : memref<32x1000000xf32, #tpu.memory_space<hbm>> -> memref<32x128xf32, #tpu.memory_space<hbm>>
      %dma_wait3A_1108 = arith.constant 0 : i32
      %dma_wait3A_1109 = arith.constant 0 : i32
      %dma_wait3A_1110 = tpu.memref_slice %arg10[%dma_wait3A_1101, %dma_wait3A_1108, %dma_wait3A_1109] : memref<8x32x128xf32, #tpu.memory_space<vmem>> -> memref<1x32x128xf32, #tpu.memory_space<vmem>>
      %dma_wait3A_1111 = tpu.memref_squeeze %dma_wait3A_1110 : memref<1x32x128xf32, #tpu.memory_space<vmem>> -> memref<32x128xf32, #tpu.memory_space<vmem>>
      %dma_wait3A_1112 = arith.constant 0 : i32
      %dma_wait3A_1113 = tpu.memref_slice %arg5[%dma_wait3A_1112, %multiple_of3A_795] : memref<32x1000000xf32, #tpu.memory_space<hbm>> -> memref<32x128xf32, #tpu.memory_space<hbm>>
      tpu.wait_dma2 semaphore(%arg14 : memref<!tpu.dma_semaphore, #tpu.memory_space<semaphore_mem>>) src(%dma_wait3A_1113 : memref<32x128xf32, #tpu.memory_space<hbm>>) dst(%dma_wait3A_1111 : memref<32x128xf32, #tpu.memory_space<vmem>>)
      %dma_wait3A_1114 = arith.constant 2 : i32
      %dma_wait3A_1115 = arith.constant 0 : i32
      %dma_wait3A_1116 = arith.constant 0 : i32
      %dma_wait3A_1117 = tpu.memref_slice %arg9[%dma_wait3A_1114, %dma_wait3A_1115, %dma_wait3A_1116] : memref<8x32x128xf32, #tpu.memory_space<vmem>> -> memref<1x32x128xf32, #tpu.memory_space<vmem>>
      %dma_wait3A_1118 = tpu.memref_squeeze %dma_wait3A_1117 : memref<1x32x128xf32, #tpu.memory_space<vmem>> -> memref<32x128xf32, #tpu.memory_space<vmem>>
      %dma_wait3A_1119 = arith.constant 0 : i32
      %dma_wait3A_1120 = tpu.memref_slice %arg4[%dma_wait3A_1119, %multiple_of3A_828] : memref<32x1000000xf32, #tpu.memory_space<hbm>> -> memref<32x128xf32, #tpu.memory_space<hbm>>
      %dma_wait3A_1121 = arith.constant 0 : i32
      %dma_wait3A_1122 = arith.constant 0 : i32
      %dma_wait3A_1123 = tpu.memref_slice %arg9[%dma_wait3A_1114, %dma_wait3A_1121, %dma_wait3A_1122] : memref<8x32x128xf32, #tpu.memory_space<vmem>> -> memref<1x32x128xf32, #tpu.memory_space<vmem>>
      %dma_wait3A_1124 = tpu.memref_squeeze %dma_wait3A_1123 : memref<1x32x128xf32, #tpu.memory_space<vmem>> -> memref<32x128xf32, #tpu.memory_space<vmem>>
      %dma_wait3A_1125 = arith.constant 0 : i32
      %dma_wait3A_1126 = tpu.memref_slice %arg4[%dma_wait3A_1125, %multiple_of3A_828] : memref<32x1000000xf32, #tpu.memory_space<hbm>> -> memref<32x128xf32, #tpu.memory_space<hbm>>
      tpu.wait_dma2 semaphore(%arg13 : memref<!tpu.dma_semaphore, #tpu.memory_space<semaphore_mem>>) src(%dma_wait3A_1126 : memref<32x128xf32, #tpu.memory_space<hbm>>) dst(%dma_wait3A_1124 : memref<32x128xf32, #tpu.memory_space<vmem>>)
      %dma_wait3A_1127 = arith.constant 2 : i32
      %dma_wait3A_1128 = arith.constant 0 : i32
      %dma_wait3A_1129 = arith.constant 0 : i32
      %dma_wait3A_1130 = tpu.memref_slice %arg10[%dma_wait3A_1127, %dma_wait3A_1128, %dma_wait3A_1129] : memref<8x32x128xf32, #tpu.memory_space<vmem>> -> memref<1x32x128xf32, #tpu.memory_space<vmem>>
      %dma_wait3A_1131 = tpu.memref_squeeze %dma_wait3A_1130 : memref<1x32x128xf32, #tpu.memory_space<vmem>> -> memref<32x128xf32, #tpu.memory_space<vmem>>
      %dma_wait3A_1132 = arith.constant 0 : i32
      %dma_wait3A_1133 = tpu.memref_slice %arg5[%dma_wait3A_1132, %multiple_of3A_835] : memref<32x1000000xf32, #tpu.memory_space<hbm>> -> memref<32x128xf32, #tpu.memory_space<hbm>>
      %dma_wait3A_1134 = arith.constant 0 : i32
      %dma_wait3A_1135 = arith.constant 0 : i32
      %dma_wait3A_1136 = tpu.memref_slice %arg10[%dma_wait3A_1127, %dma_wait3A_1134, %dma_wait3A_1135] : memref<8x32x128xf32, #tpu.memory_space<vmem>> -> memref<1x32x128xf32, #tpu.memory_space<vmem>>
      %dma_wait3A_1137 = tpu.memref_squeeze %dma_wait3A_1136 : memref<1x32x128xf32, #tpu.memory_space<vmem>> -> memref<32x128xf32, #tpu.memory_space<vmem>>
      %dma_wait3A_1138 = arith.constant 0 : i32
      %dma_wait3A_1139 = tpu.memref_slice %arg5[%dma_wait3A_1138, %multiple_of3A_835] : memref<32x1000000xf32, #tpu.memory_space<hbm>> -> memref<32x128xf32, #tpu.memory_space<hbm>>
      tpu.wait_dma2 semaphore(%arg14 : memref<!tpu.dma_semaphore, #tpu.memory_space<semaphore_mem>>) src(%dma_wait3A_1139 : memref<32x128xf32, #tpu.memory_space<hbm>>) dst(%dma_wait3A_1137 : memref<32x128xf32, #tpu.memory_space<vmem>>)
      %dma_wait3A_1140 = arith.constant 3 : i32
      %dma_wait3A_1141 = arith.constant 0 : i32
      %dma_wait3A_1142 = arith.constant 0 : i32
      %dma_wait3A_1143 = tpu.memref_slice %arg9[%dma_wait3A_1140, %dma_wait3A_1141, %dma_wait3A_1142] : memref<8x32x128xf32, #tpu.memory_space<vmem>> -> memref<1x32x128xf32, #tpu.memory_space<vmem>>
      %dma_wait3A_1144 = tpu.memref_squeeze %dma_wait3A_1143 : memref<1x32x128xf32, #tpu.memory_space<vmem>> -> memref<32x128xf32, #tpu.memory_space<vmem>>
      %dma_wait3A_1145 = arith.constant 0 : i32
      %dma_wait3A_1146 = tpu.memref_slice %arg4[%dma_wait3A_1145, %multiple_of3A_868] : memref<32x1000000xf32, #tpu.memory_space<hbm>> -> memref<32x128xf32, #tpu.memory_space<hbm>>
      %dma_wait3A_1147 = arith.constant 0 : i32
      %dma_wait3A_1148 = arith.constant 0 : i32
      %dma_wait3A_1149 = tpu.memref_slice %arg9[%dma_wait3A_1140, %dma_wait3A_1147, %dma_wait3A_1148] : memref<8x32x128xf32, #tpu.memory_space<vmem>> -> memref<1x32x128xf32, #tpu.memory_space<vmem>>
      %dma_wait3A_1150 = tpu.memref_squeeze %dma_wait3A_1149 : memref<1x32x128xf32, #tpu.memory_space<vmem>> -> memref<32x128xf32, #tpu.memory_space<vmem>>
      %dma_wait3A_1151 = arith.constant 0 : i32
      %dma_wait3A_1152 = tpu.memref_slice %arg4[%dma_wait3A_1151, %multiple_of3A_868] : memref<32x1000000xf32, #tpu.memory_space<hbm>> -> memref<32x128xf32, #tpu.memory_space<hbm>>
      tpu.wait_dma2 semaphore(%arg13 : memref<!tpu.dma_semaphore, #tpu.memory_space<semaphore_mem>>) src(%dma_wait3A_1152 : memref<32x128xf32, #tpu.memory_space<hbm>>) dst(%dma_wait3A_1150 : memref<32x128xf32, #tpu.memory_space<vmem>>)
      %dma_wait3A_1153 = arith.constant 3 : i32
      %dma_wait3A_1154 = arith.constant 0 : i32
      %dma_wait3A_1155 = arith.constant 0 : i32
      %dma_wait3A_1156 = tpu.memref_slice %arg10[%dma_wait3A_1153, %dma_wait3A_1154, %dma_wait3A_1155] : memref<8x32x128xf32, #tpu.memory_space<vmem>> -> memref<1x32x128xf32, #tpu.memory_space<vmem>>
      %dma_wait3A_1157 = tpu.memref_squeeze %dma_wait3A_1156 : memref<1x32x128xf32, #tpu.memory_space<vmem>> -> memref<32x128xf32, #tpu.memory_space<vmem>>
      %dma_wait3A_1158 = arith.constant 0 : i32
      %dma_wait3A_1159 = tpu.memref_slice %arg5[%dma_wait3A_1158, %multiple_of3A_875] : memref<32x1000000xf32, #tpu.memory_space<hbm>> -> memref<32x128xf32, #tpu.memory_space<hbm>>
      %dma_wait3A_1160 = arith.constant 0 : i32
      %dma_wait3A_1161 = arith.constant 0 : i32
      %dma_wait3A_1162 = tpu.memref_slice %arg10[%dma_wait3A_1153, %dma_wait3A_1160, %dma_wait3A_1161] : memref<8x32x128xf32, #tpu.memory_space<vmem>> -> memref<1x32x128xf32, #tpu.memory_space<vmem>>
      %dma_wait3A_1163 = tpu.memref_squeeze %dma_wait3A_1162 : memref<1x32x128xf32, #tpu.memory_space<vmem>> -> memref<32x128xf32, #tpu.memory_space<vmem>>
      %dma_wait3A_1164 = arith.constant 0 : i32
      %dma_wait3A_1165 = tpu.memref_slice %arg5[%dma_wait3A_1164, %multiple_of3A_875] : memref<32x1000000xf32, #tpu.memory_space<hbm>> -> memref<32x128xf32, #tpu.memory_space<hbm>>
      tpu.wait_dma2 semaphore(%arg14 : memref<!tpu.dma_semaphore, #tpu.memory_space<semaphore_mem>>) src(%dma_wait3A_1165 : memref<32x128xf32, #tpu.memory_space<hbm>>) dst(%dma_wait3A_1163 : memref<32x128xf32, #tpu.memory_space<vmem>>)
      %dma_wait3A_1166 = arith.constant 4 : i32
      %dma_wait3A_1167 = arith.constant 0 : i32
      %dma_wait3A_1168 = arith.constant 0 : i32
      %dma_wait3A_1169 = tpu.memref_slice %arg9[%dma_wait3A_1166, %dma_wait3A_1167, %dma_wait3A_1168] : memref<8x32x128xf32, #tpu.memory_space<vmem>> -> memref<1x32x128xf32, #tpu.memory_space<vmem>>
      %dma_wait3A_1170 = tpu.memref_squeeze %dma_wait3A_1169 : memref<1x32x128xf32, #tpu.memory_space<vmem>> -> memref<32x128xf32, #tpu.memory_space<vmem>>
      %dma_wait3A_1171 = arith.constant 0 : i32
      %dma_wait3A_1172 = tpu.memref_slice %arg4[%dma_wait3A_1171, %multiple_of3A_908] : memref<32x1000000xf32, #tpu.memory_space<hbm>> -> memref<32x128xf32, #tpu.memory_space<hbm>>
      %dma_wait3A_1173 = arith.constant 0 : i32
      %dma_wait3A_1174 = arith.constant 0 : i32
      %dma_wait3A_1175 = tpu.memref_slice %arg9[%dma_wait3A_1166, %dma_wait3A_1173, %dma_wait3A_1174] : memref<8x32x128xf32, #tpu.memory_space<vmem>> -> memref<1x32x128xf32, #tpu.memory_space<vmem>>
      %dma_wait3A_1176 = tpu.memref_squeeze %dma_wait3A_1175 : memref<1x32x128xf32, #tpu.memory_space<vmem>> -> memref<32x128xf32, #tpu.memory_space<vmem>>
      %dma_wait3A_1177 = arith.constant 0 : i32
      %dma_wait3A_1178 = tpu.memref_slice %arg4[%dma_wait3A_1177, %multiple_of3A_908] : memref<32x1000000xf32, #tpu.memory_space<hbm>> -> memref<32x128xf32, #tpu.memory_space<hbm>>
      tpu.wait_dma2 semaphore(%arg13 : memref<!tpu.dma_semaphore, #tpu.memory_space<semaphore_mem>>) src(%dma_wait3A_1178 : memref<32x128xf32, #tpu.memory_space<hbm>>) dst(%dma_wait3A_1176 : memref<32x128xf32, #tpu.memory_space<vmem>>)
      %dma_wait3A_1179 = arith.constant 4 : i32
      %dma_wait3A_1180 = arith.constant 0 : i32
      %dma_wait3A_1181 = arith.constant 0 : i32
      %dma_wait3A_1182 = tpu.memref_slice %arg10[%dma_wait3A_1179, %dma_wait3A_1180, %dma_wait3A_1181] : memref<8x32x128xf32, #tpu.memory_space<vmem>> -> memref<1x32x128xf32, #tpu.memory_space<vmem>>
      %dma_wait3A_1183 = tpu.memref_squeeze %dma_wait3A_1182 : memref<1x32x128xf32, #tpu.memory_space<vmem>> -> memref<32x128xf32, #tpu.memory_space<vmem>>
      %dma_wait3A_1184 = arith.constant 0 : i32
      %dma_wait3A_1185 = tpu.memref_slice %arg5[%dma_wait3A_1184, %multiple_of3A_915] : memref<32x1000000xf32, #tpu.memory_space<hbm>> -> memref<32x128xf32, #tpu.memory_space<hbm>>
      %dma_wait3A_1186 = arith.constant 0 : i32
      %dma_wait3A_1187 = arith.constant 0 : i32
      %dma_wait3A_1188 = tpu.memref_slice %arg10[%dma_wait3A_1179, %dma_wait3A_1186, %dma_wait3A_1187] : memref<8x32x128xf32, #tpu.memory_space<vmem>> -> memref<1x32x128xf32, #tpu.memory_space<vmem>>
      %dma_wait3A_1189 = tpu.memref_squeeze %dma_wait3A_1188 : memref<1x32x128xf32, #tpu.memory_space<vmem>> -> memref<32x128xf32, #tpu.memory_space<vmem>>
      %dma_wait3A_1190 = arith.constant 0 : i32
      %dma_wait3A_1191 = tpu.memref_slice %arg5[%dma_wait3A_1190, %multiple_of3A_915] : memref<32x1000000xf32, #tpu.memory_space<hbm>> -> memref<32x128xf32, #tpu.memory_space<hbm>>
      tpu.wait_dma2 semaphore(%arg14 : memref<!tpu.dma_semaphore, #tpu.memory_space<semaphore_mem>>) src(%dma_wait3A_1191 : memref<32x128xf32, #tpu.memory_space<hbm>>) dst(%dma_wait3A_1189 : memref<32x128xf32, #tpu.memory_space<vmem>>)
      %dma_wait3A_1192 = arith.constant 5 : i32
      %dma_wait3A_1193 = arith.constant 0 : i32
      %dma_wait3A_1194 = arith.constant 0 : i32
      %dma_wait3A_1195 = tpu.memref_slice %arg9[%dma_wait3A_1192, %dma_wait3A_1193, %dma_wait3A_1194] : memref<8x32x128xf32, #tpu.memory_space<vmem>> -> memref<1x32x128xf32, #tpu.memory_space<vmem>>
      %dma_wait3A_1196 = tpu.memref_squeeze %dma_wait3A_1195 : memref<1x32x128xf32, #tpu.memory_space<vmem>> -> memref<32x128xf32, #tpu.memory_space<vmem>>
      %dma_wait3A_1197 = arith.constant 0 : i32
      %dma_wait3A_1198 = tpu.memref_slice %arg4[%dma_wait3A_1197, %multiple_of3A_948] : memref<32x1000000xf32, #tpu.memory_space<hbm>> -> memref<32x128xf32, #tpu.memory_space<hbm>>
      %dma_wait3A_1199 = arith.constant 0 : i32
      %dma_wait3A_1200 = arith.constant 0 : i32
      %dma_wait3A_1201 = tpu.memref_slice %arg9[%dma_wait3A_1192, %dma_wait3A_1199, %dma_wait3A_1200] : memref<8x32x128xf32, #tpu.memory_space<vmem>> -> memref<1x32x128xf32, #tpu.memory_space<vmem>>
      %dma_wait3A_1202 = tpu.memref_squeeze %dma_wait3A_1201 : memref<1x32x128xf32, #tpu.memory_space<vmem>> -> memref<32x128xf32, #tpu.memory_space<vmem>>
      %dma_wait3A_1203 = arith.constant 0 : i32
      %dma_wait3A_1204 = tpu.memref_slice %arg4[%dma_wait3A_1203, %multiple_of3A_948] : memref<32x1000000xf32, #tpu.memory_space<hbm>> -> memref<32x128xf32, #tpu.memory_space<hbm>>
      tpu.wait_dma2 semaphore(%arg13 : memref<!tpu.dma_semaphore, #tpu.memory_space<semaphore_mem>>) src(%dma_wait3A_1204 : memref<32x128xf32, #tpu.memory_space<hbm>>) dst(%dma_wait3A_1202 : memref<32x128xf32, #tpu.memory_space<vmem>>)
      %dma_wait3A_1205 = arith.constant 5 : i32
      %dma_wait3A_1206 = arith.constant 0 : i32
      %dma_wait3A_1207 = arith.constant 0 : i32
      %dma_wait3A_1208 = tpu.memref_slice %arg10[%dma_wait3A_1205, %dma_wait3A_1206, %dma_wait3A_1207] : memref<8x32x128xf32, #tpu.memory_space<vmem>> -> memref<1x32x128xf32, #tpu.memory_space<vmem>>
      %dma_wait3A_1209 = tpu.memref_squeeze %dma_wait3A_1208 : memref<1x32x128xf32, #tpu.memory_space<vmem>> -> memref<32x128xf32, #tpu.memory_space<vmem>>
      %dma_wait3A_1210 = arith.constant 0 : i32
      %dma_wait3A_1211 = tpu.memref_slice %arg5[%dma_wait3A_1210, %multiple_of3A_955] : memref<32x1000000xf32, #tpu.memory_space<hbm>> -> memref<32x128xf32, #tpu.memory_space<hbm>>
      %dma_wait3A_1212 = arith.constant 0 : i32
      %dma_wait3A_1213 = arith.constant 0 : i32
      %dma_wait3A_1214 = tpu.memref_slice %arg10[%dma_wait3A_1205, %dma_wait3A_1212, %dma_wait3A_1213] : memref<8x32x128xf32, #tpu.memory_space<vmem>> -> memref<1x32x128xf32, #tpu.memory_space<vmem>>
      %dma_wait3A_1215 = tpu.memref_squeeze %dma_wait3A_1214 : memref<1x32x128xf32, #tpu.memory_space<vmem>> -> memref<32x128xf32, #tpu.memory_space<vmem>>
      %dma_wait3A_1216 = arith.constant 0 : i32
      %dma_wait3A_1217 = tpu.memref_slice %arg5[%dma_wait3A_1216, %multiple_of3A_955] : memref<32x1000000xf32, #tpu.memory_space<hbm>> -> memref<32x128xf32, #tpu.memory_space<hbm>>
      tpu.wait_dma2 semaphore(%arg14 : memref<!tpu.dma_semaphore, #tpu.memory_space<semaphore_mem>>) src(%dma_wait3A_1217 : memref<32x128xf32, #tpu.memory_space<hbm>>) dst(%dma_wait3A_1215 : memref<32x128xf32, #tpu.memory_space<vmem>>)
      %dma_wait3A_1218 = arith.constant 6 : i32
      %dma_wait3A_1219 = arith.constant 0 : i32
      %dma_wait3A_1220 = arith.constant 0 : i32
      %dma_wait3A_1221 = tpu.memref_slice %arg9[%dma_wait3A_1218, %dma_wait3A_1219, %dma_wait3A_1220] : memref<8x32x128xf32, #tpu.memory_space<vmem>> -> memref<1x32x128xf32, #tpu.memory_space<vmem>>
      %dma_wait3A_1222 = tpu.memref_squeeze %dma_wait3A_1221 : memref<1x32x128xf32, #tpu.memory_space<vmem>> -> memref<32x128xf32, #tpu.memory_space<vmem>>
      %dma_wait3A_1223 = arith.constant 0 : i32
      %dma_wait3A_1224 = tpu.memref_slice %arg4[%dma_wait3A_1223, %multiple_of3A_988] : memref<32x1000000xf32, #tpu.memory_space<hbm>> -> memref<32x128xf32, #tpu.memory_space<hbm>>
      %dma_wait3A_1225 = arith.constant 0 : i32
      %dma_wait3A_1226 = arith.constant 0 : i32
      %dma_wait3A_1227 = tpu.memref_slice %arg9[%dma_wait3A_1218, %dma_wait3A_1225, %dma_wait3A_1226] : memref<8x32x128xf32, #tpu.memory_space<vmem>> -> memref<1x32x128xf32, #tpu.memory_space<vmem>>
      %dma_wait3A_1228 = tpu.memref_squeeze %dma_wait3A_1227 : memref<1x32x128xf32, #tpu.memory_space<vmem>> -> memref<32x128xf32, #tpu.memory_space<vmem>>
      %dma_wait3A_1229 = arith.constant 0 : i32
      %dma_wait3A_1230 = tpu.memref_slice %arg4[%dma_wait3A_1229, %multiple_of3A_988] : memref<32x1000000xf32, #tpu.memory_space<hbm>> -> memref<32x128xf32, #tpu.memory_space<hbm>>
      tpu.wait_dma2 semaphore(%arg13 : memref<!tpu.dma_semaphore, #tpu.memory_space<semaphore_mem>>) src(%dma_wait3A_1230 : memref<32x128xf32, #tpu.memory_space<hbm>>) dst(%dma_wait3A_1228 : memref<32x128xf32, #tpu.memory_space<vmem>>)
      %dma_wait3A_1231 = arith.constant 6 : i32
      %dma_wait3A_1232 = arith.constant 0 : i32
      %dma_wait3A_1233 = arith.constant 0 : i32
      %dma_wait3A_1234 = tpu.memref_slice %arg10[%dma_wait3A_1231, %dma_wait3A_1232, %dma_wait3A_1233] : memref<8x32x128xf32, #tpu.memory_space<vmem>> -> memref<1x32x128xf32, #tpu.memory_space<vmem>>
      %dma_wait3A_1235 = tpu.memref_squeeze %dma_wait3A_1234 : memref<1x32x128xf32, #tpu.memory_space<vmem>> -> memref<32x128xf32, #tpu.memory_space<vmem>>
      %dma_wait3A_1236 = arith.constant 0 : i32
      %dma_wait3A_1237 = tpu.memref_slice %arg5[%dma_wait3A_1236, %multiple_of3A_995] : memref<32x1000000xf32, #tpu.memory_space<hbm>> -> memref<32x128xf32, #tpu.memory_space<hbm>>
      %dma_wait3A_1238 = arith.constant 0 : i32
      %dma_wait3A_1239 = arith.constant 0 : i32
      %dma_wait3A_1240 = tpu.memref_slice %arg10[%dma_wait3A_1231, %dma_wait3A_1238, %dma_wait3A_1239] : memref<8x32x128xf32, #tpu.memory_space<vmem>> -> memref<1x32x128xf32, #tpu.memory_space<vmem>>
      %dma_wait3A_1241 = tpu.memref_squeeze %dma_wait3A_1240 : memref<1x32x128xf32, #tpu.memory_space<vmem>> -> memref<32x128xf32, #tpu.memory_space<vmem>>
      %dma_wait3A_1242 = arith.constant 0 : i32
      %dma_wait3A_1243 = tpu.memref_slice %arg5[%dma_wait3A_1242, %multiple_of3A_995] : memref<32x1000000xf32, #tpu.memory_space<hbm>> -> memref<32x128xf32, #tpu.memory_space<hbm>>
      tpu.wait_dma2 semaphore(%arg14 : memref<!tpu.dma_semaphore, #tpu.memory_space<semaphore_mem>>) src(%dma_wait3A_1243 : memref<32x128xf32, #tpu.memory_space<hbm>>) dst(%dma_wait3A_1241 : memref<32x128xf32, #tpu.memory_space<vmem>>)
      %dma_wait3A_1244 = arith.constant 7 : i32
      %dma_wait3A_1245 = arith.constant 0 : i32
      %dma_wait3A_1246 = arith.constant 0 : i32
      %dma_wait3A_1247 = tpu.memref_slice %arg9[%dma_wait3A_1244, %dma_wait3A_1245, %dma_wait3A_1246] : memref<8x32x128xf32, #tpu.memory_space<vmem>> -> memref<1x32x128xf32, #tpu.memory_space<vmem>>
      %dma_wait3A_1248 = tpu.memref_squeeze %dma_wait3A_1247 : memref<1x32x128xf32, #tpu.memory_space<vmem>> -> memref<32x128xf32, #tpu.memory_space<vmem>>
      %dma_wait3A_1249 = arith.constant 0 : i32
      %dma_wait3A_1250 = tpu.memref_slice %arg4[%dma_wait3A_1249, %multiple_of3A_1028] : memref<32x1000000xf32, #tpu.memory_space<hbm>> -> memref<32x128xf32, #tpu.memory_space<hbm>>
      %dma_wait3A_1251 = arith.constant 0 : i32
      %dma_wait3A_1252 = arith.constant 0 : i32
      %dma_wait3A_1253 = tpu.memref_slice %arg9[%dma_wait3A_1244, %dma_wait3A_1251, %dma_wait3A_1252] : memref<8x32x128xf32, #tpu.memory_space<vmem>> -> memref<1x32x128xf32, #tpu.memory_space<vmem>>
      %dma_wait3A_1254 = tpu.memref_squeeze %dma_wait3A_1253 : memref<1x32x128xf32, #tpu.memory_space<vmem>> -> memref<32x128xf32, #tpu.memory_space<vmem>>
      %dma_wait3A_1255 = arith.constant 0 : i32
      %dma_wait3A_1256 = tpu.memref_slice %arg4[%dma_wait3A_1255, %multiple_of3A_1028] : memref<32x1000000xf32, #tpu.memory_space<hbm>> -> memref<32x128xf32, #tpu.memory_space<hbm>>
      tpu.wait_dma2 semaphore(%arg13 : memref<!tpu.dma_semaphore, #tpu.memory_space<semaphore_mem>>) src(%dma_wait3A_1256 : memref<32x128xf32, #tpu.memory_space<hbm>>) dst(%dma_wait3A_1254 : memref<32x128xf32, #tpu.memory_space<vmem>>)
      %dma_wait3A_1257 = arith.constant 7 : i32
      %dma_wait3A_1258 = arith.constant 0 : i32
      %dma_wait3A_1259 = arith.constant 0 : i32
      %dma_wait3A_1260 = tpu.memref_slice %arg10[%dma_wait3A_1257, %dma_wait3A_1258, %dma_wait3A_1259] : memref<8x32x128xf32, #tpu.memory_space<vmem>> -> memref<1x32x128xf32, #tpu.memory_space<vmem>>
      %dma_wait3A_1261 = tpu.memref_squeeze %dma_wait3A_1260 : memref<1x32x128xf32, #tpu.memory_space<vmem>> -> memref<32x128xf32, #tpu.memory_space<vmem>>
      %dma_wait3A_1262 = arith.constant 0 : i32
      %dma_wait3A_1263 = tpu.memref_slice %arg5[%dma_wait3A_1262, %multiple_of3A_1035] : memref<32x1000000xf32, #tpu.memory_space<hbm>> -> memref<32x128xf32, #tpu.memory_space<hbm>>
      %dma_wait3A_1264 = arith.constant 0 : i32
      %dma_wait3A_1265 = arith.constant 0 : i32
      %dma_wait3A_1266 = tpu.memref_slice %arg10[%dma_wait3A_1257, %dma_wait3A_1264, %dma_wait3A_1265] : memref<8x32x128xf32, #tpu.memory_space<vmem>> -> memref<1x32x128xf32, #tpu.memory_space<vmem>>
      %dma_wait3A_1267 = tpu.memref_squeeze %dma_wait3A_1266 : memref<1x32x128xf32, #tpu.memory_space<vmem>> -> memref<32x128xf32, #tpu.memory_space<vmem>>
      %dma_wait3A_1268 = arith.constant 0 : i32
      %dma_wait3A_1269 = tpu.memref_slice %arg5[%dma_wait3A_1268, %multiple_of3A_1035] : memref<32x1000000xf32, #tpu.memory_space<hbm>> -> memref<32x128xf32, #tpu.memory_space<hbm>>
      tpu.wait_dma2 semaphore(%arg14 : memref<!tpu.dma_semaphore, #tpu.memory_space<semaphore_mem>>) src(%dma_wait3A_1269 : memref<32x128xf32, #tpu.memory_space<hbm>>) dst(%dma_wait3A_1267 : memref<32x128xf32, #tpu.memory_space<vmem>>)
      %mul3A_1270 = arith.constant 16 : i32
      %mul3A_1271 = arith.muli %scan3A_12, %mul3A_1270 : i32
      %add3A_1272 = arith.constant 8 : i32
      %add3A_1273 = arith.addi %mul3A_1271, %add3A_1272 : i32
      %add3A_1274 = vector.broadcast %add3A_1273 : i32 to vector<16xi32>
      %add3A_1275 = arith.addi %add3A_1274, %and3A_28 : vector<16xi32>
      %gather3A_1276 = tpu.vector_load_idx %arg7[%add3A_1275] : memref<512xi32, #tpu.memory_space<vmem>>[vector<16xi32>], vector<16xi32>,
      %and3A_1277 = arith.constant 127 : i32
      %and3A_1278 = vector.broadcast %and3A_1277 : i32 to vector<16xi32>
      %and3A_1279 = arith.andi %gather3A_1276, %and3A_1278 : vector<16xi32>
      %mul3A_1280 = arith.constant 16 : i32
      %mul3A_1281 = arith.muli %scan3A_12, %mul3A_1280 : i32
      %add3A_1282 = arith.constant 8 : i32
      %add3A_1283 = arith.addi %mul3A_1281, %add3A_1282 : i32
      %add3A_1284 = vector.broadcast %add3A_1283 : i32 to vector<16xi32>
      %add3A_1285 = arith.addi %add3A_1284, %and3A_28 : vector<16xi32>
      %gather3A_1286 = tpu.vector_load_idx %arg8[%add3A_1285] : memref<512xi32, #tpu.memory_space<vmem>>[vector<16xi32>], vector<16xi32>,
      %and3A_1287 = arith.constant 127 : i32
      %and3A_1288 = vector.broadcast %and3A_1287 : i32 to vector<16xi32>
      %and3A_1289 = arith.andi %gather3A_1286, %and3A_1288 : vector<16xi32>
      %broadcast_in_dim3A_1290 = arith.constant 0 : i32
      %broadcast_in_dim3A_1291 = vector.broadcast %broadcast_in_dim3A_1290 : i32 to vector<16xi32>
      %gather3A_1292 = tpu.vector_load_idx %arg9[%and3A_28, %broadcast_in_dim3A_1291, %and3A_1279] : memref<8x32x128xf32, #tpu.memory_space<vmem>>[vector<16xi32>, vector<16xi32>, vector<16xi32>], vector<16xf32>,
      %gather3A_1293 = tpu.vector_load_idx %arg10[%and3A_28, %broadcast_in_dim3A_1291, %and3A_1289] : memref<8x32x128xf32, #tpu.memory_space<vmem>>[vector<16xi32>, vector<16xi32>, vector<16xi32>], vector<16xf32>,
      %mul3A_1294 = arith.mulf %gather3A_1292, %gather3A_1293 : vector<16xf32>
      %add3A_1295 = arith.addf %broadcast_in_dim3A_5, %mul3A_1294 : vector<16xf32>
      %broadcast_in_dim3A_1296 = arith.constant 1 : i32
      %broadcast_in_dim3A_1297 = vector.broadcast %broadcast_in_dim3A_1296 : i32 to vector<16xi32>
      %gather3A_1298 = tpu.vector_load_idx %arg9[%and3A_28, %broadcast_in_dim3A_1297, %and3A_1279] : memref<8x32x128xf32, #tpu.memory_space<vmem>>[vector<16xi32>, vector<16xi32>, vector<16xi32>], vector<16xf32>,
      %gather3A_1299 = tpu.vector_load_idx %arg10[%and3A_28, %broadcast_in_dim3A_1297, %and3A_1289] : memref<8x32x128xf32, #tpu.memory_space<vmem>>[vector<16xi32>, vector<16xi32>, vector<16xi32>], vector<16xf32>,
      %mul3A_1300 = arith.mulf %gather3A_1298, %gather3A_1299 : vector<16xf32>
      %add3A_1301 = arith.addf %add3A_1295, %mul3A_1300 : vector<16xf32>
      %broadcast_in_dim3A_1302 = arith.constant 2 : i32
      %broadcast_in_dim3A_1303 = vector.broadcast %broadcast_in_dim3A_1302 : i32 to vector<16xi32>
      %gather3A_1304 = tpu.vector_load_idx %arg9[%and3A_28, %broadcast_in_dim3A_1303, %and3A_1279] : memref<8x32x128xf32, #tpu.memory_space<vmem>>[vector<16xi32>, vector<16xi32>, vector<16xi32>], vector<16xf32>,
      %gather3A_1305 = tpu.vector_load_idx %arg10[%and3A_28, %broadcast_in_dim3A_1303, %and3A_1289] : memref<8x32x128xf32, #tpu.memory_space<vmem>>[vector<16xi32>, vector<16xi32>, vector<16xi32>], vector<16xf32>,
      %mul3A_1306 = arith.mulf %gather3A_1304, %gather3A_1305 : vector<16xf32>
      %add3A_1307 = arith.addf %add3A_1301, %mul3A_1306 : vector<16xf32>
      %broadcast_in_dim3A_1308 = arith.constant 3 : i32
      %broadcast_in_dim3A_1309 = vector.broadcast %broadcast_in_dim3A_1308 : i32 to vector<16xi32>
      %gather3A_1310 = tpu.vector_load_idx %arg9[%and3A_28, %broadcast_in_dim3A_1309, %and3A_1279] : memref<8x32x128xf32, #tpu.memory_space<vmem>>[vector<16xi32>, vector<16xi32>, vector<16xi32>], vector<16xf32>,
      %gather3A_1311 = tpu.vector_load_idx %arg10[%and3A_28, %broadcast_in_dim3A_1309, %and3A_1289] : memref<8x32x128xf32, #tpu.memory_space<vmem>>[vector<16xi32>, vector<16xi32>, vector<16xi32>], vector<16xf32>,
      %mul3A_1312 = arith.mulf %gather3A_1310, %gather3A_1311 : vector<16xf32>
      %add3A_1313 = arith.addf %add3A_1307, %mul3A_1312 : vector<16xf32>
      %broadcast_in_dim3A_1314 = arith.constant 4 : i32
      %broadcast_in_dim3A_1315 = vector.broadcast %broadcast_in_dim3A_1314 : i32 to vector<16xi32>
      %gather3A_1316 = tpu.vector_load_idx %arg9[%and3A_28, %broadcast_in_dim3A_1315, %and3A_1279] : memref<8x32x128xf32, #tpu.memory_space<vmem>>[vector<16xi32>, vector<16xi32>, vector<16xi32>], vector<16xf32>,
      %gather3A_1317 = tpu.vector_load_idx %arg10[%and3A_28, %broadcast_in_dim3A_1315, %and3A_1289] : memref<8x32x128xf32, #tpu.memory_space<vmem>>[vector<16xi32>, vector<16xi32>, vector<16xi32>], vector<16xf32>,
      %mul3A_1318 = arith.mulf %gather3A_1316, %gather3A_1317 : vector<16xf32>
      %add3A_1319 = arith.addf %add3A_1313, %mul3A_1318 : vector<16xf32>
      %broadcast_in_dim3A_1320 = arith.constant 5 : i32
      %broadcast_in_dim3A_1321 = vector.broadcast %broadcast_in_dim3A_1320 : i32 to vector<16xi32>
      %gather3A_1322 = tpu.vector_load_idx %arg9[%and3A_28, %broadcast_in_dim3A_1321, %and3A_1279] : memref<8x32x128xf32, #tpu.memory_space<vmem>>[vector<16xi32>, vector<16xi32>, vector<16xi32>], vector<16xf32>,
      %gather3A_1323 = tpu.vector_load_idx %arg10[%and3A_28, %broadcast_in_dim3A_1321, %and3A_1289] : memref<8x32x128xf32, #tpu.memory_space<vmem>>[vector<16xi32>, vector<16xi32>, vector<16xi32>], vector<16xf32>,
      %mul3A_1324 = arith.mulf %gather3A_1322, %gather3A_1323 : vector<16xf32>
      %add3A_1325 = arith.addf %add3A_1319, %mul3A_1324 : vector<16xf32>
      %broadcast_in_dim3A_1326 = arith.constant 6 : i32
      %broadcast_in_dim3A_1327 = vector.broadcast %broadcast_in_dim3A_1326 : i32 to vector<16xi32>
      %gather3A_1328 = tpu.vector_load_idx %arg9[%and3A_28, %broadcast_in_dim3A_1327, %and3A_1279] : memref<8x32x128xf32, #tpu.memory_space<vmem>>[vector<16xi32>, vector<16xi32>, vector<16xi32>], vector<16xf32>,
      %gather3A_1329 = tpu.vector_load_idx %arg10[%and3A_28, %broadcast_in_dim3A_1327, %and3A_1289] : memref<8x32x128xf32, #tpu.memory_space<vmem>>[vector<16xi32>, vector<16xi32>, vector<16xi32>], vector<16xf32>,
      %mul3A_1330 = arith.mulf %gather3A_1328, %gather3A_1329 : vector<16xf32>
      %add3A_1331 = arith.addf %add3A_1325, %mul3A_1330 : vector<16xf32>
      %broadcast_in_dim3A_1332 = arith.constant 7 : i32
      %broadcast_in_dim3A_1333 = vector.broadcast %broadcast_in_dim3A_1332 : i32 to vector<16xi32>
      %gather3A_1334 = tpu.vector_load_idx %arg9[%and3A_28, %broadcast_in_dim3A_1333, %and3A_1279] : memref<8x32x128xf32, #tpu.memory_space<vmem>>[vector<16xi32>, vector<16xi32>, vector<16xi32>], vector<16xf32>,
      %gather3A_1335 = tpu.vector_load_idx %arg10[%and3A_28, %broadcast_in_dim3A_1333, %and3A_1289] : memref<8x32x128xf32, #tpu.memory_space<vmem>>[vector<16xi32>, vector<16xi32>, vector<16xi32>], vector<16xf32>,
      %mul3A_1336 = arith.mulf %gather3A_1334, %gather3A_1335 : vector<16xf32>
      %add3A_1337 = arith.addf %add3A_1331, %mul3A_1336 : vector<16xf32>
      %broadcast_in_dim3A_1338 = arith.constant 8 : i32
      %broadcast_in_dim3A_1339 = vector.broadcast %broadcast_in_dim3A_1338 : i32 to vector<16xi32>
      %gather3A_1340 = tpu.vector_load_idx %arg9[%and3A_28, %broadcast_in_dim3A_1339, %and3A_1279] : memref<8x32x128xf32, #tpu.memory_space<vmem>>[vector<16xi32>, vector<16xi32>, vector<16xi32>], vector<16xf32>,
      %gather3A_1341 = tpu.vector_load_idx %arg10[%and3A_28, %broadcast_in_dim3A_1339, %and3A_1289] : memref<8x32x128xf32, #tpu.memory_space<vmem>>[vector<16xi32>, vector<16xi32>, vector<16xi32>], vector<16xf32>,
      %mul3A_1342 = arith.mulf %gather3A_1340, %gather3A_1341 : vector<16xf32>
      %add3A_1343 = arith.addf %add3A_1337, %mul3A_1342 : vector<16xf32>
      %broadcast_in_dim3A_1344 = arith.constant 9 : i32
      %broadcast_in_dim3A_1345 = vector.broadcast %broadcast_in_dim3A_1344 : i32 to vector<16xi32>
      %gather3A_1346 = tpu.vector_load_idx %arg9[%and3A_28, %broadcast_in_dim3A_1345, %and3A_1279] : memref<8x32x128xf32, #tpu.memory_space<vmem>>[vector<16xi32>, vector<16xi32>, vector<16xi32>], vector<16xf32>,
      %gather3A_1347 = tpu.vector_load_idx %arg10[%and3A_28, %broadcast_in_dim3A_1345, %and3A_1289] : memref<8x32x128xf32, #tpu.memory_space<vmem>>[vector<16xi32>, vector<16xi32>, vector<16xi32>], vector<16xf32>,
      %mul3A_1348 = arith.mulf %gather3A_1346, %gather3A_1347 : vector<16xf32>
      %add3A_1349 = arith.addf %add3A_1343, %mul3A_1348 : vector<16xf32>
      %broadcast_in_dim3A_1350 = arith.constant 10 : i32
      %broadcast_in_dim3A_1351 = vector.broadcast %broadcast_in_dim3A_1350 : i32 to vector<16xi32>
      %gather3A_1352 = tpu.vector_load_idx %arg9[%and3A_28, %broadcast_in_dim3A_1351, %and3A_1279] : memref<8x32x128xf32, #tpu.memory_space<vmem>>[vector<16xi32>, vector<16xi32>, vector<16xi32>], vector<16xf32>,
      %gather3A_1353 = tpu.vector_load_idx %arg10[%and3A_28, %broadcast_in_dim3A_1351, %and3A_1289] : memref<8x32x128xf32, #tpu.memory_space<vmem>>[vector<16xi32>, vector<16xi32>, vector<16xi32>], vector<16xf32>,
      %mul3A_1354 = arith.mulf %gather3A_1352, %gather3A_1353 : vector<16xf32>
      %add3A_1355 = arith.addf %add3A_1349, %mul3A_1354 : vector<16xf32>
      %broadcast_in_dim3A_1356 = arith.constant 11 : i32
      %broadcast_in_dim3A_1357 = vector.broadcast %broadcast_in_dim3A_1356 : i32 to vector<16xi32>
      %gather3A_1358 = tpu.vector_load_idx %arg9[%and3A_28, %broadcast_in_dim3A_1357, %and3A_1279] : memref<8x32x128xf32, #tpu.memory_space<vmem>>[vector<16xi32>, vector<16xi32>, vector<16xi32>], vector<16xf32>,
      %gather3A_1359 = tpu.vector_load_idx %arg10[%and3A_28, %broadcast_in_dim3A_1357, %and3A_1289] : memref<8x32x128xf32, #tpu.memory_space<vmem>>[vector<16xi32>, vector<16xi32>, vector<16xi32>], vector<16xf32>,
      %mul3A_1360 = arith.mulf %gather3A_1358, %gather3A_1359 : vector<16xf32>
      %add3A_1361 = arith.addf %add3A_1355, %mul3A_1360 : vector<16xf32>
      %broadcast_in_dim3A_1362 = arith.constant 12 : i32
      %broadcast_in_dim3A_1363 = vector.broadcast %broadcast_in_dim3A_1362 : i32 to vector<16xi32>
      %gather3A_1364 = tpu.vector_load_idx %arg9[%and3A_28, %broadcast_in_dim3A_1363, %and3A_1279] : memref<8x32x128xf32, #tpu.memory_space<vmem>>[vector<16xi32>, vector<16xi32>, vector<16xi32>], vector<16xf32>,
      %gather3A_1365 = tpu.vector_load_idx %arg10[%and3A_28, %broadcast_in_dim3A_1363, %and3A_1289] : memref<8x32x128xf32, #tpu.memory_space<vmem>>[vector<16xi32>, vector<16xi32>, vector<16xi32>], vector<16xf32>,
      %mul3A_1366 = arith.mulf %gather3A_1364, %gather3A_1365 : vector<16xf32>
      %add3A_1367 = arith.addf %add3A_1361, %mul3A_1366 : vector<16xf32>
      %broadcast_in_dim3A_1368 = arith.constant 13 : i32
      %broadcast_in_dim3A_1369 = vector.broadcast %broadcast_in_dim3A_1368 : i32 to vector<16xi32>
      %gather3A_1370 = tpu.vector_load_idx %arg9[%and3A_28, %broadcast_in_dim3A_1369, %and3A_1279] : memref<8x32x128xf32, #tpu.memory_space<vmem>>[vector<16xi32>, vector<16xi32>, vector<16xi32>], vector<16xf32>,
      %gather3A_1371 = tpu.vector_load_idx %arg10[%and3A_28, %broadcast_in_dim3A_1369, %and3A_1289] : memref<8x32x128xf32, #tpu.memory_space<vmem>>[vector<16xi32>, vector<16xi32>, vector<16xi32>], vector<16xf32>,
      %mul3A_1372 = arith.mulf %gather3A_1370, %gather3A_1371 : vector<16xf32>
      %add3A_1373 = arith.addf %add3A_1367, %mul3A_1372 : vector<16xf32>
      %broadcast_in_dim3A_1374 = arith.constant 14 : i32
      %broadcast_in_dim3A_1375 = vector.broadcast %broadcast_in_dim3A_1374 : i32 to vector<16xi32>
      %gather3A_1376 = tpu.vector_load_idx %arg9[%and3A_28, %broadcast_in_dim3A_1375, %and3A_1279] : memref<8x32x128xf32, #tpu.memory_space<vmem>>[vector<16xi32>, vector<16xi32>, vector<16xi32>], vector<16xf32>,
      %gather3A_1377 = tpu.vector_load_idx %arg10[%and3A_28, %broadcast_in_dim3A_1375, %and3A_1289] : memref<8x32x128xf32, #tpu.memory_space<vmem>>[vector<16xi32>, vector<16xi32>, vector<16xi32>], vector<16xf32>,
      %mul3A_1378 = arith.mulf %gather3A_1376, %gather3A_1377 : vector<16xf32>
      %add3A_1379 = arith.addf %add3A_1373, %mul3A_1378 : vector<16xf32>
      %broadcast_in_dim3A_1380 = arith.constant 15 : i32
      %broadcast_in_dim3A_1381 = vector.broadcast %broadcast_in_dim3A_1380 : i32 to vector<16xi32>
      %gather3A_1382 = tpu.vector_load_idx %arg9[%and3A_28, %broadcast_in_dim3A_1381, %and3A_1279] : memref<8x32x128xf32, #tpu.memory_space<vmem>>[vector<16xi32>, vector<16xi32>, vector<16xi32>], vector<16xf32>,
      %gather3A_1383 = tpu.vector_load_idx %arg10[%and3A_28, %broadcast_in_dim3A_1381, %and3A_1289] : memref<8x32x128xf32, #tpu.memory_space<vmem>>[vector<16xi32>, vector<16xi32>, vector<16xi32>], vector<16xf32>,
      %mul3A_1384 = arith.mulf %gather3A_1382, %gather3A_1383 : vector<16xf32>
      %add3A_1385 = arith.addf %add3A_1379, %mul3A_1384 : vector<16xf32>
      %broadcast_in_dim3A_1386 = arith.constant 16 : i32
      %broadcast_in_dim3A_1387 = vector.broadcast %broadcast_in_dim3A_1386 : i32 to vector<16xi32>
      %gather3A_1388 = tpu.vector_load_idx %arg9[%and3A_28, %broadcast_in_dim3A_1387, %and3A_1279] : memref<8x32x128xf32, #tpu.memory_space<vmem>>[vector<16xi32>, vector<16xi32>, vector<16xi32>], vector<16xf32>,
      %gather3A_1389 = tpu.vector_load_idx %arg10[%and3A_28, %broadcast_in_dim3A_1387, %and3A_1289] : memref<8x32x128xf32, #tpu.memory_space<vmem>>[vector<16xi32>, vector<16xi32>, vector<16xi32>], vector<16xf32>,
      %mul3A_1390 = arith.mulf %gather3A_1388, %gather3A_1389 : vector<16xf32>
      %add3A_1391 = arith.addf %add3A_1385, %mul3A_1390 : vector<16xf32>
      %broadcast_in_dim3A_1392 = arith.constant 17 : i32
      %broadcast_in_dim3A_1393 = vector.broadcast %broadcast_in_dim3A_1392 : i32 to vector<16xi32>
      %gather3A_1394 = tpu.vector_load_idx %arg9[%and3A_28, %broadcast_in_dim3A_1393, %and3A_1279] : memref<8x32x128xf32, #tpu.memory_space<vmem>>[vector<16xi32>, vector<16xi32>, vector<16xi32>], vector<16xf32>,
      %gather3A_1395 = tpu.vector_load_idx %arg10[%and3A_28, %broadcast_in_dim3A_1393, %and3A_1289] : memref<8x32x128xf32, #tpu.memory_space<vmem>>[vector<16xi32>, vector<16xi32>, vector<16xi32>], vector<16xf32>,
      %mul3A_1396 = arith.mulf %gather3A_1394, %gather3A_1395 : vector<16xf32>
      %add3A_1397 = arith.addf %add3A_1391, %mul3A_1396 : vector<16xf32>
      %broadcast_in_dim3A_1398 = arith.constant 18 : i32
      %broadcast_in_dim3A_1399 = vector.broadcast %broadcast_in_dim3A_1398 : i32 to vector<16xi32>
      %gather3A_1400 = tpu.vector_load_idx %arg9[%and3A_28, %broadcast_in_dim3A_1399, %and3A_1279] : memref<8x32x128xf32, #tpu.memory_space<vmem>>[vector<16xi32>, vector<16xi32>, vector<16xi32>], vector<16xf32>,
      %gather3A_1401 = tpu.vector_load_idx %arg10[%and3A_28, %broadcast_in_dim3A_1399, %and3A_1289] : memref<8x32x128xf32, #tpu.memory_space<vmem>>[vector<16xi32>, vector<16xi32>, vector<16xi32>], vector<16xf32>,
      %mul3A_1402 = arith.mulf %gather3A_1400, %gather3A_1401 : vector<16xf32>
      %add3A_1403 = arith.addf %add3A_1397, %mul3A_1402 : vector<16xf32>
      %broadcast_in_dim3A_1404 = arith.constant 19 : i32
      %broadcast_in_dim3A_1405 = vector.broadcast %broadcast_in_dim3A_1404 : i32 to vector<16xi32>
      %gather3A_1406 = tpu.vector_load_idx %arg9[%and3A_28, %broadcast_in_dim3A_1405, %and3A_1279] : memref<8x32x128xf32, #tpu.memory_space<vmem>>[vector<16xi32>, vector<16xi32>, vector<16xi32>], vector<16xf32>,
      %gather3A_1407 = tpu.vector_load_idx %arg10[%and3A_28, %broadcast_in_dim3A_1405, %and3A_1289] : memref<8x32x128xf32, #tpu.memory_space<vmem>>[vector<16xi32>, vector<16xi32>, vector<16xi32>], vector<16xf32>,
      %mul3A_1408 = arith.mulf %gather3A_1406, %gather3A_1407 : vector<16xf32>
      %add3A_1409 = arith.addf %add3A_1403, %mul3A_1408 : vector<16xf32>
      %broadcast_in_dim3A_1410 = arith.constant 20 : i32
      %broadcast_in_dim3A_1411 = vector.broadcast %broadcast_in_dim3A_1410 : i32 to vector<16xi32>
      %gather3A_1412 = tpu.vector_load_idx %arg9[%and3A_28, %broadcast_in_dim3A_1411, %and3A_1279] : memref<8x32x128xf32, #tpu.memory_space<vmem>>[vector<16xi32>, vector<16xi32>, vector<16xi32>], vector<16xf32>,
      %gather3A_1413 = tpu.vector_load_idx %arg10[%and3A_28, %broadcast_in_dim3A_1411, %and3A_1289] : memref<8x32x128xf32, #tpu.memory_space<vmem>>[vector<16xi32>, vector<16xi32>, vector<16xi32>], vector<16xf32>,
      %mul3A_1414 = arith.mulf %gather3A_1412, %gather3A_1413 : vector<16xf32>
      %add3A_1415 = arith.addf %add3A_1409, %mul3A_1414 : vector<16xf32>
      %broadcast_in_dim3A_1416 = arith.constant 21 : i32
      %broadcast_in_dim3A_1417 = vector.broadcast %broadcast_in_dim3A_1416 : i32 to vector<16xi32>
      %gather3A_1418 = tpu.vector_load_idx %arg9[%and3A_28, %broadcast_in_dim3A_1417, %and3A_1279] : memref<8x32x128xf32, #tpu.memory_space<vmem>>[vector<16xi32>, vector<16xi32>, vector<16xi32>], vector<16xf32>,
      %gather3A_1419 = tpu.vector_load_idx %arg10[%and3A_28, %broadcast_in_dim3A_1417, %and3A_1289] : memref<8x32x128xf32, #tpu.memory_space<vmem>>[vector<16xi32>, vector<16xi32>, vector<16xi32>], vector<16xf32>,
      %mul3A_1420 = arith.mulf %gather3A_1418, %gather3A_1419 : vector<16xf32>
      %add3A_1421 = arith.addf %add3A_1415, %mul3A_1420 : vector<16xf32>
      %broadcast_in_dim3A_1422 = arith.constant 22 : i32
      %broadcast_in_dim3A_1423 = vector.broadcast %broadcast_in_dim3A_1422 : i32 to vector<16xi32>
      %gather3A_1424 = tpu.vector_load_idx %arg9[%and3A_28, %broadcast_in_dim3A_1423, %and3A_1279] : memref<8x32x128xf32, #tpu.memory_space<vmem>>[vector<16xi32>, vector<16xi32>, vector<16xi32>], vector<16xf32>,
      %gather3A_1425 = tpu.vector_load_idx %arg10[%and3A_28, %broadcast_in_dim3A_1423, %and3A_1289] : memref<8x32x128xf32, #tpu.memory_space<vmem>>[vector<16xi32>, vector<16xi32>, vector<16xi32>], vector<16xf32>,
      %mul3A_1426 = arith.mulf %gather3A_1424, %gather3A_1425 : vector<16xf32>
      %add3A_1427 = arith.addf %add3A_1421, %mul3A_1426 : vector<16xf32>
      %broadcast_in_dim3A_1428 = arith.constant 23 : i32
      %broadcast_in_dim3A_1429 = vector.broadcast %broadcast_in_dim3A_1428 : i32 to vector<16xi32>
      %gather3A_1430 = tpu.vector_load_idx %arg9[%and3A_28, %broadcast_in_dim3A_1429, %and3A_1279] : memref<8x32x128xf32, #tpu.memory_space<vmem>>[vector<16xi32>, vector<16xi32>, vector<16xi32>], vector<16xf32>,
      %gather3A_1431 = tpu.vector_load_idx %arg10[%and3A_28, %broadcast_in_dim3A_1429, %and3A_1289] : memref<8x32x128xf32, #tpu.memory_space<vmem>>[vector<16xi32>, vector<16xi32>, vector<16xi32>], vector<16xf32>,
      %mul3A_1432 = arith.mulf %gather3A_1430, %gather3A_1431 : vector<16xf32>
      %add3A_1433 = arith.addf %add3A_1427, %mul3A_1432 : vector<16xf32>
      %broadcast_in_dim3A_1434 = arith.constant 24 : i32
      %broadcast_in_dim3A_1435 = vector.broadcast %broadcast_in_dim3A_1434 : i32 to vector<16xi32>
      %gather3A_1436 = tpu.vector_load_idx %arg9[%and3A_28, %broadcast_in_dim3A_1435, %and3A_1279] : memref<8x32x128xf32, #tpu.memory_space<vmem>>[vector<16xi32>, vector<16xi32>, vector<16xi32>], vector<16xf32>,
      %gather3A_1437 = tpu.vector_load_idx %arg10[%and3A_28, %broadcast_in_dim3A_1435, %and3A_1289] : memref<8x32x128xf32, #tpu.memory_space<vmem>>[vector<16xi32>, vector<16xi32>, vector<16xi32>], vector<16xf32>,
      %mul3A_1438 = arith.mulf %gather3A_1436, %gather3A_1437 : vector<16xf32>
      %add3A_1439 = arith.addf %add3A_1433, %mul3A_1438 : vector<16xf32>
      %broadcast_in_dim3A_1440 = arith.constant 25 : i32
      %broadcast_in_dim3A_1441 = vector.broadcast %broadcast_in_dim3A_1440 : i32 to vector<16xi32>
      %gather3A_1442 = tpu.vector_load_idx %arg9[%and3A_28, %broadcast_in_dim3A_1441, %and3A_1279] : memref<8x32x128xf32, #tpu.memory_space<vmem>>[vector<16xi32>, vector<16xi32>, vector<16xi32>], vector<16xf32>,
      %gather3A_1443 = tpu.vector_load_idx %arg10[%and3A_28, %broadcast_in_dim3A_1441, %and3A_1289] : memref<8x32x128xf32, #tpu.memory_space<vmem>>[vector<16xi32>, vector<16xi32>, vector<16xi32>], vector<16xf32>,
      %mul3A_1444 = arith.mulf %gather3A_1442, %gather3A_1443 : vector<16xf32>
      %add3A_1445 = arith.addf %add3A_1439, %mul3A_1444 : vector<16xf32>
      %broadcast_in_dim3A_1446 = arith.constant 26 : i32
      %broadcast_in_dim3A_1447 = vector.broadcast %broadcast_in_dim3A_1446 : i32 to vector<16xi32>
      %gather3A_1448 = tpu.vector_load_idx %arg9[%and3A_28, %broadcast_in_dim3A_1447, %and3A_1279] : memref<8x32x128xf32, #tpu.memory_space<vmem>>[vector<16xi32>, vector<16xi32>, vector<16xi32>], vector<16xf32>,
      %gather3A_1449 = tpu.vector_load_idx %arg10[%and3A_28, %broadcast_in_dim3A_1447, %and3A_1289] : memref<8x32x128xf32, #tpu.memory_space<vmem>>[vector<16xi32>, vector<16xi32>, vector<16xi32>], vector<16xf32>,
      %mul3A_1450 = arith.mulf %gather3A_1448, %gather3A_1449 : vector<16xf32>
      %add3A_1451 = arith.addf %add3A_1445, %mul3A_1450 : vector<16xf32>
      %broadcast_in_dim3A_1452 = arith.constant 27 : i32
      %broadcast_in_dim3A_1453 = vector.broadcast %broadcast_in_dim3A_1452 : i32 to vector<16xi32>
      %gather3A_1454 = tpu.vector_load_idx %arg9[%and3A_28, %broadcast_in_dim3A_1453, %and3A_1279] : memref<8x32x128xf32, #tpu.memory_space<vmem>>[vector<16xi32>, vector<16xi32>, vector<16xi32>], vector<16xf32>,
      %gather3A_1455 = tpu.vector_load_idx %arg10[%and3A_28, %broadcast_in_dim3A_1453, %and3A_1289] : memref<8x32x128xf32, #tpu.memory_space<vmem>>[vector<16xi32>, vector<16xi32>, vector<16xi32>], vector<16xf32>,
      %mul3A_1456 = arith.mulf %gather3A_1454, %gather3A_1455 : vector<16xf32>
      %add3A_1457 = arith.addf %add3A_1451, %mul3A_1456 : vector<16xf32>
      %broadcast_in_dim3A_1458 = arith.constant 28 : i32
      %broadcast_in_dim3A_1459 = vector.broadcast %broadcast_in_dim3A_1458 : i32 to vector<16xi32>
      %gather3A_1460 = tpu.vector_load_idx %arg9[%and3A_28, %broadcast_in_dim3A_1459, %and3A_1279] : memref<8x32x128xf32, #tpu.memory_space<vmem>>[vector<16xi32>, vector<16xi32>, vector<16xi32>], vector<16xf32>,
      %gather3A_1461 = tpu.vector_load_idx %arg10[%and3A_28, %broadcast_in_dim3A_1459, %and3A_1289] : memref<8x32x128xf32, #tpu.memory_space<vmem>>[vector<16xi32>, vector<16xi32>, vector<16xi32>], vector<16xf32>,
      %mul3A_1462 = arith.mulf %gather3A_1460, %gather3A_1461 : vector<16xf32>
      %add3A_1463 = arith.addf %add3A_1457, %mul3A_1462 : vector<16xf32>
      %broadcast_in_dim3A_1464 = arith.constant 29 : i32
      %broadcast_in_dim3A_1465 = vector.broadcast %broadcast_in_dim3A_1464 : i32 to vector<16xi32>
      %gather3A_1466 = tpu.vector_load_idx %arg9[%and3A_28, %broadcast_in_dim3A_1465, %and3A_1279] : memref<8x32x128xf32, #tpu.memory_space<vmem>>[vector<16xi32>, vector<16xi32>, vector<16xi32>], vector<16xf32>,
      %gather3A_1467 = tpu.vector_load_idx %arg10[%and3A_28, %broadcast_in_dim3A_1465, %and3A_1289] : memref<8x32x128xf32, #tpu.memory_space<vmem>>[vector<16xi32>, vector<16xi32>, vector<16xi32>], vector<16xf32>,
      %mul3A_1468 = arith.mulf %gather3A_1466, %gather3A_1467 : vector<16xf32>
      %add3A_1469 = arith.addf %add3A_1463, %mul3A_1468 : vector<16xf32>
      %broadcast_in_dim3A_1470 = arith.constant 30 : i32
      %broadcast_in_dim3A_1471 = vector.broadcast %broadcast_in_dim3A_1470 : i32 to vector<16xi32>
      %gather3A_1472 = tpu.vector_load_idx %arg9[%and3A_28, %broadcast_in_dim3A_1471, %and3A_1279] : memref<8x32x128xf32, #tpu.memory_space<vmem>>[vector<16xi32>, vector<16xi32>, vector<16xi32>], vector<16xf32>,
      %gather3A_1473 = tpu.vector_load_idx %arg10[%and3A_28, %broadcast_in_dim3A_1471, %and3A_1289] : memref<8x32x128xf32, #tpu.memory_space<vmem>>[vector<16xi32>, vector<16xi32>, vector<16xi32>], vector<16xf32>,
      %mul3A_1474 = arith.mulf %gather3A_1472, %gather3A_1473 : vector<16xf32>
      %add3A_1475 = arith.addf %add3A_1469, %mul3A_1474 : vector<16xf32>
      %broadcast_in_dim3A_1476 = arith.constant 31 : i32
      %broadcast_in_dim3A_1477 = vector.broadcast %broadcast_in_dim3A_1476 : i32 to vector<16xi32>
      %gather3A_1478 = tpu.vector_load_idx %arg9[%and3A_28, %broadcast_in_dim3A_1477, %and3A_1279] : memref<8x32x128xf32, #tpu.memory_space<vmem>>[vector<16xi32>, vector<16xi32>, vector<16xi32>], vector<16xf32>,
      %gather3A_1479 = tpu.vector_load_idx %arg10[%and3A_28, %broadcast_in_dim3A_1477, %and3A_1289] : memref<8x32x128xf32, #tpu.memory_space<vmem>>[vector<16xi32>, vector<16xi32>, vector<16xi32>], vector<16xf32>,
      %mul3A_1480 = arith.mulf %gather3A_1478, %gather3A_1479 : vector<16xf32>
      %add3A_1481 = arith.addf %add3A_1475, %mul3A_1480 : vector<16xf32>
      %swap3A = arith.constant 0 : index
      %swap3A_1482 = tpu.vector_load %arg12[%swap3A] {strides = array<i32>} : memref<16xf32, #tpu.memory_space<vmem>>, vector<16xf32>,
      tpu.vector_store %arg12[%swap3A], %add3A_1481 {strides = array<i32>} : memref<16xf32, #tpu.memory_space<vmem>>, vector<16xf32>,
      %gather3A_1483 = tpu.vector_load_idx %arg12[%and3A_28] : memref<16xf32, #tpu.memory_space<vmem>>[vector<16xi32>], vector<16xf32>,
      %select_n3A = arith.select %lt3A_4, %add3A_741, %gather3A_1483 : vector<16xi1>, vector<16xf32>
      %mul3A_1484 = arith.constant 16 : i32
      %mul3A_1485 = arith.muli %scan3A_12, %mul3A_1484 : i32
      %swap3A_1486 = arith.index_cast %mul3A_1485 : i32 to index
      %swap3A_1487 = tpu.vector_load %arg11[%swap3A_1486] {strides = array<i32>} : memref<512xf32, #tpu.memory_space<vmem>>, vector<16xf32>,
      tpu.vector_store %arg11[%swap3A_1486], %select_n3A {strides = array<i32>} : memref<512xf32, #tpu.memory_space<vmem>>, vector<16xf32>,
      %scan3A_1488 = arith.constant 0 : i32
      scf.yield %scan3A_1488 : i32
    }
    %scan3A_11 = arith.constant 32 : i32
    "tpu.region"() ({
      %run_scoped3A = tpu.sem_alloc : memref<!tpu.dma_semaphore, #tpu.memory_space<semaphore_mem>>
      %dma_start3A = tpu.memref_slice %arg6[%mul3A_2] : memref<16384xf32, #tpu.memory_space<hbm>> -> memref<512xf32, #tpu.memory_space<hbm>>
      %dma_start3A_12 = tpu.memref_slice %arg6[%mul3A_2] : memref<16384xf32, #tpu.memory_space<hbm>> -> memref<512xf32, #tpu.memory_space<hbm>>
      tpu.enqueue_dma source(%arg11 : memref<512xf32, #tpu.memory_space<vmem>>) target(%dma_start3A_12 : memref<512xf32, #tpu.memory_space<hbm>>) target_semaphore(%run_scoped3A : memref<!tpu.dma_semaphore, #tpu.memory_space<semaphore_mem>>)
      %dma_wait3A = tpu.memref_slice %arg6[%mul3A_2] : memref<16384xf32, #tpu.memory_space<hbm>> -> memref<512xf32, #tpu.memory_space<hbm>>
      %dma_wait3A_13 = tpu.memref_slice %arg6[%mul3A_2] : memref<16384xf32, #tpu.memory_space<hbm>> -> memref<512xf32, #tpu.memory_space<hbm>>
      tpu.wait_dma2 semaphore(%run_scoped3A : memref<!tpu.dma_semaphore, #tpu.memory_space<semaphore_mem>>) src(%arg11 : memref<512xf32, #tpu.memory_space<vmem>>) dst(%dma_wait3A_13 : memref<512xf32, #tpu.memory_space<hbm>>)
      tpu.yield
    }) : () -> ()
    return
  }
}

</mosaic_0001>

<sc_bundles>
// kernel: kernel.3.cloned.1.call-start
scs
__scs_entry_jumppad:
0x0: {  	(pc) =	sbr.rel $0x88, $3  }
0x1: {  	(tag) =	ssettag $0x0;
	lr =	simm.s32 $0x1  }
0x2: {  	[smem:$0x3F9D] =	sst lr;
	_ =	strace $0xD0000000  }
0x3: {  	_ = 	snop  }
0x4: {  	_ = 	snop  }
0x5: {  	_ = 	snop  }
0x6: {  	_ = 	snop  }
0x7: {  	_ = 	snop  }
__scs_overlays_trampoline_lowered:
0x8: {  	[smem:$0x3FAC] =	sst s0  }
0x9: {  	[smem:$0x3FAD] =	sst s1  }
0xa: {  	[smem:$0x3FAE] =	sst s2  }
0xb: {  	[smem:$0x3FAF] =	sst s3  }
0xc: {  	[smem:$0x3FB0] =	sst s4  }
0xd: {  	[smem:$0x3FB1] =	sst s5  }
0xe: {  	[smem:$0x3FB2] =	sst s6  }
0xf: {  	[smem:$0x3FB3] =	sst s7  }
0x10: {  	[smem:$0x3FB4] =	sst s8  }
0x11: {  	[smem:$0x3FB5] =	sst s9;
	s0 =	simm.s32 @!p0 $0x0  }
0x12: {  	s1 =	sld [smem:$0x3F9B];
	s0 =	simm.s32 @p0 $0x1  }
0x13: {  	[smem:$0x3FB6] =	sst s0;
	s0 =	simm.s32 @!p1 $0x0  }
0x14: {  	s2 =	sld [smem:$0x3F9A];
	s0 =	simm.s32 @p1 $0x1  }
0x15: {  	[smem:$0x3FB7] =	sst s0;
	s0 =	simm.s32 @!p2 $0x0  }
0x16: {  	s3 =	sld [smem:$0x3FDB];
	s0 =	simm.s32 @p2 $0x1  }
0x17: {  	s4 =	simm.s32 $0x1BF5;
	[smem:$0x3FB9] =	sst s0  }
0x18: {  	s0 =	sld [smem:$0x3F9C];
	_ =	swait.ge [sflag:s4], $0x0  }
0x19: {  	s7 =	sld [smem:$0x3F9D]  }
0x1a: {  	s8 =	sadd.s32 $0xFFFFE003, lr  }
0x1b: {  	s9 =	sadd.s32 $0xFFFFFEF7, lr;
	s5 =	simm.s32 $0xFFFFFFFF;
	p2 =	slt.u32 s8, $0xFFFFF086  }
0x1c: {  	p1 =	slt.u32 s9, $0xF7A;
	s5 =	simm.s32 @!p2 $0x0  }
0x1d: {  	s5 =	simm.s32 @p1 $0x1;
	p0 =	seq.s32 s7, s2  }
0x1e: {  	s7 =	smul.u32 @!p0 $0xF7A, s2;
	p2 =	seq.s32 @!p0 s5, $0x0  }
0x1f: {  	s9 =	smul.u32 $0xF7A, s1;
	s8 =	simm.s32 @!p0 $0x1BF5;
	p2 =	por !p2, p0  }
0x20: {  	[sflag:s8] =	ssyncset.s32 @!p0 $0xFFFFF086;
	s6 =	sadd.s32 @!p0 s3, s7;
	s7 =	simm.s32 @!p0 $0x108  }
0x21: {  	s3 =	sadd.s32 s3, s9;
	s6 =	sadd.s32 @!p0 $0x88, s6;
	s7 =	simm.s32 @p2 $0x1082  }
0x22: {  	[simem:s7], [sflag:s8] =	dma.local @!p0 [hbm:s6], $0xF7A  }
0x23: {  	s9 =	sor.u32 $0xD0000000, s2;
	s6 =	simm.s32 $0x108;
	_ =	swait.ge @!p0 [sflag:s8], $0x0  }
0x24: {  	s3 =	sadd.s32 $0x88, s3;
	s6 =	simm.s32 @!p1 $0x1082;
	[sflag:s4] =	ssyncset.s32 $0xFFFFF086  }
0x25: {  	[simem:s6], [sflag:s4] =	dma.local [hbm:s3], $0xF7A  }
0x26: {  	[smem:$0x3F9D] =	sst s1;
	(tag) =	ssettag s2;
	_ =	strace s9  }
0x27: {  	s1 =	sld [smem:$0x3FAD]  }
0x28: {  	s2 =	sld [smem:$0x3FAE]  }
0x29: {  	s4 =	sld [smem:$0x3FB0]  }
0x2a: {  	p0 =	seq.s32 s5, $0x0;
	s5 =	sld [smem:$0x3FB1]  }
0x2b: {  	s6 =	sld [smem:$0x3FB2]  }
0x2c: {  	s7 =	sld [smem:$0x3FB3]  }
0x2d: {  	s3 =	simm.s32 $0x108;
	s8 =	sld [smem:$0x3FB4]  }
0x2e: {  	s3 =	simm.s32 @!p0 $0x1082;
	s9 =	sld [smem:$0x3FB5]  }
0x2f: {  	lr =	sadd.s32 s0, s3;
	s0 =	sld [smem:$0x3FAC]  }
0x30: {  	s3 =	sld [smem:$0x3FAF]  }
0x31: {  	[smem:$0x3FB8] =	sst s10  }
0x32: {  	s10 =	sld [smem:$0x3FB6];
	_ =	sdelay $0x3  }
0x33: {  	p0 =	seq.s32 s10, $0x1;
	s10 =	sld [smem:$0x3FB8];
	_ =	sdelay $0x3  }
0x34: {  	[smem:$0x3FB8] =	sst s10  }
0x35: {  	s10 =	sld [smem:$0x3FB7];
	_ =	sdelay $0x3  }
0x36: {  	p1 =	seq.s32 s10, $0x1;
	s10 =	sld [smem:$0x3FB8];
	_ =	sdelay $0x3  }
0x37: {  	[smem:$0x3FB8] =	sst s10  }
0x38: {  	s10 =	sld [smem:$0x3FB9]  }
0x39: {  	_ = 	snop;
	(pc) =	sbr.ind lr, $3  }
0x3a: {  	_ = 	snop  }
0x3b: {  	_ = 	snop  }
0x3c: {  	p2 =	seq.s32 s10, $0x1;
	s10 =	sld [smem:$0x3FB8]  }
0x3d: {  	_ =	shalt  }
0x3e: {  	_ =	shalt  }
0x3f: {  	_ =	shalt  }
0x40: {  	_ =	shalt  }
0x41: {  	_ =	shalt  }
0x42: {  	_ =	shalt  }
0x43: {  	_ =	shalt  }
0x44: {  	_ =	shalt  }
0x45: {  	_ =	shalt  }
0x46: {  	_ =	shalt  }
0x47: {  	_ =	shalt  }
0x48: {  	_ =	shalt  }
0x49: {  	_ =	shalt  }
0x4a: {  	_ =	shalt  }
0x4b: {  	_ =	shalt  }
0x4c: {  	_ =	shalt  }
0x4d: {  	_ =	shalt  }
0x4e: {  	_ =	shalt  }
0x4f: {  	_ =	shalt  }
0x50: {  	_ =	shalt  }
0x51: {  	_ =	shalt  }
0x52: {  	_ =	shalt  }
0x53: {  	_ =	shalt  }
0x54: {  	_ =	shalt  }
0x55: {  	_ =	shalt  }
0x56: {  	_ =	shalt  }
0x57: {  	_ =	shalt  }
0x58: {  	_ =	shalt  }
0x59: {  	_ =	shalt  }
0x5a: {  	_ =	shalt  }
0x5b: {  	_ =	shalt  }
0x5c: {  	_ =	shalt  }
0x5d: {  	_ =	shalt  }
0x5e: {  	_ =	shalt  }
0x5f: {  	_ =	shalt  }
0x60: {  	_ =	shalt  }
0x61: {  	_ =	shalt  }
0x62: {  	_ =	shalt  }
0x63: {  	_ =	shalt  }
0x64: {  	_ =	shalt  }
0x65: {  	_ =	shalt  }
0x66: {  	_ =	shalt  }
0x67: {  	_ =	shalt  }
0x68: {  	_ =	shalt  }
0x69: {  	_ =	shalt  }
0x6a: {  	_ =	shalt  }
0x6b: {  	_ =	shalt  }
0x6c: {  	_ =	shalt  }
0x6d: {  	_ =	shalt  }
0x6e: {  	_ =	shalt  }
0x6f: {  	_ =	shalt  }
0x70: {  	_ =	shalt  }
0x71: {  	_ =	shalt  }
0x72: {  	_ =	shalt  }
0x73: {  	_ =	shalt  }
0x74: {  	_ =	shalt  }
0x75: {  	_ =	shalt  }
0x76: {  	_ =	shalt  }
0x77: {  	_ =	shalt  }
0x78: {  	_ =	shalt  }
0x79: {  	_ =	shalt  }
0x7a: {  	_ =	shalt  }
0x7b: {  	_ =	shalt  }
0x7c: {  	_ =	shalt  }
0x7d: {  	_ =	shalt  }
0x7e: {  	_ =	shalt  }
0x7f: {  	_ =	shalt  }
0x80: {  	_ =	shalt  }
0x81: {  	_ =	shalt  }
0x82: {  	_ =	shalt  }
0x83: {  	_ =	shalt  }
0x84: {  	_ =	shalt  }
0x85: {  	_ =	shalt  }
0x86: {  	_ =	shalt  }
0x87: {  	_ =	shalt  }
.Lfunc_end0:
.L_simem_size_0:
called_computation_lowered:
.L_overlay_start_0:
0x88: {  	s2 =	sld [smem:$0x3FD9]  }
0x89: {  	s3 =	sld [smem:$0x3FFE];
	_ =	sdelay $0x1  }
0x8a: {  	s1 =	srdreg.scid  }
0x8b: {  	s0 =	sand.u32 $0x1, s1  }
0x8c: {  	s18 =	sshll.u32 s0, $0xA;
	s2 =	sadd.s32 s3, s2  }
0x8d: {  	s2 =	sadd.s32 s2, s18  }
0x8e: {  	[smem:$0x3FC4] =	sst s2  }
0x8f: {  	_ = 	snop  }
0x90: {  	s2 =	sld [smem:$0x3FC9]  }
0x91: {  	s19 =	sld [smem:$0x3FC8]  }
0x92: {  	s4 =	sld [smem:$0x3FC7]  }
0x93: {  	s5 =	sld [smem:$0x3FC6]  }
0x94: {  	s6 =	sld [smem:$0x3FD0];
	(tm) =	ssettm $0x1  }
0x95: {  	s7 =	sld [smem:$0x3FFB];
	_ =	sdelay $0x3  }
0x96: {  	_ =	strace s7  }
0x97: {  	s7 =	sld [smem:$0x3FFC];
	_ =	sdelay $0x3  }
0x98: {  	_ =	strace s7  }
0x99: {  	s7 =	sld [smem:$0x3FFD];
	_ =	sdelay $0x3  }
0x9a: {  	_ =	strace s7  }
0x9b: {  	_ =	strace $0x8FFFFFFF  }
0x9c: {  	s20 =	sld [smem:$0x3FDB];
	_ =	sdelay $0x1  }
0x9d: {  	s8 =	simm.s32 $_scs_section_size  }
0x9e: {  	s9 =	simm.s32 $_size__tile_overlayer_lowered;
	s10 =	simm.s32 $_tile_overlayer_lowered  }
0x9f: {  	s23 =	simm.s32 $0x1BFF;
	s22 =	sshll.u32 s10, $0x1;
	s7 =	sadd.s32 s8, s20  }
0xa0: {  	s11 =	simm.s32 $0x0;
	s21 =	sshll.u32 s9, $0x1;
	s9 =	sadd.s32 s22, s7  }
0xa1: {  	[timem:s11], [sflag:s23] =	dma.local [hbm:s9], s21  }
0xa2: {  	_ =	swait.ge [sflag:s23], s21  }
0xa3: {  	s8 =	ssub.s32 $0x0, s21;
	[sflag:s23] =	ssyncset.done $0x0  }
0xa4: {  	[sflag:s23] =	ssyncadd.s32 s8;
	_ =	sdelay $0x1  }
0xa5: {  	s24 =	simm.s32 $0x1B8B  }
0xa6: {  	_ =	swait.ge [sflag:s24], $0x1  }
0xa7: {  	[sflag:s24] =	ssyncset.done $0x0  }
0xa8: {  	s25 =	simm.s32 $0x1B8E;
	[sflag:s24] =	ssyncadd.s32 $0xFFFFFFFF  }
0xa9: {  	s26 =	simm.s32 $execute0_lowered;
	[smem:$0x3FD2] =	sst s25  }
0xaa: {  	s8 =	sshll.u32 s26, $0x1;
	_ =	strace $0x80000046;
	[dreg:$0x1] =	wrdreg $0xFFFFFFFF  }
0xab: {  	s28 =	simm.s32 $_size_execute0_lowered;
	s7 =	sadd.s32 s7, s8;
	[dreg:$0x0] =	wrdreg $0x0  }
0xac: {  	s8 =	sshll.u32 s28, $0x1;
	[dreg:$0x2] =	wrdreg s7  }
0xad: {  	[dreg:$0x3] =	wrdreg s8  }
0xae: {  	[dreg:$0x4] =	wrdreg $0xC0  }
0xaf: {  	_ =	task [dreg:s11], $0x5FFFF  }
0xb0: {  	[dreg:$0x1] =	wrdreg $0xFFFFFFFF  }
0xb1: {  	[dreg:$0x0] =	wrdreg $0x60  }
0xb2: {  	[dreg:$0x2] =	wrdreg s2  }
0xb3: {  	[dreg:$0x3] =	wrdreg s19  }
0xb4: {  	[dreg:$0x4] =	wrdreg s4  }
0xb5: {  	[dreg:$0x5] =	wrdreg s5  }
0xb6: {  	[dreg:$0x6] =	wrdreg s6  }
0xb7: {  	[dreg:$0x7] =	wrdreg $0x9  }
0xb8: {  	_ =	task.clear_ibuf [dreg:s11], $0x8FFFF;
	_ =	strace $0x90000046  }
0xb9: {  	s29 =	simm.s32 $0x9;
	_ =	strace $0x80000048  }
0xba: {  	_ =	swait.ge [sflag:s29], $0x1  }
0xbb: {  	[sflag:s29] =	ssyncadd.s32 $0xFFFFFFFF  }
0xbc: {  	_ =	strace $0x90000048  }
0xbd: {  	_ =	sfence  }
0xbe: {  	s30 =	sld [smem:$0x0];
	_ =	sdelay $0x2  }
0xbf: {  	s31 =	sshll.u32 s1, $0xD;
	s1 =	sshrl.u32 s1, $0x2  }
0xc0: {  	s3 =	sand.u32 $0x4000, s31;
	s1 =	sadd.s32 s1, s30  }
0xc1: {  	s0 =	sor.u32 s3, s0;
	s1 =	sshll.u32 s1, $0x11  }
0xc2: {  	s0 =	sor.u32 s1, s0  }
0xc3: {  	s0 =	sadd.s32 $0x8F2B, s0  }
0xc4: {  	[sflag:s0] =	ssyncadd.remote.s32 $0x1  }
0xc5: {  	_ =	sfence.sel $0xFFFF  }
0xc6: {  	[dreg:$0x0] =	wrdreg $0xFFFFFFFF;
	(pc) =	sbr.abs _section_cstart, $3  }
0xc7: {  	[dreg:$0x1] =	wrdreg $0xFFFFFFFF  }
0xc8: {  	_ =	task.clear_ibuf [dreg:s11], $0x2FFFF;
	_ =	strace $0x9FFFFFFF  }
0xc9: {  	(tm) =	ssettm $0x7FFFFFFF  }
tec
execute0_lowered:
.L_overlay_start_1:
0x0: {  	(tag) =	ssettag $0x1  }
0x1: {  	s0 =	rddreg [dreg:$0x0]  }
0x2: {  	s3 =	rddreg [dreg:$0x1]  }
0x3: {  	s1 =	rddreg [dreg:$0x2]  }
0x4: {  	s2 =	rddreg [dreg:$0x3]  }
0x5: {  	s5 =	rddreg [dreg:$0x4];
	v0 =	vlaneseq.u32;
	s4 =	simm.s32 $0x0  }
0x6: {  	s6 =	srdreg.scid;
	s8 =	stileid.u32;
	s10 =	simm.s32 $0x3;
	v13 =	vand.u32 $0x7, v0  }
0x7: {  	s11 =	simm.s32 $0x400;
	s12 =	simm.s32 $0x8400;
	s13 =	simm.s32 $0x1400;
	v14 =	vmul.u32 $0x1000, v13  }
0x8: {  	s14 =	simm.s32 $0x9400;
	s15 =	simm.s32 $0x2400;
	s16 =	simm.s32 $0xA400  }
0x9: {  	s17 =	simm.s32 $0x3400;
	s18 =	simm.s32 $0xB400;
	s19 =	simm.s32 $0x4400;
	vm0 =	vmmov $0xff;
	v15 =	vor.u32 $0x80, v14  }
0xa: {  	s20 =	simm.s32 $0xC400;
	s21 =	simm.s32 $0x5400;
	s22 =	simm.s32 $0xD400;
	v16 =	vor.u32 $0x100, v14;
	v17 =	vor.u32 $0x180, v14;
	v19 =	vor.u32 $0x200, v14  }
0xb: {  	s23 =	simm.s32 $0x6400;
	s31 =	simm.s32 $0x10600;
	s28 =	simm.s32 $0x1;
	v20 =	vor.u32 $0x280, v14;
	v23 =	vor.u32 $0x300, v14;
	v24 =	vor.u32 $0x380, v14  }
0xc: {  	s29 =	simm.s32 $0x2;
	[smem:$0x7FF] =	sst s4;
	s6 =	sand.u32 $0x1, s6;
	v62 =	vor.u32 $0x400, v14;
	v25 =	vor.u32 $0x480, v14;
	v36 =	vor.u32 $0x500, v14  }
0xd: {  	s8 =	sshll.u32 s8, $0x7;
	s7 =	ssub.s32 $0x2, s6;
	s6 =	sshll.u32 s6, $0x6;
	v26 =	vor.u32 $0x580, v14;
	v27 =	vor.u32 $0x600, v14;
	v37 =	vor.u32 $0x680, v14  }
0xe: {  	s30 =	simm.s32 $0x200;
	_ =	strace $0x80000047;
	s6 =	sor.u32 s6, s8;
	v28 =	vor.u32 $0x700, v14;
	v29 =	vor.u32 $0x780, v14;
	v38 =	vor.u32 $0x800, v14  }
0xf: {  	[dreg:$0x6] =	wrdreg s31;
	s9 =	sshrl.u32 s7, $0x1;
	s0 =	sadd.s32 s0, s6;
	v31 =	vor.u32 $0x880, v14;
	v39 =	vor.u32 $0x900, v14;
	v32 =	vor.u32 $0x980, v14  }
0x10: {  	s24 =	ssub.s32 s7, s9;
	s25 =	sadd.s32 s3, s6;
	v40 =	vor.u32 $0xA00, v14;
	v18 =	vor.u32 $0xA80, v14;
	v21 =	vor.u32 $0xB00, v14;
	[dreg:$0x7] =	wrdreg s0  }
0x11: {  	s26 =	sadd.s32 s5, s6;
	s9 =	simm.s32 $0x7A1400;
	v22 =	vor.u32 $0xB80, v14;
	v30 =	vor.u32 $0xC00, v14;
	v41 =	vor.u32 $0xC80, v14;
	[dreg:$0x8] =	wrdreg s25  }
0x12: {  	v42 =	vor.u32 $0xD00, v14;
	v43 =	vor.u32 $0xD80, v14;
	v44 =	vor.u32 $0xE00, v14;
	[dreg:$0x9] =	wrdreg s26;
	s8 =	smax.u32 s24, $0x1;
	s24 =	simm.s32 $0xE400  }
0x13: {  	v45 =	vor.u32 $0xE80, v14;
	v46 =	vor.u32 $0xF00, v14;
	v48 =	vor.u32 $0xF80, v14;
	s25 =	simm.s32 $0x7400;
	s26 =	simm.s32 $0xF400;
	s0 =	simm.s32 $0x0  }
.LBB2_1:
0x14: {  	s3 =	rddreg [dreg:$0x7]  }
0x15: {  	[tilespmem:s4], [sflag:$0x3] =	stream.linear.gather [hbm4b:s3+s4], $0x200, $0x38;
	[tilespmem:$0x10680] =	vst v63  }
0x16: {  	_ =	swait.ge [sflag:s10], $0x200  }
0x17: {  	[sflag:s10] =	ssyncset.done $0x0  }
0x18: {  	s7 =	rddreg [dreg:$0x8];
	[sflag:s10] =	ssyncadd.s32 $0xFFFFFE00  }
0x19: {  	[tilespmem:s30], [sflag:$0x3] =	stream.linear.gather [hbm4b:s7+s4], $0x200, $0x38;
	[tilespmem:$0x10680] =	vst v63  }
0x1a: {  	_ =	swait.ge [sflag:s10], $0x200  }
0x1b: {  	s31 =	simm.s32 $0x10400;
	s5 =	simm.s32 $0x200;
	[sflag:s10] =	ssyncset.done $0x0  }
0x1c: {  	s6 =	simm.s32 $0x0;
	s3 =	simm.s32 $0x8;
	[sflag:s10] =	ssyncadd.s32 $0xFFFFFE00  }
.LBB2_2:
0x1d: {  	v50 =	vld [tilespmem:s6+$0x0];
	_ =	sdelay $0x3  }
0x1e: {  	v47 =	vld [tilespmem:s5+$0x0]  }
0x1f: {  	(v2sf) =	vpush v50, $0x0;
	_ =	sdelay $0x3  }
0x20: {  	(v2sf) =	vpush v47, $0x0;
	_ =	sdelay $0x3  }
0x21: {  	(v2sf) =	vpush v50, $0x1;
	_ =	sdelay $0x3  }
0x22: {  	(v2sf) =	vpush v47, $0x1;
	_ =	sdelay $0x2  }
0x23: {  	s7 =	spop (v2sf)  }
0x24: {  	(v2sf) =	vpush v50, $0x2;
	s7 =	sand.u32 $0xFFFFF80, s7  }
0x25: {  	s7 =	sadd.s32 s1, s7  }
0x26: {  	[tilespmem:s11], [sflag:$0x1] =	stream.strided.gather [hbm4b:s7+s11], $0x1000, s9, s11, $0x38;
	[tilespmem:$0x10680] =	vst v63  }
0x27: {  	s7 =	spop (v2sf)  }
0x28: {  	(v2sf) =	vpush v47, $0x2;
	s7 =	sand.u32 $0xFFFFF80, s7  }
0x29: {  	s7 =	sadd.s32 s2, s7  }
0x2a: {  	[tilespmem:s12], [sflag:$0x2] =	stream.strided.gather [hbm4b:s7+s11], $0x1000, s9, s11, $0x38;
	[tilespmem:$0x10680] =	vst v63  }
0x2b: {  	s7 =	spop (v2sf)  }
0x2c: {  	(v2sf) =	vpush v50, $0x3;
	s7 =	sand.u32 $0xFFFFF80, s7  }
0x2d: {  	s7 =	sadd.s32 s1, s7  }
0x2e: {  	[tilespmem:s13], [sflag:$0x1] =	stream.strided.gather [hbm4b:s7+s11], $0x1000, s9, s11, $0x38;
	[tilespmem:$0x10680] =	vst v63  }
0x2f: {  	s7 =	spop (v2sf)  }
0x30: {  	(v2sf) =	vpush v47, $0x3;
	s7 =	sand.u32 $0xFFFFF80, s7  }
0x31: {  	s7 =	sadd.s32 s2, s7  }
0x32: {  	[tilespmem:s14], [sflag:$0x2] =	stream.strided.gather [hbm4b:s7+s11], $0x1000, s9, s11, $0x38;
	[tilespmem:$0x10680] =	vst v63  }
0x33: {  	s7 =	spop (v2sf)  }
0x34: {  	(v2sf) =	vpush v50, $0x4;
	s7 =	sand.u32 $0xFFFFF80, s7  }
0x35: {  	s7 =	sadd.s32 s1, s7  }
0x36: {  	[tilespmem:s15], [sflag:$0x1] =	stream.strided.gather [hbm4b:s7+s11], $0x1000, s9, s11, $0x38;
	[tilespmem:$0x10680] =	vst v63  }
0x37: {  	s7 =	spop (v2sf)  }
0x38: {  	(v2sf) =	vpush v47, $0x4;
	s7 =	sand.u32 $0xFFFFF80, s7  }
0x39: {  	s7 =	sadd.s32 s2, s7  }
0x3a: {  	[tilespmem:s16], [sflag:$0x2] =	stream.strided.gather [hbm4b:s7+s11], $0x1000, s9, s11, $0x38;
	[tilespmem:$0x10680] =	vst v63  }
0x3b: {  	s7 =	spop (v2sf)  }
0x3c: {  	(v2sf) =	vpush v50, $0x5;
	s7 =	sand.u32 $0xFFFFF80, s7  }
0x3d: {  	s7 =	sadd.s32 s1, s7  }
0x3e: {  	[tilespmem:s17], [sflag:$0x1] =	stream.strided.gather [hbm4b:s7+s11], $0x1000, s9, s11, $0x38;
	[tilespmem:$0x10680] =	vst v63  }
0x3f: {  	s7 =	spop (v2sf)  }
0x40: {  	(v2sf) =	vpush v47, $0x5;
	s7 =	sand.u32 $0xFFFFF80, s7  }
0x41: {  	s7 =	sadd.s32 s2, s7  }
0x42: {  	[tilespmem:s18], [sflag:$0x2] =	stream.strided.gather [hbm4b:s7+s11], $0x1000, s9, s11, $0x38;
	[tilespmem:$0x10680] =	vst v63  }
0x43: {  	s7 =	spop (v2sf)  }
0x44: {  	(v2sf) =	vpush v50, $0x6;
	s7 =	sand.u32 $0xFFFFF80, s7  }
0x45: {  	s7 =	sadd.s32 s1, s7  }
0x46: {  	[tilespmem:s19], [sflag:$0x1] =	stream.strided.gather [hbm4b:s7+s11], $0x1000, s9, s11, $0x38;
	[tilespmem:$0x10680] =	vst v63  }
0x47: {  	s7 =	spop (v2sf)  }
0x48: {  	(v2sf) =	vpush v47, $0x6;
	s7 =	sand.u32 $0xFFFFF80, s7  }
0x49: {  	s7 =	sadd.s32 s2, s7  }
0x4a: {  	[tilespmem:s20], [sflag:$0x2] =	stream.strided.gather [hbm4b:s7+s11], $0x1000, s9, s11, $0x38;
	[tilespmem:$0x10680] =	vst v63  }
0x4b: {  	s7 =	spop (v2sf)  }
0x4c: {  	(v2sf) =	vpush v50, $0x7;
	s7 =	sand.u32 $0xFFFFF80, s7  }
0x4d: {  	s7 =	sadd.s32 s1, s7  }
0x4e: {  	[tilespmem:s21], [sflag:$0x1] =	stream.strided.gather [hbm4b:s7+s11], $0x1000, s9, s11, $0x38;
	[tilespmem:$0x10680] =	vst v63  }
0x4f: {  	s7 =	spop (v2sf)  }
0x50: {  	(v2sf) =	vpush v47, $0x7;
	s7 =	sand.u32 $0xFFFFF80, s7  }
0x51: {  	s7 =	sadd.s32 s2, s7  }
0x52: {  	[tilespmem:s22], [sflag:$0x2] =	stream.strided.gather [hbm4b:s7+s11], $0x1000, s9, s11, $0x38;
	[tilespmem:$0x10680] =	vst v63  }
0x53: {  	s7 =	spop (v2sf)  }
0x54: {  	s7 =	sand.u32 $0xFFFFF80, s7  }
0x55: {  	s7 =	sadd.s32 s1, s7  }
0x56: {  	[tilespmem:s23], [sflag:$0x1] =	stream.strided.gather [hbm4b:s7+s11], $0x1000, s9, s11, $0x38;
	[tilespmem:$0x10680] =	vst v63  }
0x57: {  	s7 =	spop (v2sf)  }
0x58: {  	s7 =	sand.u32 $0xFFFFF80, s7  }
0x59: {  	s7 =	sadd.s32 s2, s7  }
0x5a: {  	[tilespmem:s24], [sflag:$0x2] =	stream.strided.gather [hbm4b:s7+s11], $0x1000, s9, s11, $0x38;
	[tilespmem:$0x10680] =	vst v63  }
0x5b: {  	s7 =	spop (v2sf)  }
0x5c: {  	s7 =	sand.u32 $0xFFFFF80, s7  }
0x5d: {  	s7 =	sadd.s32 s1, s7  }
0x5e: {  	[tilespmem:s25], [sflag:$0x1] =	stream.strided.gather [hbm4b:s7+s11], $0x1000, s9, s11, $0x38;
	[tilespmem:$0x10680] =	vst v63  }
0x5f: {  	s7 =	spop (v2sf)  }
0x60: {  	s7 =	sand.u32 $0xFFFFF80, s7  }
0x61: {  	s7 =	sadd.s32 s2, s7  }
0x62: {  	[tilespmem:s26], [sflag:$0x2] =	stream.strided.gather [hbm4b:s7+s11], $0x1000, s9, s11, $0x38;
	[tilespmem:$0x10680] =	vst v63  }
0x63: {  	_ =	swait.ge [sflag:s28], $0x1000  }
0x64: {  	[sflag:s28] =	ssyncset.done $0x0  }
0x65: {  	[sflag:s28] =	ssyncadd.s32 $0xFFFFF000  }
0x66: {  	_ =	swait.ge [sflag:s29], $0x1000  }
0x67: {  	[sflag:s29] =	ssyncset.done $0x0  }
0x68: {  	[sflag:s29] =	ssyncadd.s32 $0xFFFFF000  }
0x69: {  	_ =	swait.ge [sflag:s28], $0x1000  }
0x6a: {  	[sflag:s28] =	ssyncset.done $0x0  }
0x6b: {  	[sflag:s28] =	ssyncadd.s32 $0xFFFFF000  }
0x6c: {  	_ =	swait.ge [sflag:s29], $0x1000  }
0x6d: {  	[sflag:s29] =	ssyncset.done $0x0  }
0x6e: {  	[sflag:s29] =	ssyncadd.s32 $0xFFFFF000  }
0x6f: {  	_ =	swait.ge [sflag:s28], $0x1000  }
0x70: {  	[sflag:s28] =	ssyncset.done $0x0  }
0x71: {  	[sflag:s28] =	ssyncadd.s32 $0xFFFFF000  }
0x72: {  	_ =	swait.ge [sflag:s29], $0x1000  }
0x73: {  	[sflag:s29] =	ssyncset.done $0x0  }
0x74: {  	[sflag:s29] =	ssyncadd.s32 $0xFFFFF000  }
0x75: {  	_ =	swait.ge [sflag:s28], $0x1000  }
0x76: {  	[sflag:s28] =	ssyncset.done $0x0  }
0x77: {  	[sflag:s28] =	ssyncadd.s32 $0xFFFFF000  }
0x78: {  	_ =	swait.ge [sflag:s29], $0x1000  }
0x79: {  	[sflag:s29] =	ssyncset.done $0x0  }
0x7a: {  	[sflag:s29] =	ssyncadd.s32 $0xFFFFF000  }
0x7b: {  	_ =	swait.ge [sflag:s28], $0x1000  }
0x7c: {  	[sflag:s28] =	ssyncset.done $0x0  }
0x7d: {  	[sflag:s28] =	ssyncadd.s32 $0xFFFFF000  }
0x7e: {  	_ =	swait.ge [sflag:s29], $0x1000  }
0x7f: {  	[sflag:s29] =	ssyncset.done $0x0  }
0x80: {  	[sflag:s29] =	ssyncadd.s32 $0xFFFFF000  }
0x81: {  	_ =	swait.ge [sflag:s28], $0x1000  }
0x82: {  	[sflag:s28] =	ssyncset.done $0x0  }
0x83: {  	[sflag:s28] =	ssyncadd.s32 $0xFFFFF000  }
0x84: {  	_ =	swait.ge [sflag:s29], $0x1000  }
0x85: {  	[sflag:s29] =	ssyncset.done $0x0  }
0x86: {  	[sflag:s29] =	ssyncadd.s32 $0xFFFFF000  }
0x87: {  	_ =	swait.ge [sflag:s28], $0x1000  }
0x88: {  	[sflag:s28] =	ssyncset.done $0x0  }
0x89: {  	[sflag:s28] =	ssyncadd.s32 $0xFFFFF000  }
0x8a: {  	_ =	swait.ge [sflag:s29], $0x1000  }
0x8b: {  	[sflag:s29] =	ssyncset.done $0x0  }
0x8c: {  	[sflag:s29] =	ssyncadd.s32 $0xFFFFF000  }
0x8d: {  	v7 =	vand.u32 $0x7F, v50;
	_ =	swait.ge [sflag:s28], $0x1000  }
0x8e: {  	v61 =	vand.u32 $0x7F, v47;
	v8 =	vor.u32 v17, v7;
	[sflag:s28] =	ssyncset.done $0x0  }
0x8f: {  	v9 =	vor.u32 v17, v61;
	[sflag:s28] =	ssyncadd.s32 $0xFFFFF000  }
0x90: {  	v34 =	vor.u32 v19, v7;
	_ =	swait.ge [sflag:s29], $0x1000  }
0x91: {  	v63 =	vor.u32 v20, v61;
	[sflag:s29] =	ssyncset.done $0x0  }
0x92: {  	v10 =	vor.u32 v19, v61;
	[sflag:s29] =	ssyncadd.s32 $0xFFFFF000  }
0x93: {  	v11 =	vor.u32 v20, v7;
	v58 =	vld.idx.msk [tilespmem:v8+s11+$0x0], $0xffff  }
0x94: {  	v51 =	vld.idx.msk [tilespmem:v9+s12+$0x0], $0xffff;
	v8 =	vor.u32 v23, v61  }
0x95: {  	v56 =	vld.idx.msk [tilespmem:v34+s11+$0x0], $0xffff;
	v9 =	vor.u32 v24, v7  }
0x96: {  	v55 =	vld.idx.msk [tilespmem:v63+s12+$0x0], $0xffff;
	v63 =	vor.u32 v25, v7  }
0x97: {  	v1 =	vor.u32 v14, v61;
	v57 =	vld.idx.msk [tilespmem:v10+s12+$0x0], $0xffff  }
0x98: {  	v54 =	vld.idx.msk [tilespmem:v11+s11+$0x0], $0xffff;
	v10 =	vor.u32 v62, v7  }
0x99: {  	v11 =	vor.u32 v62, v61;
	v53 =	vld.idx.msk [tilespmem:v8+s12+$0x0], $0xffff  }
0x9a: {  	v8 =	vld.idx.msk [tilespmem:v9+s11+$0x0], $0xffff;
	v9 =	vor.u32 v25, v61  }
0x9b: {  	v34 =	vld.idx.msk [tilespmem:v63+s11+$0x0], $0xffff;
	v63 =	vor.u32 v26, v61  }
0x9c: {  	v6 =	vld.idx.msk [tilespmem:v1+s12+$0x0], $0xffff  }
0x9d: {  	v1 =	vld.idx.msk [tilespmem:v10+s11+$0x0], $0xffff  }
0x9e: {  	v10 =	vld.idx.msk [tilespmem:v11+s12+$0x0], $0xffff;
	v11 =	vor.u32 v26, v7  }
0x9f: {  	[tilespmem:$0x1FD00] =	vst v8;
	v8 =	vld.idx.msk [tilespmem:v9+s12+$0x0], $0xffff  }
0xa0: {  	v63 =	vld.idx.msk [tilespmem:v63+s12+$0x0], $0xffff  }
0xa1: {  	v9 =	vor.u32 v27, v7;
	_ =	sdelay $0x1  }
0xa2: {  	[tilespmem:$0x1FD30] =	vst v10;
	v10 =	vld.idx.msk [tilespmem:v11+s11+$0x0], $0xffff;
	v11 =	vor.u32 v37, v61  }
0xa3: {  	[tilespmem:$0x1FD50] =	vst v8;
	v8 =	vor.u32 v28, v7  }
0xa4: {  	[tilespmem:$0x1FD90] =	vst v63;
	v63 =	vor.u32 v38, v7  }
0xa5: {  	v0 =	vor.u32 v14, v7;
	v9 =	vld.idx.msk [tilespmem:v9+s11+$0x0], $0xffff  }
0xa6: {  	[tilespmem:$0x1FD20] =	vst v1;
	v1 =	vor.u32 v36, v61  }
0xa7: {  	v3 =	vor.u32 v15, v61;
	[tilespmem:$0x1FD80] =	vst v10;
	v10 =	vld.idx.msk [tilespmem:v11+s12+$0x0], $0xffff  }
0xa8: {  	v33 =	vor.u32 v16, v7;
	v11 =	vld.idx.msk [tilespmem:v8+s11+$0x0], $0xffff  }
0xa9: {  	v8 =	vor.u32 v38, v61;
	v63 =	vld.idx.msk [tilespmem:v63+s11+$0x0], $0xffff  }
0xaa: {  	v5 =	vld.idx.msk [tilespmem:v0+s11+$0x0], $0xffff;
	[tilespmem:$0x1FDA0] =	vst v9;
	v9 =	vor.u32 v31, v7  }
0xab: {  	v1 =	vld.idx.msk [tilespmem:v1+s12+$0x0], $0xffff  }
0xac: {  	v35 =	vor.u32 v23, v7;
	v60 =	vld.idx.msk [tilespmem:v3+s12+$0x0], $0xffff  }
0xad: {  	v49 =	vld.idx.msk [tilespmem:v33+s11+$0x0], $0xffff;
	v0 =	vor.u32 v24, v61  }
0xae: {  	v33 =	vor.u32 v28, v61;
	[tilespmem:$0x1FE20] =	vst v63;
	v63 =	vld.idx.msk [tilespmem:v8+s12+$0x0], $0xffff  }
0xaf: {  	v3 =	vmov v28;
	v28 =	vmov v37;
	v8 =	vor.u32 v32, v7;
	v9 =	vld.idx.msk [tilespmem:v9+s11+$0x0], $0xffff  }
0xb0: {  	[tilespmem:$0x1FD70] =	vst v1;
	v1 =	vor.u32 v37, v7;
	v37 =	vmovc v25;
	v25 =	vmov v62;
	v62 =	vor.u32 v29, v61  }
0xb1: {  	v52 =	vld.idx.msk [tilespmem:v35+s11+$0x0], $0xffff  }
0xb2: {  	v0 =	vld.idx.msk [tilespmem:v0+s12+$0x0], $0xffff  }
0xb3: {  	v35 =	vor.u32 v39, v7;
	v33 =	vld.idx.msk [tilespmem:v33+s12+$0x0], $0xffff;
	[tilespmem:$0x1FD40] =	vst v34  }
0xb4: {  	[tilespmem:$0x1FE30] =	vst v9;
	v9 =	vor.u32 v32, v61;
	v8 =	vld.idx.msk [tilespmem:v8+s11+$0x0], $0xffff  }
0xb5: {  	[tilespmem:$0x1FDE0] =	vst v11;
	v34 =	vld.idx.msk [tilespmem:v62+s12+$0x0], $0xffff;
	v11 =	vor.u32 v39, v61;
	_ =	sdelay $0x1  }
0xb6: {  	[tilespmem:$0x1FD10] =	vst v0;
	v0 =	vor.u32 v36, v7  }
0xb7: {  	v12 =	vor.u32 v40, v7;
	[tilespmem:$0x1FDF0] =	vst v33;
	v33 =	vld.idx.msk [tilespmem:v35+s11+$0x0], $0xffff  }
0xb8: {  	[tilespmem:$0x1FE60] =	vst v8;
	v8 =	vor.u32 v18, v61;
	v9 =	vld.idx.msk [tilespmem:v9+s12+$0x0], $0xffff  }
0xb9: {  	v62 =	vor.u32 v40, v61;
	[tilespmem:$0x1FE10] =	vst v34;
	v34 =	vld.idx.msk [tilespmem:v11+s12+$0x0], $0xffff;
	_ =	sdelay $0x1  }
0xba: {  	v35 =	vor.u32 v18, v7;
	v0 =	vld.idx.msk [tilespmem:v0+s11+$0x0], $0xffff  }
0xbb: {  	[tilespmem:$0x1FE40] =	vst v33;
	v33 =	vld.idx.msk [tilespmem:v12+s11+$0x0], $0xffff  }
0xbc: {  	[tilespmem:$0x1FE70] =	vst v9;
	v9 =	vor.u32 v21, v7;
	v8 =	vld.idx.msk [tilespmem:v8+s12+$0x0], $0xffff  }
0xbd: {  	[tilespmem:$0x1FE50] =	vst v34;
	v34 =	vld.idx.msk [tilespmem:v62+s12+$0x0], $0xffff;
	v62 =	vor.u32 v22, v7  }
0xbe: {  	v11 =	vor.u32 v22, v61  }
0xbf: {  	v12 =	vor.u32 v21, v61;
	v35 =	vld.idx.msk [tilespmem:v35+s11+$0x0], $0xffff;
	[tilespmem:$0x1FD60] =	vst v0  }
0xc0: {  	v0 =	vor.u32 v27, v61;
	[tilespmem:$0x1FE80] =	vst v33  }
0xc1: {  	[tilespmem:$0x1FEB0] =	vst v8;
	v8 =	vor.u32 v30, v7;
	v33 =	vld.idx.msk [tilespmem:v9+s11+$0x0], $0xffff  }
0xc2: {  	v2 =	vor.u32 v15, v7;
	v62 =	vld.idx.msk [tilespmem:v62+s11+$0x0], $0xffff  }
0xc3: {  	v11 =	vld.idx.msk [tilespmem:v11+s12+$0x0], $0xffff;
	[tilespmem:$0x1FE90] =	vst v34;
	v34 =	vor.u32 v30, v61  }
0xc4: {  	[tilespmem:$0x1FEA0] =	vst v35;
	v35 =	vld.idx.msk [tilespmem:v12+s12+$0x0], $0xffff;
	v12 =	vor.u32 v41, v7  }
0xc5: {  	v0 =	vld.idx.msk [tilespmem:v0+s12+$0x0], $0xffff;
	v9 =	vor.u32 v43, v7  }
0xc6: {  	[tilespmem:$0x1FEC0] =	vst v33;
	v33 =	vld.idx.msk [tilespmem:v8+s11+$0x0], $0xffff;
	v8 =	vor.u32 v42, v61  }
0xc7: {  	v4 =	vld.idx.msk [tilespmem:v2+s11+$0x0], $0xffff;
	[tilespmem:$0x1FEE0] =	vst v62;
	v62 =	vor.u32 v41, v61  }
0xc8: {  	(v2sf) =	vpush v50, $0x8;
	[tilespmem:$0x1FEF0] =	vst v11;
	v11 =	vor.u32 v42, v7;
	v34 =	vld.idx.msk [tilespmem:v34+s12+$0x0], $0xffff  }
0xc9: {  	v59 =	vor.u32 v16, v61;
	[tilespmem:$0x1FED0] =	vst v35;
	v35 =	vld.idx.msk [tilespmem:v12+s11+$0x0], $0xffff  }
0xca: {  	[tilespmem:$0x1FDD0] =	vst v10;
	v9 =	vld.idx.msk [tilespmem:v9+s11+$0x0], $0xffff  }
0xcb: {  	v10 =	vor.u32 v31, v61;
	[tilespmem:$0x1FDB0] =	vst v0;
	v8 =	vld.idx.msk [tilespmem:v8+s12+$0x0], $0xffff  }
0xcc: {  	(v2sf) =	vpush v47, $0x8;
	v12 =	vor.u32 v43, v61;
	[tilespmem:$0x1FF00] =	vst v33;
	v33 =	vld.idx.msk [tilespmem:v62+s12+$0x0], $0xffff  }
0xcd: {  	[tilespmem:$0x1FF10] =	vst v34;
	v34 =	vld.idx.msk [tilespmem:v11+s11+$0x0], $0xffff;
	v62 =	vor.u32 v44, v7  }
0xce: {  	v59 =	vld.idx.msk [tilespmem:v59+s12+$0x0], $0xffff;
	[tilespmem:$0x1FF20] =	vst v35;
	v35 =	vor.u32 v44, v61  }
0xcf: {  	v1 =	vld.idx.msk [tilespmem:v1+s11+$0x0], $0xffff;
	v0 =	vor.u32 v29, v7;
	[tilespmem:$0x1FF60] =	vst v9  }
0xd0: {  	(v2sf) =	vpush v50, $0x9;
	v10 =	vld.idx.msk [tilespmem:v10+s12+$0x0], $0xffff;
	[tilespmem:$0x1FF50] =	vst v8;
	v8 =	vor.u32 v45, v7  }
0xd1: {  	v9 =	vor.u32 v45, v61;
	[tilespmem:$0x1FF30] =	vst v33;
	v33 =	vld.idx.msk [tilespmem:v12+s12+$0x0], $0xffff  }
0xd2: {  	[tilespmem:$0x1FF40] =	vst v34;
	v12 =	vor.u32 v46, v7;
	v34 =	vld.idx.msk [tilespmem:v62+s11+$0x0], $0xffff  }
0xd3: {  	v35 =	vld.idx.msk [tilespmem:v35+s12+$0x0], $0xffff;
	v62 =	vor.u32 v46, v61  }
0xd4: {  	(v2sf) =	vpush v47, $0x9;
	v0 =	vld.idx.msk [tilespmem:v0+s11+$0x0], $0xffff;
	v7 =	vor.u32 v48, v7  }
0xd5: {  	v11 =	vld.idx.msk [tilespmem:v8+s11+$0x0], $0xffff;
	v8 =	vor.u32 v48, v61  }
0xd6: {  	[tilespmem:$0x1FF70] =	vst v33;
	v33 =	vld.idx.msk [tilespmem:v9+s12+$0x0], $0xffff  }
0xd7: {  	s7 =	spop (v2sf);
	[tilespmem:$0x1FF80] =	vst v34;
	v34 =	vld.idx.msk [tilespmem:v12+s11+$0x0], $0xffff  }
0xd8: {  	(v2sf) =	vpush v50, $0xA;
	s7 =	sand.u32 $0xFFFFF80, s7;
	[tilespmem:$0x1FF90] =	vst v35;
	v35 =	vld.idx.msk [tilespmem:v62+s12+$0x0], $0xffff  }
0xd9: {  	s7 =	sadd.s32 s1, s7;
	v61 =	vld.idx.msk [tilespmem:v7+s11+$0x0], $0xffff  }
0xda: {  	v62 =	vld.idx.msk [tilespmem:v8+s12+$0x0], $0xffff;
	[tilespmem:s11], [sflag:$0x1] =	stream.strided.gather [hbm4b:s7+s11], $0x1000, s9, s11, $0x38  }
0xdb: {  	s7 =	spop (v2sf)  }
0xdc: {  	(v2sf) =	vpush v47, $0xA;
	s7 =	sand.u32 $0xFFFFF80, s7  }
0xdd: {  	s7 =	sadd.s32 s2, s7  }
0xde: {  	[tilespmem:s12], [sflag:$0x2] =	stream.strided.gather [hbm4b:s7+s11], $0x1000, s9, s11, $0x38;
	[tilespmem:$0x10680] =	vst v63  }
0xdf: {  	s7 =	spop (v2sf)  }
0xe0: {  	(v2sf) =	vpush v50, $0xB;
	s7 =	sand.u32 $0xFFFFF80, s7  }
0xe1: {  	s7 =	sadd.s32 s1, s7  }
0xe2: {  	[tilespmem:s13], [sflag:$0x1] =	stream.strided.gather [hbm4b:s7+s11], $0x1000, s9, s11, $0x38;
	[tilespmem:$0x10680] =	vst v63  }
0xe3: {  	s7 =	spop (v2sf)  }
0xe4: {  	(v2sf) =	vpush v47, $0xB;
	s7 =	sand.u32 $0xFFFFF80, s7  }
0xe5: {  	s7 =	sadd.s32 s2, s7  }
0xe6: {  	[tilespmem:s14], [sflag:$0x2] =	stream.strided.gather [hbm4b:s7+s11], $0x1000, s9, s11, $0x38;
	[tilespmem:$0x10680] =	vst v63  }
0xe7: {  	s7 =	spop (v2sf)  }
0xe8: {  	(v2sf) =	vpush v50, $0xC;
	s7 =	sand.u32 $0xFFFFF80, s7  }
0xe9: {  	s7 =	sadd.s32 s1, s7  }
0xea: {  	[tilespmem:s15], [sflag:$0x1] =	stream.strided.gather [hbm4b:s7+s11], $0x1000, s9, s11, $0x38;
	[tilespmem:$0x10680] =	vst v63  }
0xeb: {  	s7 =	spop (v2sf)  }
0xec: {  	(v2sf) =	vpush v47, $0xC;
	s7 =	sand.u32 $0xFFFFF80, s7  }
0xed: {  	s7 =	sadd.s32 s2, s7  }
0xee: {  	[tilespmem:s16], [sflag:$0x2] =	stream.strided.gather [hbm4b:s7+s11], $0x1000, s9, s11, $0x38;
	[tilespmem:$0x10680] =	vst v63  }
0xef: {  	s7 =	spop (v2sf)  }
0xf0: {  	(v2sf) =	vpush v50, $0xD;
	s7 =	sand.u32 $0xFFFFF80, s7  }
0xf1: {  	s7 =	sadd.s32 s1, s7  }
0xf2: {  	[tilespmem:s17], [sflag:$0x1] =	stream.strided.gather [hbm4b:s7+s11], $0x1000, s9, s11, $0x38;
	[tilespmem:$0x10680] =	vst v63  }
0xf3: {  	s7 =	spop (v2sf)  }
0xf4: {  	(v2sf) =	vpush v47, $0xD;
	s7 =	sand.u32 $0xFFFFF80, s7  }
0xf5: {  	s7 =	sadd.s32 s2, s7  }
0xf6: {  	[tilespmem:s18], [sflag:$0x2] =	stream.strided.gather [hbm4b:s7+s11], $0x1000, s9, s11, $0x38;
	[tilespmem:$0x10680] =	vst v63  }
0xf7: {  	s7 =	spop (v2sf)  }
0xf8: {  	(v2sf) =	vpush v50, $0xE;
	s7 =	sand.u32 $0xFFFFF80, s7  }
0xf9: {  	s7 =	sadd.s32 s1, s7  }
0xfa: {  	[tilespmem:s19], [sflag:$0x1] =	stream.strided.gather [hbm4b:s7+s11], $0x1000, s9, s11, $0x38;
	[tilespmem:$0x10680] =	vst v63  }
0xfb: {  	s7 =	spop (v2sf)  }
0xfc: {  	(v2sf) =	vpush v47, $0xE;
	s7 =	sand.u32 $0xFFFFF80, s7  }
0xfd: {  	s7 =	sadd.s32 s2, s7  }
0xfe: {  	[tilespmem:s20], [sflag:$0x2] =	stream.strided.gather [hbm4b:s7+s11], $0x1000, s9, s11, $0x38;
	[tilespmem:$0x10680] =	vst v63  }
0xff: {  	s7 =	spop (v2sf)  }
0x100: {  	(v2sf) =	vpush v50, $0xF;
	s7 =	sand.u32 $0xFFFFF80, s7  }
0x101: {  	s7 =	sadd.s32 s1, s7  }
0x102: {  	[tilespmem:s21], [sflag:$0x1] =	stream.strided.gather [hbm4b:s7+s11], $0x1000, s9, s11, $0x38;
	[tilespmem:$0x10680] =	vst v63  }
0x103: {  	s7 =	spop (v2sf)  }
0x104: {  	(v2sf) =	vpush v47, $0xF;
	s7 =	sand.u32 $0xFFFFF80, s7  }
0x105: {  	s7 =	sadd.s32 s2, s7  }
0x106: {  	[tilespmem:s22], [sflag:$0x2] =	stream.strided.gather [hbm4b:s7+s11], $0x1000, s9, s11, $0x38;
	[tilespmem:$0x10680] =	vst v63  }
0x107: {  	s7 =	spop (v2sf)  }
0x108: {  	s7 =	sand.u32 $0xFFFFF80, s7  }
0x109: {  	s7 =	sadd.s32 s1, s7  }
0x10a: {  	[tilespmem:s23], [sflag:$0x1] =	stream.strided.gather [hbm4b:s7+s11], $0x1000, s9, s11, $0x38;
	[tilespmem:$0x10680] =	vst v63  }
0x10b: {  	s7 =	spop (v2sf)  }
0x10c: {  	[tilespmem:$0x1FDC0] =	vst v1;
	s7 =	sand.u32 $0xFFFFF80, s7  }
0x10d: {  	[tilespmem:$0x1FE00] =	vst v0;
	s7 =	sadd.s32 s2, s7  }
0x10e: {  	[tilespmem:s24], [sflag:$0x2] =	stream.strided.gather [hbm4b:s7+s11], $0x1000, s9, s11, $0x38;
	[tilespmem:$0x10680] =	vst v63  }
0x10f: {  	[tilespmem:$0x1FFA0] =	vst v11;
	s7 =	spop (v2sf)  }
0x110: {  	[tilespmem:$0x1FFB0] =	vst v33;
	s7 =	sand.u32 $0xFFFFF80, s7  }
0x111: {  	[tilespmem:$0x1FFC0] =	vst v34;
	s7 =	sadd.s32 s1, s7  }
0x112: {  	[tilespmem:s25], [sflag:$0x1] =	stream.strided.gather [hbm4b:s7+s11], $0x1000, s9, s11, $0x38;
	[tilespmem:$0x10680] =	vst v63  }
0x113: {  	[tilespmem:$0x1FFD0] =	vst v35;
	s7 =	spop (v2sf)  }
0x114: {  	[tilespmem:$0x1FFE0] =	vst v61;
	s7 =	sand.u32 $0xFFFFF80, s7  }
0x115: {  	[tilespmem:$0x1FFF0] =	vst v62;
	s7 =	sadd.s32 s2, s7  }
0x116: {  	[tilespmem:s26], [sflag:$0x2] =	stream.strided.gather [hbm4b:s7+s11], $0x1000, s9, s11, $0x38;
	[tilespmem:$0x10680] =	vst v63  }
0x117: {  	_ =	swait.ge [sflag:s28], $0x1000  }
0x118: {  	[sflag:s28] =	ssyncset.done $0x0  }
0x119: {  	[sflag:s28] =	ssyncadd.s32 $0xFFFFF000  }
0x11a: {  	_ =	swait.ge [sflag:s29], $0x1000  }
0x11b: {  	[sflag:s29] =	ssyncset.done $0x0  }
0x11c: {  	[sflag:s29] =	ssyncadd.s32 $0xFFFFF000  }
0x11d: {  	_ =	swait.ge [sflag:s28], $0x1000  }
0x11e: {  	[sflag:s28] =	ssyncset.done $0x0  }
0x11f: {  	[sflag:s28] =	ssyncadd.s32 $0xFFFFF000  }
0x120: {  	_ =	swait.ge [sflag:s29], $0x1000  }
0x121: {  	[sflag:s29] =	ssyncset.done $0x0  }
0x122: {  	[sflag:s29] =	ssyncadd.s32 $0xFFFFF000  }
0x123: {  	_ =	swait.ge [sflag:s28], $0x1000  }
0x124: {  	[sflag:s28] =	ssyncset.done $0x0  }
0x125: {  	[sflag:s28] =	ssyncadd.s32 $0xFFFFF000  }
0x126: {  	_ =	swait.ge [sflag:s29], $0x1000  }
0x127: {  	[sflag:s29] =	ssyncset.done $0x0  }
0x128: {  	[sflag:s29] =	ssyncadd.s32 $0xFFFFF000  }
0x129: {  	_ =	swait.ge [sflag:s28], $0x1000  }
0x12a: {  	[sflag:s28] =	ssyncset.done $0x0  }
0x12b: {  	[sflag:s28] =	ssyncadd.s32 $0xFFFFF000  }
0x12c: {  	_ =	swait.ge [sflag:s29], $0x1000  }
0x12d: {  	[sflag:s29] =	ssyncset.done $0x0  }
0x12e: {  	[sflag:s29] =	ssyncadd.s32 $0xFFFFF000  }
0x12f: {  	_ =	swait.ge [sflag:s28], $0x1000  }
0x130: {  	[sflag:s28] =	ssyncset.done $0x0  }
0x131: {  	[sflag:s28] =	ssyncadd.s32 $0xFFFFF000  }
0x132: {  	_ =	swait.ge [sflag:s29], $0x1000  }
0x133: {  	[sflag:s29] =	ssyncset.done $0x0  }
0x134: {  	[sflag:s29] =	ssyncadd.s32 $0xFFFFF000  }
0x135: {  	_ =	swait.ge [sflag:s28], $0x1000  }
0x136: {  	[sflag:s28] =	ssyncset.done $0x0  }
0x137: {  	[sflag:s28] =	ssyncadd.s32 $0xFFFFF000  }
0x138: {  	_ =	swait.ge [sflag:s29], $0x1000  }
0x139: {  	[sflag:s29] =	ssyncset.done $0x0  }
0x13a: {  	[sflag:s29] =	ssyncadd.s32 $0xFFFFF000  }
0x13b: {  	_ =	swait.ge [sflag:s28], $0x1000  }
0x13c: {  	[sflag:s28] =	ssyncset.done $0x0  }
0x13d: {  	[sflag:s28] =	ssyncadd.s32 $0xFFFFF000  }
0x13e: {  	_ =	swait.ge [sflag:s29], $0x1000  }
0x13f: {  	[sflag:s29] =	ssyncset.done $0x0  }
0x140: {  	[sflag:s29] =	ssyncadd.s32 $0xFFFFF000  }
0x141: {  	_ =	swait.ge [sflag:s28], $0x1000  }
0x142: {  	v0 =	vor.u32 s3, v13;
	[sflag:s28] =	ssyncset.done $0x0  }
0x143: {  	[sflag:s28] =	ssyncadd.s32 $0xFFFFF000  }
0x144: {  	_ =	swait.ge [sflag:s29], $0x1000  }
0x145: {  	[sflag:s29] =	ssyncset.done $0x0  }
0x146: {  	[sflag:s29] =	ssyncadd.s32 $0xFFFFF000  }
0x147: {  	v1 =	vld.idx.msk [tilespmem:v0+s4+$0x0], $0xffff  }
0x148: {  	v7 =	vld.idx.msk [tilespmem:v0+s30+$0x0], $0xffff;
	_ =	sdelay $0x3  }
0x149: {  	v50 =	vand.u32 $0x7F, v1  }
0x14a: {  	v47 =	vand.u32 $0x7F, v7;
	v2 =	vor.u32 v14, v50  }
0x14b: {  	v33 =	vor.u32 v14, v47  }
0x14c: {  	v34 =	vor.u32 v15, v50  }
0x14d: {  	v35 =	vor.u32 v15, v47  }
0x14e: {  	v12 =	vor.u32 v16, v50  }
0x14f: {  	v61 =	vor.u32 v16, v47;
	v7 =	vld.idx.msk [tilespmem:v2+s11+$0x0], $0xffff  }
0x150: {  	v0 =	vor.u32 v17, v47;
	v8 =	vld.idx.msk [tilespmem:v33+s12+$0x0], $0xffff  }
0x151: {  	v62 =	vor.u32 v17, v50;
	v9 =	vld.idx.msk [tilespmem:v34+s11+$0x0], $0xffff  }
0x152: {  	v1 =	vor.u32 v20, v50;
	v11 =	vld.idx.msk [tilespmem:v35+s12+$0x0], $0xffff  }
0x153: {  	v5 =	vmul.f32 v6, v5;
	v33 =	vmov v13;
	v13 =	vor.u32 v19, v50;
	v12 =	vld.idx.msk [tilespmem:v12+s11+$0x0], $0xffff  }
0x154: {  	v4 =	vmul.f32 v60, v4;
	v35 =	vmov v14;
	v14 =	vor.u32 v19, v47;
	v61 =	vld.idx.msk [tilespmem:v61+s12+$0x0], $0xffff  }
0x155: {  	v60 =	vmul.f32 v59, v49;
	v51 =	vmul.f32 v51, v58;
	v5 =	vadd.f32 $0.0e+00, v5;
	v0 =	vld.idx.msk [tilespmem:v0+s12+$0x0], $0xffff  }
0x156: {  	v34 =	vmovc v17;
	v17 =	vmov v19;
	v7 =	vmul.f32 v8, v7;
	v8 =	vld.idx.msk [tilespmem:v62+s11+$0x0], $0xffff;
	v62 =	vor.u32 v20, v47  }
0x157: {  	v19 =	vmovc v15;
	v15 =	vor.u32 v23, v50;
	v2 =	vmovc v40;
	v40 =	vmov v32;
	v32 =	vmov v39;
	v1 =	vld.idx.msk [tilespmem:v1+s11+$0x0], $0xffff  }
0x158: {  	v39 =	vmovc v31;
	v31 =	vmovc v38;
	v38 =	vmov v27;
	v9 =	vmul.f32 v11, v9;
	v11 =	vld.idx.msk [tilespmem:v13+s11+$0x0], $0xffff;
	v7 =	vadd.f32 $0.0e+00, v7  }
0x159: {  	v27 =	vmovc v26;
	v26 =	vmovc v36;
	v36 =	vmov v23;
	v13 =	vor.u32 v23, v47;
	v14 =	vld.idx.msk [tilespmem:v14+s12+$0x0], $0xffff;
	v23 =	vmov v20  }
0x15a: {  	v20 =	vmovc v16;
	v16 =	vor.u32 v24, v50;
	v7 =	vadd.f32 v9, v7;
	v9 =	vmul.f32 v61, v12  }
0x15b: {  	v4 =	vadd.f32 v4, v5;
	v12 =	vor.u32 v24, v47;
	v6 =	vld.idx.msk [tilespmem:v62+s12+$0x0], $0xffff;
	v62 =	vmov v25  }
0x15c: {  	v25 =	vmovc v37;
	v0 =	vmul.f32 v0, v8;
	v61 =	vor.u32 v62, v50;
	v7 =	vadd.f32 v9, v7  }
0x15d: {  	v37 =	vmovc v28;
	v28 =	vmov v3;
	v8 =	vld.idx.msk [tilespmem:v15+s11+$0x0], $0xffff;
	v3 =	vadd.f32 v60, v4;
	v9 =	vor.u32 v62, v47  }
0x15e: {  	v13 =	vld.idx.msk [tilespmem:v13+s12+$0x0], $0xffff;
	v15 =	vor.u32 v25, v50;
	v0 =	vadd.f32 v0, v7;
	v7 =	vmul.f32 v14, v11  }
0x15f: {  	v11 =	vld.idx.msk [tilespmem:v16+s11+$0x0], $0xffff;
	v16 =	vmovc v20;
	v20 =	vmovc v23;
	v23 =	vmov v36;
	v36 =	vmov v26;
	v14 =	vor.u32 v25, v47  }
0x160: {  	v26 =	vmovc v27;
	v27 =	vmov v38;
	v38 =	vmov v31;
	v49 =	vld.idx.msk [tilespmem:v12+s12+$0x0], $0xffff;
	v12 =	vor.u32 v36, v50  }
0x161: {  	v31 =	vmovc v39;
	v39 =	vmov v32;
	v58 =	vor.u32 v26, v50;
	v1 =	vmul.f32 v6, v1;
	v6 =	vld.idx.msk [tilespmem:v61+s11+$0x0], $0xffff  }
0x162: {  	v32 =	vmovc v40;
	v40 =	vmov v2;
	v2 =	vadd.f32 v51, v3;
	v51 =	vor.u32 v27, v47;
	v4 =	vld.idx.msk [tilespmem:v9+s12+$0x0], $0xffff  }
0x163: {  	v0 =	vadd.f32 v7, v0;
	v7 =	vor.u32 v36, v47;
	v60 =	vld.idx.msk [tilespmem:v15+s11+$0x0], $0xffff  }
0x164: {  	v59 =	vmul.f32 v13, v8;
	v13 =	vor.u32 v26, v47;
	v14 =	vld.idx.msk [tilespmem:v14+s12+$0x0], $0xffff  }
0x165: {  	v5 =	vld.idx.msk [tilespmem:v12+s11+$0x0], $0xffff  }
0x166: {  	v61 =	vmul.f32 v57, v56;
	v15 =	vor.u32 v27, v50;
	v56 =	vld.idx.msk [tilespmem:v58+s11+$0x0], $0xffff  }
0x167: {  	v0 =	vadd.f32 v1, v0;
	v49 =	vmul.f32 v49, v11;
	v11 =	vld.idx.msk [tilespmem:v51+s12+$0x0], $0xffff  }
0x168: {  	v54 =	vmul.f32 v55, v54;
	v2 =	vadd.f32 v61, v2;
	v7 =	vld.idx.msk [tilespmem:v7+s12+$0x0], $0xffff  }
0x169: {  	v57 =	vor.u32 v37, v47;
	v0 =	vadd.f32 v59, v0;
	v59 =	vld.idx.msk [tilespmem:v13+s12+$0x0], $0xffff  }
0x16a: {  	v2 =	vadd.f32 v54, v2;
	v54 =	vld [tilespmem:$0x1FD20]  }
0x16b: {  	v12 =	vor.u32 v37, v50;
	v61 =	vld.idx.msk [tilespmem:v15+s11+$0x0], $0xffff  }
0x16c: {  	v0 =	vadd.f32 v49, v0;
	v49 =	vld [tilespmem:$0x1FD00]  }
0x16d: {  	v58 =	vmul.f32 v53, v52;
	v13 =	vor.u32 v28, v50;
	v15 =	vld [tilespmem:$0x1FD10]  }
0x16e: {  	v55 =	vmul.f32 v4, v6;
	v6 =	vld.idx.msk [tilespmem:v57+s12+$0x0], $0xffff  }
0x16f: {  	v53 =	vor.u32 v29, v47;
	v2 =	vadd.f32 v58, v2;
	v58 =	vld [tilespmem:$0x1FD40]  }
0x170: {  	v52 =	vld.idx.msk [tilespmem:v12+s11+$0x0], $0xffff  }
0x171: {  	v57 =	vor.u32 v38, v47;
	v12 =	vld [tilespmem:$0x1FD30]  }
0x172: {  	v0 =	vadd.f32 v55, v0;
	v55 =	vmul.f32 v59, v56;
	v56 =	vld.idx.msk [tilespmem:v13+s11+$0x0], $0xffff  }
0x173: {  	v13 =	vld [tilespmem:$0x1FD50]  }
0x174: {  	v51 =	vmul.f32 v7, v5;
	v7 =	vld.idx.msk [tilespmem:v53+s12+$0x0], $0xffff;
	v3 =	vmul.f32 v15, v49;
	v15 =	vor.u32 v29, v50  }
0x175: {  	v49 =	vld [tilespmem:$0x1FD60]  }
0x176: {  	v60 =	vmul.f32 v14, v60;
	v14 =	vor.u32 v28, v47;
	v9 =	vld.idx.msk [tilespmem:v57+s12+$0x0], $0xffff  }
0x177: {  	v53 =	vor.u32 v39, v47;
	v57 =	vld [tilespmem:$0x1FDA0]  }
0x178: {  	v2 =	vadd.f32 v3, v2;
	v3 =	vmul.f32 v12, v54;
	v12 =	vor.u32 v38, v50;
	v54 =	vld [tilespmem:$0x1FD80]  }
0x179: {  	v0 =	vadd.f32 v60, v0;
	v60 =	vld.idx.msk [tilespmem:v15+s11+$0x0], $0xffff  }
0x17a: {  	v15 =	vld [tilespmem:$0x1FD70]  }
0x17b: {  	v2 =	vadd.f32 v3, v2;
	v3 =	vmul.f32 v13, v58;
	v13 =	vld.idx.msk [tilespmem:v14+s12+$0x0], $0xffff;
	v14 =	vor.u32 v31, v50  }
0x17c: {  	v0 =	vadd.f32 v51, v0;
	v51 =	vmul.f32 v6, v52;
	v6 =	vld.idx.msk [tilespmem:v53+s12+$0x0], $0xffff  }
0x17d: {  	v59 =	vmul.f32 v11, v61;
	v61 =	vor.u32 v31, v47;
	v52 =	vld.idx.msk [tilespmem:v12+s11+$0x0], $0xffff  }
0x17e: {  	v12 =	vld [tilespmem:$0x1FD90]  }
0x17f: {  	v53 =	vld [tilespmem:$0x1FDE0];
	v2 =	vadd.f32 v3, v2;
	v3 =	vmul.f32 v15, v49;
	v15 =	vor.u32 v39, v50  }
0x180: {  	v0 =	vadd.f32 v55, v0;
	v55 =	vmul.f32 v13, v56;
	v56 =	vld.idx.msk [tilespmem:v14+s11+$0x0], $0xffff  }
0x181: {  	v14 =	vld [tilespmem:$0x1FDB0]  }
0x182: {  	v11 =	vld.idx.msk [tilespmem:v61+s12+$0x0], $0xffff;
	v58 =	vmul.f32 v7, v60;
	v60 =	vor.u32 v40, v47  }
0x183: {  	v61 =	vld [tilespmem:$0x1FDC0];
	v2 =	vadd.f32 v3, v2;
	v3 =	vmul.f32 v12, v54;
	v12 =	vor.u32 v32, v50  }
0x184: {  	v0 =	vadd.f32 v59, v0;
	v59 =	vld.idx.msk [tilespmem:v15+s11+$0x0], $0xffff  }
0x185: {  	v49 =	vmul.f32 v9, v52;
	v52 =	vor.u32 v18, v47;
	v15 =	vld [tilespmem:$0x1FDD0]  }
0x186: {  	v2 =	vadd.f32 v3, v2;
	v3 =	vmul.f32 v14, v57;
	v14 =	vor.u32 v40, v50;
	v57 =	vld [tilespmem:$0x1FE00]  }
0x187: {  	v8 =	vld.idx.msk [tilespmem:v60+s12+$0x0], $0xffff  }
0x188: {  	v0 =	vadd.f32 v51, v0;
	v51 =	vld.idx.msk [tilespmem:v12+s11+$0x0], $0xffff  }
0x189: {  	v54 =	vmul.f32 v11, v56;
	v56 =	vor.u32 v21, v47;
	v12 =	vld [tilespmem:$0x1FDF0]  }
0x18a: {  	v60 =	vor.u32 v22, v47;
	v9 =	vld.idx.msk [tilespmem:v52+s12+$0x0], $0xffff  }
0x18b: {  	v13 =	vor.u32 v32, v47;
	v0 =	vadd.f32 v55, v0;
	v55 =	vld.idx.msk [tilespmem:v14+s11+$0x0], $0xffff  }
0x18c: {  	v2 =	vadd.f32 v3, v2;
	v3 =	vmul.f32 v15, v61;
	v15 =	vor.u32 v18, v50;
	v14 =	vld [tilespmem:$0x1FE10]  }
0x18d: {  	v61 =	vld [tilespmem:$0x1FE20]  }
0x18e: {  	v52 =	vld.idx.msk [tilespmem:v56+s12+$0x0], $0xffff;
	v56 =	vor.u32 v41, v47  }
0x18f: {  	v0 =	vadd.f32 v58, v0;
	v7 =	vld.idx.msk [tilespmem:v60+s12+$0x0], $0xffff  }
0x190: {  	v2 =	vadd.f32 v3, v2;
	v3 =	vmul.f32 v12, v53;
	v12 =	vld.idx.msk [tilespmem:v13+s12+$0x0], $0xffff;
	v13 =	vor.u32 v21, v50  }
0x191: {  	v0 =	vadd.f32 v49, v0;
	v58 =	vmul.f32 v6, v59;
	v59 =	vld.idx.msk [tilespmem:v15+s11+$0x0], $0xffff  }
0x192: {  	v2 =	vadd.f32 v3, v2;
	v3 =	vmul.f32 v14, v57;
	v57 =	vld [tilespmem:$0x1FE40]  }
0x193: {  	v0 =	vadd.f32 v54, v0;
	v14 =	vor.u32 v22, v50;
	v54 =	vmul.f32 v8, v55;
	v8 =	vld.idx.msk [tilespmem:v56+s12+$0x0], $0xffff  }
0x194: {  	v15 =	vor.u32 v30, v50;
	v2 =	vadd.f32 v3, v2;
	v3 =	vmul.f32 v63, v61;
	v61 =	vld [tilespmem:$0x1FE60]  }
0x195: {  	v49 =	vld.idx.msk [tilespmem:v13+s11+$0x0], $0xffff  }
0x196: {  	v60 =	vor.u32 v42, v47;
	v63 =	vmul.f32 v12, v51;
	v51 =	vld [tilespmem:$0x1FE30]  }
0x197: {  	v13 =	vld [tilespmem:$0x1FE50]  }
0x198: {  	v12 =	vor.u32 v30, v47;
	v55 =	vld.idx.msk [tilespmem:v14+s11+$0x0], $0xffff  }
0x199: {  	v0 =	vadd.f32 v58, v0;
	v53 =	vor.u32 v41, v50;
	v58 =	vmul.f32 v9, v59;
	v59 =	vld.idx.msk [tilespmem:v15+s11+$0x0], $0xffff  }
0x19a: {  	v14 =	vld [tilespmem:$0x1FE70]  }
0x19b: {  	v0 =	vadd.f32 v63, v0;
	v9 =	vld.idx.msk [tilespmem:v60+s12+$0x0], $0xffff  }
0x19c: {  	v15 =	vmov v19;
	v19 =	vmov v17;
	v17 =	vmov v34;
	v34 =	vld [tilespmem:$0x1FF40]  }
0x19d: {  	v2 =	vadd.f32 v3, v2;
	v0 =	vadd.f32 v54, v0;
	v12 =	vld.idx.msk [tilespmem:v12+s12+$0x0], $0xffff  }
0x19e: {  	v54 =	vor.u32 v44, v50;
	v3 =	vmul.f32 v10, v51;
	v63 =	vmul.f32 v52, v49;
	v49 =	vld.idx.msk [tilespmem:v53+s11+$0x0], $0xffff  }
0x19f: {  	v51 =	vor.u32 v43, v47;
	v52 =	vld [tilespmem:$0x1FE80]  }
0x1a0: {  	v53 =	vld [tilespmem:$0x1FE90];
	v2 =	vadd.f32 v3, v2;
	v3 =	vmul.f32 v13, v57  }
0x1a1: {  	v0 =	vadd.f32 v58, v0;
	v58 =	vld [tilespmem:$0x1FEA0]  }
0x1a2: {  	v13 =	vor.u32 v42, v50;
	v2 =	vadd.f32 v3, v2;
	v3 =	vmul.f32 v14, v61;
	v61 =	vld [tilespmem:$0x1FEC0]  }
0x1a3: {  	v5 =	vld.idx.msk [tilespmem:v54+s11+$0x0], $0xffff  }
0x1a4: {  	v57 =	vor.u32 v44, v47;
	v10 =	vld.idx.msk [tilespmem:v51+s12+$0x0], $0xffff  }
0x1a5: {  	v14 =	vor.u32 v43, v50;
	v51 =	vld [tilespmem:$0x1FEE0]  }
0x1a6: {  	v2 =	vadd.f32 v3, v2;
	v3 =	vmul.f32 v53, v52;
	v52 =	vld [tilespmem:$0x1FEF0]  }
0x1a7: {  	v55 =	vmul.f32 v7, v55;
	v0 =	vadd.f32 v63, v0;
	v56 =	vld.idx.msk [tilespmem:v13+s11+$0x0], $0xffff  }
0x1a8: {  	v13 =	vld [tilespmem:$0x1FEB0]  }
0x1a9: {  	v0 =	vadd.f32 v55, v0;
	v59 =	vmul.f32 v12, v59;
	v12 =	vor.u32 v45, v47;
	v7 =	vld.idx.msk [tilespmem:v57+s12+$0x0], $0xffff  }
0x1aa: {  	v63 =	vmul.f32 v8, v49;
	v49 =	vor.u32 v46, v47;
	v60 =	vld.idx.msk [tilespmem:v14+s11+$0x0], $0xffff  }
0x1ab: {  	v0 =	vadd.f32 v59, v0;
	v14 =	vld [tilespmem:$0x1FED0]  }
0x1ac: {  	v57 =	vld [tilespmem:$0x1FF00]  }
0x1ad: {  	v0 =	vadd.f32 v63, v0;
	v63 =	vld [tilespmem:$0x1FF30]  }
0x1ae: {  	v2 =	vadd.f32 v3, v2;
	v12 =	vld.idx.msk [tilespmem:v12+s12+$0x0], $0xffff;
	v3 =	vmul.f32 v13, v58  }
0x1af: {  	v8 =	vld.idx.msk [tilespmem:v49+s12+$0x0], $0xffff;
	v13 =	vor.u32 v45, v50  }
0x1b0: {  	v58 =	vld [tilespmem:$0x1FF10];
	v2 =	vadd.f32 v3, v2;
	v3 =	vmul.f32 v14, v61;
	v14 =	vor.u32 v46, v50  }
0x1b1: {  	v54 =	vmul.f32 v9, v56;
	v61 =	vld [tilespmem:$0x1FF20]  }
0x1b2: {  	v53 =	vor.u32 v48, v50;
	v50 =	vld [tilespmem:$0x1FF60]  }
0x1b3: {  	v0 =	vadd.f32 v54, v0;
	v54 =	vld [tilespmem:$0x1FF90]  }
0x1b4: {  	v56 =	vor.u32 v48, v47;
	v55 =	vld.idx.msk [tilespmem:v13+s11+$0x0], $0xffff  }
0x1b5: {  	v59 =	vmul.f32 v10, v60;
	v2 =	vadd.f32 v3, v2;
	v3 =	vmul.f32 v52, v51;
	v60 =	vld.idx.msk [tilespmem:v14+s11+$0x0], $0xffff  }
0x1b6: {  	v14 =	vmov v35;
	v35 =	vld [tilespmem:$0x1FF50]  }
0x1b7: {  	v51 =	vld [tilespmem:$0x1FF70];
	v2 =	vadd.f32 v3, v2;
	v3 =	vmul.f32 v58, v57  }
0x1b8: {  	v10 =	vmul.f32 v7, v5;
	v0 =	vadd.f32 v59, v0;
	v13 =	vmov v33;
	v33 =	vld.idx.msk [tilespmem:v53+s11+$0x0], $0xffff  }
0x1b9: {  	v47 =	vld.idx.msk [tilespmem:v56+s12+$0x0], $0xffff;
	v2 =	vadd.f32 v3, v2;
	v3 =	vmul.f32 v63, v61  }
0x1ba: {  	v53 =	vld [tilespmem:$0x1FF80];
	v0 =	vadd.f32 v10, v0;
	v49 =	vmul.f32 v12, v55  }
0x1bb: {  	v56 =	vld [tilespmem:$0x1FFA0];
	v2 =	vadd.f32 v3, v2;
	v3 =	vmul.f32 v35, v34  }
0x1bc: {  	v57 =	vld [tilespmem:$0x1FFB0];
	v0 =	vadd.f32 v49, v0  }
0x1bd: {  	v59 =	vld [tilespmem:$0x1FFC0];
	v52 =	vmul.f32 v8, v60;
	v2 =	vadd.f32 v3, v2;
	v3 =	vmul.f32 v51, v50  }
0x1be: {  	v55 =	vmul.f32 v47, v33;
	v60 =	vld [tilespmem:$0x1FFD0]  }
0x1bf: {  	v61 =	vld [tilespmem:$0x1FFE0];
	v0 =	vadd.f32 v52, v0;
	v2 =	vadd.f32 v3, v2;
	v3 =	vmul.f32 v54, v53  }
0x1c0: {  	v63 =	vld [tilespmem:$0x1FFF0]  }
0x1c1: {  	v0 =	vadd.f32 v55, v0;
	v2 =	vadd.f32 v3, v2;
	v3 =	vmul.f32 v57, v56;
	_ =	sdelay $0x1  }
0x1c2: {  	s7 =	rddreg [dreg:$0x6];
	[tilespmem:$0x10600] =	vst v0;
	v58 =	vadd.f32 v3, v2;
	v2 =	vmul.f32 v60, v59  }
0x1c3: {  	v0 =	vld.idx.msk [tilespmem:v13+s7+$0x0], $0xffff  }
0x1c4: {  	p0 =	sne.s32 s3, $0x1F8;
	v1 =	vadd.f32 v2, v58;
	v2 =	vmul.f32 v63, v61  }
.Ltmp0:
0x1c5: {  	_ = 	snop;
	(pc) =	sbr.rel @p0 .LBB2_2-.Ltmp0, $3  }
0x1c6: {  	v1 =	vadd.f32 v2, v1;
	_ =	sdelay $0x1  }
0x1c7: {  	s6 =	sadd.s32 $0x10, s6;
	v0 =	vsel vm0, v1, v0  }
0x1c8: {  	s5 =	sadd.s32 $0x10, s5;
	s3 =	sadd.s32 $0x10, s3;
	[tilespmem:s31+$0x0] =	vst v0;
	s31 =	sadd.s32 $0x10, s31  }
0x1c9: {  	s0 =	sadd.s32 $0x1, s0  }
0x1ca: {  	p0 =	sne.s32 s0, s8  }
.Ltmp1:
0x1cb: {  	s3 =	rddreg [dreg:$0x9];
	s5 =	simm.s32 $0x10400;
	(pc) =	sbr.rel @p0 .LBB2_1-.Ltmp1, $4  }
0x1cc: {  	[hbm4b:s3+s4] =	stream.linear.scatter [tilespmem:s5], [sflag:$0x3], $0x200, $0x38;
	[tilespmem:$0x10680] =	vst v63  }
0x1cd: {  	_ =	swait.ge [sflag:s10], $0x200  }
0x1ce: {  	[sflag:s10] =	ssyncset.done $0x0  }
0x1cf: {  	[sflag:s10] =	ssyncadd.s32 $0xFFFFFE00  }
0x1d0: {  	_ =	sfence.sel $0x180000  }
0x1d1: {  	[bflag:$0x0] =	sbarrier.arrive $0xFFFF  }
0x1d2: {  	_ =	strace $0x90000047  }
0x1d3: {  	s0 =	stileid.u32;
	[bflag:$0x2] =	sbarrier.arrive $0xFFFF  }
0x1d4: {  	p0 =	sne.s32 s0, $0x0;
	s0 =	rddreg [dreg:$0x5]  }
0x1d5: {  	s0 =	sadd.s32 @!p0 $0x100000, s0  }
0x1d6: {  	[sflag:s0] =	ssyncadd.tile.s32 @!p0 $0x1;
	_ =	shalt  }
.Lfunc_end2:
_tile_overlayer_lowered:
.L_overlay_start_2:
0x1d7: {  	(tag) =	ssettag $0x2  }
0x1d8: {  	s0 =	rddreg [dreg:$0x0];
	s2 =	stileid.u32  }
0x1d9: {  	s1 =	rddreg [dreg:$0x1];
	p0 =	sne.s32 s2, $0x0  }
0x1da: {  	s3 =	rddreg [dreg:$0x2];
	[bflag:$0x3] =	sbarrier.arrive $0xFFFF;
	s2 =	simm.s32 @!p0 $0x1C03  }
0x1db: {  	[timem:s3], [sflag:s2] =	dma.local @!p0 [hbm:s0], s1  }
0x1dc: {  	s0 =	simm.s32 @!p0 $0x3  }
0x1dd: {  	_ =	swait.ge @!p0 [sflag:s0], s1  }
0x1de: {  	s1 =	ssub.s32 @!p0 $0x0, s1;
	[sflag:s0] =	ssyncset.done @!p0 $0x0  }
0x1df: {  	[sflag:s0] =	ssyncadd.s32 @!p0 s1  }
0x1e0: {  	[bflag:$0x3] =	sbarrier.arrive $0xFFFF  }
0x1e1: {  	_ =	shalt  }

</sc_bundles>
